<compile_context>
chip_gen: v7x
topology: tpu7x:2x2x1
jax: 0.10.2.dev20260603
libtpu: 0.0.44.dev20260713+nightly
codegen_flags: <defaults>
</compile_context>

<pallas_src>
import functools

import jax
import jax.numpy as jnp
from jax import lax
from jax.experimental import pallas as pl
from jax.experimental.pallas import tpu as pltpu
from jax.experimental.pallas import tpu_sc as plsc

_B, _NP, _T, _F, _I = 8, 64, 8, 32, 100000
_N = _B * _NP
_BT = _B * _T
_H, _DH = 4, 8
_QW = _I // 4
_CB = 16384
_NCHUNK = (_I + _CB - 1) // _CB


def _dot(a, b):
    return lax.dot_general(a, b, (((1,), (1,)), ((), ())),
                           preferred_element_type=jnp.float32)


def _lin_ln_relu(h, w_ref, b_ref, g_ref, be_ref, ones_row):
    h2 = _dot(h.reshape(_BT * _NP, _F), w_ref[...]) + b_ref[...]
    sums = lax.dot_general(ones_row, h2, (((1,), (0,)), ((), ())),
                           preferred_element_type=jnp.float32)
    sqs = lax.dot_general(ones_row, h2 * h2, (((1,), (0,)), ((), ())),
                          preferred_element_type=jnp.float32)
    inv = 1.0 / (_BT * _NP)
    mu = sums * inv
    var = sqs * inv - mu * mu
    h2 = (h2 - mu) * lax.rsqrt(var + 1e-5) * g_ref[...] + be_ref[...]
    return jnp.maximum(h2, 0.0).reshape(_BT, _NP, _F)


def _front(ew_ref, x_ref, w1_ref, b1_ref, g1_ref, be1_ref,
           w2_ref, b2_ref, g2_ref, be2_ref, wq_ref, wk_ref, wv_ref,
           wagg_ref, wout_ref, len_ref, avb_ref):
    ew = ew_ref[...]
    x3 = jnp.transpose(x_ref[...], (1, 0)).reshape(_B, _NP, _F)
    xb = jnp.broadcast_to(x3[None], (_T, _B, _NP, _F)).reshape(_BT, _NP, _F)
    dn_gcn = (((1,), (1,)), ((0,), (0,)))
    ones_row = jnp.ones((1, _BT * _NP), jnp.float32)

    h = lax.dot_general(ew, xb, dn_gcn, preferred_element_type=jnp.float32)
    h = _lin_ln_relu(h, w1_ref, b1_ref, g1_ref, be1_ref, ones_row)
    h = lax.dot_general(ew, h, dn_gcn, preferred_element_type=jnp.float32)
    h = _lin_ln_relu(h, w2_ref, b2_ref, g2_ref, be2_ref, ones_row)

    scale = 1.0 / (_DH ** 0.5)
    hs = [h[t * _B:(t + 1) * _B].reshape(_N, _F) for t in range(_T)]
    qs = [_dot(ht, wq_ref[...]) * scale for ht in hs]
    ks = [_dot(ht, wk_ref[...]) for ht in hs]
    vs = [_dot(ht, wv_ref[...]) for ht in hs]

    rsel = (lax.broadcasted_iota(jnp.int32, (_F, _H), 0) // _DH
            == lax.broadcasted_iota(jnp.int32, (_F, _H), 1)).astype(jnp.float32)
    wsv = jnp.concatenate([wagg_ref[...], wout_ref[...]], axis=0)
    vall = jnp.concatenate(vs, axis=1)

    def _dnn(a, b):
        return lax.dot_general(a, b, (((1,), (0,)), ((), ())),
                               preferred_element_type=jnp.float32)

    shs = []
    for t in range(_T):
        nt = t + 1
        prods = jnp.concatenate([qs[t] * ks[tp] for tp in range(nt)], axis=0)
        s_all = _dnn(prods, rsel)
        sc = jnp.concatenate(
            [s_all[tp * _N:(tp + 1) * _N] for tp in range(nt)], axis=1)
        m = jnp.max(sc, axis=1, keepdims=True)
        e = jnp.exp(sc - m)
        jj = lax.broadcasted_iota(jnp.int32, (nt * _H, _H), 0)
        hh = lax.broadcasted_iota(jnp.int32, (nt * _H, _H), 1)
        msum = (jj % _H == hh).astype(jnp.float32)
        rec = 1.0 / _dnn(e, msum)
        mrec = (hh.T == (jj % _H).T).astype(jnp.float32)
        p = e * _dnn(rec, mrec)
        jc = lax.broadcasted_iota(jnp.int32, (nt * _H, nt * _F), 0)
        cc = lax.broadcasted_iota(jnp.int32, (nt * _H, nt * _F), 1)
        m3 = ((cc // _F == jc // _H)
              & ((cc % _F) // _DH == jc % _H)).astype(jnp.float32)
        pv = _dnn(p, m3) * vall[:, :nt * _F]
        o_t = pv[:, 0:_F]
        for tp in range(1, nt):
            o_t = o_t + pv[:, tp * _F:(tp + 1) * _F]
        sv = _dot(o_t, wsv)
        shs.append(sv[:, 0:1] * sv[:, 1:2])
    sh3 = jnp.concatenate(shs, axis=1).reshape(_B, _NP, _T)
    ti = lax.broadcasted_iota(jnp.int32, (_NP, _T), 1)
    for b in range(_B):
        tm = (ti < len_ref[b]).astype(jnp.float32)
        avb_ref[pl.ds(b * _NP, _NP)] = jnp.sum(sh3[b] * tm, axis=1)


def _tc_body(ew_ref, x_ref, w1_ref, b1_ref, g1_ref, be1_ref,
             w2_ref, b2_ref, g2_ref, be2_ref, wq_ref, wk_ref, wv_ref,
             wagg_ref, wout_ref, len_ref, emb_ref, gate_ref, bout_ref,
             avb_ref, base_ref, gflat_ref):
    bias = bout_ref[0]
    base_ref[...] = lax.dot_general(
        wout_ref[...].reshape(1, _F), emb_ref[...], (((1,), (0,)), ((), ())),
        preferred_element_type=jnp.float32).reshape(_CB) + bias
    gflat_ref[...] = gate_ref[...].reshape(_CB)

    @pl.when(pl.program_id(0) == 0)
    def _():
        _front(ew_ref, x_ref, w1_ref, b1_ref, g1_ref, be1_ref,
               w2_ref, b2_ref, g2_ref, be2_ref, wq_ref, wk_ref, wv_ref,
               wagg_ref, wout_ref, len_ref, avb_ref)
        avb_ref[...] = avb_ref[...] + bias


def _scatter_body(base_hbm, gate_hbm, avb_hbm, nodes_hbm, out_hbm,
                  buf, ids_v, avb_v, gg_v, sem, qsem):
    wid = lax.axis_index("s") * 2 + lax.axis_index("c")
    b = wid // 4
    qlo = (wid % 4) * _QW
    qcp = pltpu.async_copy(base_hbm.at[pl.ds(qlo, _QW)],
                           buf.at[pl.ds(0, _QW)], qsem)
    pltpu.sync_copy(nodes_hbm.at[pl.ds(b * _NP, _NP)], ids_v)
    pltpu.sync_copy(avb_hbm.at[pl.ds(b * _NP, _NP)], avb_v)
    pltpu.async_copy(gate_hbm.at[ids_v], gg_v, sem).wait()
    qcp.wait()
    lane = lax.iota(jnp.int32, 16)
    for j in range(_NP // 16):
        ids = ids_v[pl.ds(j * 16, 16)]
        gg = gg_v[pl.ds(j * 16, 16)]
        av = avb_v[pl.ds(j * 16, 16)]
        mask = (ids >= qlo) & (ids < qlo + _QW)
        loc = jnp.where(mask, ids - qlo, 0)
        bg = plsc.load_gather(buf, [loc])
        val = bg + gg * (av - bg)
        sloc = jnp.where(mask, ids - qlo, _QW + lane)
        plsc.store_scatter(buf, [sloc], val)
    pltpu.sync_copy(buf.at[pl.ds(0, _QW)],
                    out_hbm.at[pl.ds(b * _I + qlo, _QW)])


def _tc_call(nodes_feature, edges_weight, emb_table, gate,
             W1, b1, g1, be1, W2, b2, g2, be2, Wq, Wk, Wv, Wagg, Wout, bout,
             lengths):
    f32 = jnp.float32
    ew4 = edges_weight.reshape(_T, _B, _NP, _NP).reshape(_BT, _NP, _NP)
    xt = nodes_feature.T

    c0 = lambda i: (0, 0)
    c03 = lambda i: (0, 0, 0)
    vspec2 = pl.BlockSpec((_F, _F), c0)
    rspec = pl.BlockSpec((1, _F), c0)
    sspec = pl.BlockSpec(memory_space=pltpu.SMEM)

    avb, base, gflat = pl.pallas_call(
        _tc_body,
        grid=(_NCHUNK,),
        in_specs=[
            pl.BlockSpec((_BT, _NP, _NP), c03),
            pl.BlockSpec((_F, _N), c0),
            vspec2, rspec, rspec, rspec,
            vspec2, rspec, rspec, rspec,
            vspec2, vspec2, vspec2,
            rspec, rspec,
            sspec,
            pl.BlockSpec((_F, _CB), lambda i: (0, i)),
            pl.BlockSpec((1, _CB), lambda i: (0, i)),
            sspec,
        ],
        out_specs=[
            pl.BlockSpec((_N,), lambda i: (0,)),
            pl.BlockSpec((_CB,), lambda i: (i,)),
            pl.BlockSpec((_CB,), lambda i: (i,)),
        ],
        out_shape=[jax.ShapeDtypeStruct((_N,), f32),
                   jax.ShapeDtypeStruct((_I,), f32),
                   jax.ShapeDtypeStruct((_I,), f32)],
    )(ew4, xt, W1, b1.reshape(1, _F), g1.reshape(1, _F), be1.reshape(1, _F),
      W2, b2.reshape(1, _F), g2.reshape(1, _F), be2.reshape(1, _F),
      Wq, Wk, Wv, Wagg, Wout, lengths, emb_table.T, gate.reshape(1, _I),
      bout)
    return avb, base, gflat


def kernel(nodes_feature, edges_weight, users_frequency, emb_table, gate,
           W1, b1, g1, be1, W2, b2, g2, be2, Wq, Wk, Wv, Wagg, Wout, bout,
           lengths, nodes, edge_src, edge_dst):
    f32 = jnp.float32
    avb, base, gflat = _tc_call(nodes_feature, edges_weight, emb_table, gate,
                                W1, b1, g1, be1, W2, b2, g2, be2,
                                Wq, Wk, Wv, Wagg, Wout, bout, lengths)

    mesh = plsc.VectorSubcoreMesh(core_axis_name="c", subcore_axis_name="s",
                                  num_cores=2, num_subcores=16)
    scatter = functools.partial(
        pl.kernel,
        out_type=jax.ShapeDtypeStruct((_B * _I,), f32),
        mesh=mesh,
        compiler_params=pltpu.CompilerParams(needs_layout_passes=False),
        scratch_types=[
            pltpu.VMEM((_QW + 16,), f32),
            pltpu.VMEM((_NP,), jnp.int32),
            pltpu.VMEM((_NP,), f32),
            pltpu.VMEM((_NP,), f32),
            pltpu.SemaphoreType.DMA,
            pltpu.SemaphoreType.DMA,
        ],
    )(_scatter_body)
    out = scatter(base, gflat, avb, nodes)
    return out.reshape(_B, _I)

# --- scband reference (transcript-rebuilt; emitter-appended) ---
"""Pipeline reference for scband-dnntsp-10445360464244 (READ-ONLY COPY).

The authoritative reference and input builder live on the scoring server;
editing this copy changes nothing except your own understanding.
"""

import jax, jax.numpy as jnp
import numpy as np

B, NP, T, F, I = 8, 64, 8, 32, 100000
N = B * NP
E = B * NP * NP
H, DH = 4, 8


def setup_inputs(seed: int = 0):
    key = jax.random.key(seed)
    ks = jax.random.split(key, 16)
    rng = np.random.default_rng(0)
    nodes_feature = jax.random.normal(ks[0], (N, F), dtype=jnp.float32)
    edges_weight = jax.random.uniform(ks[1], (T, E), dtype=jnp.float32)
    lengths = jnp.asarray(rng.integers(1, T + 1, size=(B,)), dtype=jnp.int32)
    nodes = jnp.asarray(np.stack([rng.choice(I, size=NP, replace=False) for _ in range(B)]).reshape(-1), dtype=jnp.int32)
    users_frequency = jax.random.uniform(ks[2], (B, I), dtype=jnp.float32)
    base = np.arange(NP)
    src1 = np.repeat(base, NP)
    dst1 = np.tile(base, NP)
    off = (np.arange(B) * NP)[:, None]
    edge_src = jnp.asarray((src1[None, :] + off).reshape(-1), dtype=jnp.int32)
    edge_dst = jnp.asarray((dst1[None, :] + off).reshape(-1), dtype=jnp.int32)

    def lin(k, o, i):
        return (jax.random.normal(k, (o, i), dtype=jnp.float32) / np.sqrt(i)).astype(jnp.float32)

    return dict(
        nodes_feature=nodes_feature, edges_weight=edges_weight,
        users_frequency=users_frequency,
        emb_table=jax.random.normal(ks[3], (I, F), dtype=jnp.float32),
        gate=jax.random.uniform(ks[4], (I, 1), dtype=jnp.float32),
        W1=lin(ks[5], F, F), b1=jnp.zeros((F,), jnp.float32),
        g1=jnp.ones((F,), jnp.float32), be1=jnp.zeros((F,), jnp.float32),
        W2=lin(ks[6], F, F), b2=jnp.zeros((F,), jnp.float32),
        g2=jnp.ones((F,), jnp.float32), be2=jnp.zeros((F,), jnp.float32),
        Wq=lin(ks[7], F, F), Wk=lin(ks[8], F, F), Wv=lin(ks[9], F, F),
        Wagg=lin(ks[10], 1, F),
        Wout=lin(ks[11], 1, F), bout=jnp.zeros((1,), jnp.float32),
        lengths=lengths, nodes=nodes, edge_src=edge_src, edge_dst=edge_dst,
    )


def _forward(floats, lengths, nodes, edge_src, edge_dst):
    (nodes_feature, edges_weight, users_frequency, emb_table, gate,
     W1, b1, g1, be1, W2, b2, g2, be2, Wq, Wk, Wv, Wagg, Wout, bout) = floats
    ew = edges_weight.T  # (E, T)
    node_graph = jnp.repeat(jnp.arange(B), NP)
    # weighted GCN layer 1: msg = src_feat * edge_weight, sum over incoming edges
    msg = nodes_feature[edge_src][:, None, :] * ew[:, :, None]  # (E, T, F)
    h = jax.ops.segment_sum(msg, edge_dst, num_segments=N)  # (N, T, F)
    h = h @ W1.T + b1
    mu = h.mean(axis=(0, 1)); var = h.var(axis=(0, 1))
    h = (h - mu) / jnp.sqrt(var + 1e-5) * g1 + be1
    h = jax.nn.relu(h)
    # weighted GCN layer 2
    msg = h[edge_src] * ew[:, :, None]
    h = jax.ops.segment_sum(msg, edge_dst, num_segments=N)
    h = h @ W2.T + b2
    mu = h.mean(axis=(0, 1)); var = h.var(axis=(0, 1))
    h = (h - mu) / jnp.sqrt(var + 1e-5) * g2 + be2
    h = jax.nn.relu(h)
    # masked (causal) multi-head self-attention over time axis
    Q = (h @ Wq.T).reshape(N, T, H, DH).transpose(0, 2, 1, 3)
    K = (h @ Wk.T).reshape(N, T, H, DH).transpose(0, 2, 3, 1)
    V = (h @ Wv.T).reshape(N, T, H, DH).transpose(0, 2, 1, 3)
    scores = Q @ K / np.sqrt(DH)
    causal = jnp.where(jnp.tril(jnp.ones((T, T), jnp.float32)) == 0, -jnp.inf, 0.0)
    att = jax.nn.softmax(scores + causal, axis=-1) @ V
    h = att.transpose(0, 2, 1, 3).reshape(N, T, H * DH)
    # aggregate nodes temporal feature (length-masked attention pooling)
    s = h @ Wagg.T  # (N, T, 1)
    m = (jnp.arange(T)[None, :] < lengths[node_graph][:, None]).astype(h.dtype)
    agg = jnp.sum(s * m[:, :, None] * h, axis=1)  # (N, F)
    # global gated update over full item vocabulary
    beta = jnp.zeros((B, I), h.dtype).at[node_graph, nodes].set(1.0)
    embed = (1.0 - beta[:, :, None] * gate[None, :, :]) * emb_table[None, :, :]
    embed = embed.at[node_graph, nodes].add(gate[nodes] * agg)
    out = (embed @ Wout.T + bout).squeeze(-1)  # (B, I)
    return out


def reference(nodes_feature, edges_weight, users_frequency, emb_table, gate,
              W1, b1, g1, be1, W2, b2, g2, be2, Wq, Wk, Wv, Wagg, Wout, bout,
              lengths, nodes, edge_src, edge_dst):
    floats = (nodes_feature, edges_weight, users_frequency, emb_table, gate,
              W1, b1, g1, be1, W2, b2, g2, be2, Wq, Wk, Wv, Wagg, Wout, bout)
    return _forward(floats, lengths, nodes, edge_src, edge_dst)

if __name__ == "__main__":
    import jax
    _d = setup_inputs()
    print(jax.jit(kernel)(*tuple(_d.values())))

</pallas_src>

<mosaic_0001>
#map = affine_map<(d0, d1) -> (0)>
module attributes {stable_mosaic.version = 14 : i64} {
  func.func @_scatter_body(%arg0: i32, %arg1: i32, %arg2: memref<100000xf32, #tpu.memory_space<hbm>>, %arg3: memref<100000xf32, #tpu.memory_space<hbm>>, %arg4: memref<512xf32, #tpu.memory_space<hbm>>, %arg5: memref<512xi32, #tpu.memory_space<hbm>>, %arg6: memref<800000xf32, #tpu.memory_space<hbm>>, %arg7: memref<25016xf32, #tpu.memory_space<vmem>>, %arg8: memref<64xi32, #tpu.memory_space<vmem>>, %arg9: memref<64xf32, #tpu.memory_space<vmem>>, %arg10: memref<64xf32, #tpu.memory_space<vmem>>, %arg11: memref<!tpu.dma_semaphore, #tpu.memory_space<semaphore_mem>>, %arg12: memref<!tpu.dma_semaphore, #tpu.memory_space<semaphore_mem>>) attributes {dimension_semantics = [#tpu.dimension_semantics<core_parallel>, #tpu.dimension_semantics<subcore_parallel>], iteration_bounds = array<i64: 2, 16>, scalar_prefetch = 0 : i64, scratch_operands = 6 : i64, tpu.core_type = #tpu.core_type<sc_vector_subcore>, window_params = [{transform_indices = #map}, {transform_indices = #map}, {transform_indices = #map}, {transform_indices = #map}, {transform_indices = #map}]} {
    %mul3A = arith.constant 2 : i32
    %mul3A_0 = arith.muli %arg1, %mul3A : i32
    %add3A = arith.addi %mul3A_0, %arg0 : i32
    %jit3A = arith.constant 4 : i32
    %div3A = arith.divsi %add3A, %jit3A : i32
    %sign3A = arith.constant 0 : i32
    %sign3A_1 = arith.cmpi sgt, %add3A, %sign3A : i32
    %sign3A_2 = arith.extui %sign3A_1 : i1 to i32
    %sign3A_3 = arith.constant 0 : i32
    %sign3A_4 = arith.cmpi slt, %add3A, %sign3A_3 : i32
    %sign3A_5 = arith.extui %sign3A_4 : i1 to i32
    %sign3A_6 = arith.subi %sign3A_2, %sign3A_5 : i32
    %sign3A_7 = arith.constant 0 : i32
    %sign3A_8 = arith.cmpi sgt, %jit3A, %sign3A_7 : i32
    %sign3A_9 = arith.extui %sign3A_8 : i1 to i32
    %sign3A_10 = arith.constant 0 : i32
    %sign3A_11 = arith.cmpi slt, %jit3A, %sign3A_10 : i32
    %sign3A_12 = arith.extui %sign3A_11 : i1 to i32
    %sign3A_13 = arith.subi %sign3A_9, %sign3A_12 : i32
    %ne3A = arith.cmpi ne, %sign3A_6, %sign3A_13 : i32
    %rem3A = arith.remsi %add3A, %jit3A : i32
    %ne3A_14 = arith.constant 0 : i32
    %ne3A_15 = arith.cmpi ne, %rem3A, %ne3A_14 : i32
    %and3A = arith.andi %ne3A, %ne3A_15 : i1
    %sub3A = arith.constant 1 : i32
    %sub3A_16 = arith.subi %div3A, %sub3A : i32
    %select_n3A = arith.select %and3A, %sub3A_16, %div3A : i32
    %jit3A_17 = arith.constant 4 : i32
    %eq3A = arith.constant 0 : i32
    %eq3A_18 = arith.cmpi eq, %jit3A_17, %eq3A : i32
    %jit3A_19 = arith.constant 1 : i32
    %select_n3A_20 = arith.select %eq3A_18, %jit3A_19, %jit3A_17 : i32
    %rem3A_21 = arith.remsi %add3A, %select_n3A_20 : i32
    %ne3A_22 = arith.constant 0 : i32
    %ne3A_23 = arith.cmpi ne, %rem3A_21, %ne3A_22 : i32
    %lt3A = arith.constant 0 : i32
    %lt3A_24 = arith.cmpi slt, %rem3A_21, %lt3A : i32
    %lt3A_25 = arith.constant 0 : i32
    %lt3A_26 = arith.cmpi slt, %select_n3A_20, %lt3A_25 : i32
    %ne3A_27 = arith.xori %lt3A_24, %lt3A_26 : i1
    %and3A_28 = arith.andi %ne3A_27, %ne3A_23 : i1
    %add3A_29 = arith.addi %rem3A_21, %select_n3A_20 : i32
    %select_n3A_30 = arith.select %and3A_28, %add3A_29, %rem3A_21 : i32
    %mul3A_31 = arith.constant 25000 : i32
    %mul3A_32 = arith.muli %select_n3A_30, %mul3A_31 : i32
    %dma_start3A = arith.constant 0 : i32
    %dma_start3A_33 = tpu.memref_slice %arg7[%dma_start3A] : memref<25016xf32, #tpu.memory_space<vmem>> -> memref<25000xf32, #tpu.memory_space<vmem>>
    %dma_start3A_34 = tpu.memref_slice %arg2[%mul3A_32] : memref<100000xf32, #tpu.memory_space<hbm>> -> memref<25000xf32, #tpu.memory_space<hbm>>
    %dma_start3A_35 = arith.constant 0 : i32
    %dma_start3A_36 = tpu.memref_slice %arg7[%dma_start3A_35] : memref<25016xf32, #tpu.memory_space<vmem>> -> memref<25000xf32, #tpu.memory_space<vmem>>
    %dma_start3A_37 = tpu.memref_slice %arg2[%mul3A_32] : memref<100000xf32, #tpu.memory_space<hbm>> -> memref<25000xf32, #tpu.memory_space<hbm>>
    tpu.enqueue_dma source(%dma_start3A_37 : memref<25000xf32, #tpu.memory_space<hbm>>) target(%dma_start3A_36 : memref<25000xf32, #tpu.memory_space<vmem>>) target_semaphore(%arg12 : memref<!tpu.dma_semaphore, #tpu.memory_space<semaphore_mem>>)
    %mul3A_38 = arith.constant 64 : i32
    %mul3A_39 = arith.muli %select_n3A, %mul3A_38 : i32
    "tpu.region"() ({
      %run_scoped3A = tpu.sem_alloc : memref<!tpu.dma_semaphore, #tpu.memory_space<semaphore_mem>>
      %dma_start3A_162 = tpu.memref_slice %arg5[%mul3A_39] : memref<512xi32, #tpu.memory_space<hbm>> -> memref<64xi32, #tpu.memory_space<hbm>>
      %dma_start3A_163 = tpu.memref_slice %arg5[%mul3A_39] : memref<512xi32, #tpu.memory_space<hbm>> -> memref<64xi32, #tpu.memory_space<hbm>>
      tpu.enqueue_dma source(%dma_start3A_163 : memref<64xi32, #tpu.memory_space<hbm>>) target(%arg8 : memref<64xi32, #tpu.memory_space<vmem>>) target_semaphore(%run_scoped3A : memref<!tpu.dma_semaphore, #tpu.memory_space<semaphore_mem>>)
      %dma_wait3A_164 = tpu.memref_slice %arg5[%mul3A_39] : memref<512xi32, #tpu.memory_space<hbm>> -> memref<64xi32, #tpu.memory_space<hbm>>
      %dma_wait3A_165 = tpu.memref_slice %arg5[%mul3A_39] : memref<512xi32, #tpu.memory_space<hbm>> -> memref<64xi32, #tpu.memory_space<hbm>>
      tpu.wait_dma2 semaphore(%run_scoped3A : memref<!tpu.dma_semaphore, #tpu.memory_space<semaphore_mem>>) src(%dma_wait3A_165 : memref<64xi32, #tpu.memory_space<hbm>>) dst(%arg8 : memref<64xi32, #tpu.memory_space<vmem>>)
      tpu.yield
    }) : () -> ()
    %mul3A_40 = arith.constant 64 : i32
    %mul3A_41 = arith.muli %select_n3A, %mul3A_40 : i32
    "tpu.region"() ({
      %run_scoped3A = tpu.sem_alloc : memref<!tpu.dma_semaphore, #tpu.memory_space<semaphore_mem>>
      %dma_start3A_162 = tpu.memref_slice %arg4[%mul3A_41] : memref<512xf32, #tpu.memory_space<hbm>> -> memref<64xf32, #tpu.memory_space<hbm>>
      %dma_start3A_163 = tpu.memref_slice %arg4[%mul3A_41] : memref<512xf32, #tpu.memory_space<hbm>> -> memref<64xf32, #tpu.memory_space<hbm>>
      tpu.enqueue_dma source(%dma_start3A_163 : memref<64xf32, #tpu.memory_space<hbm>>) target(%arg9 : memref<64xf32, #tpu.memory_space<vmem>>) target_semaphore(%run_scoped3A : memref<!tpu.dma_semaphore, #tpu.memory_space<semaphore_mem>>)
      %dma_wait3A_164 = tpu.memref_slice %arg4[%mul3A_41] : memref<512xf32, #tpu.memory_space<hbm>> -> memref<64xf32, #tpu.memory_space<hbm>>
      %dma_wait3A_165 = tpu.memref_slice %arg4[%mul3A_41] : memref<512xf32, #tpu.memory_space<hbm>> -> memref<64xf32, #tpu.memory_space<hbm>>
      tpu.wait_dma2 semaphore(%run_scoped3A : memref<!tpu.dma_semaphore, #tpu.memory_space<semaphore_mem>>) src(%dma_wait3A_165 : memref<64xf32, #tpu.memory_space<hbm>>) dst(%arg9 : memref<64xf32, #tpu.memory_space<vmem>>)
      tpu.yield
    }) : () -> ()
    %dma_start3A_42 = arith.constant 0 : i32
    %dma_start3A_43 = tpu.memref_slice %arg3[%dma_start3A_42] : memref<100000xf32, #tpu.memory_space<hbm>> -> memref<100000xf32, #tpu.memory_space<hbm>>
    tpu.enqueue_indirect_dma source(%dma_start3A_43 : memref<100000xf32, #tpu.memory_space<hbm>>) target(%arg10 : memref<64xf32, #tpu.memory_space<vmem>>) offsets(%arg8 : memref<64xi32, #tpu.memory_space<vmem>>) semaphore(%arg11 : memref<!tpu.dma_semaphore, #tpu.memory_space<semaphore_mem>>)
    %dma_wait3A = arith.constant 0 : i32
    %dma_wait3A_44 = tpu.memref_slice %arg3[%dma_wait3A] : memref<100000xf32, #tpu.memory_space<hbm>> -> memref<100000xf32, #tpu.memory_space<hbm>>
    tpu.wait_indirect_dma semaphore(%arg11 : memref<!tpu.dma_semaphore, #tpu.memory_space<semaphore_mem>>) src(%dma_wait3A_44 : memref<100000xf32, #tpu.memory_space<hbm>>) dst(%arg10 : memref<64xf32, #tpu.memory_space<vmem>>)
    %dma_wait3A_45 = arith.constant 0 : i32
    %dma_wait3A_46 = tpu.memref_slice %arg7[%dma_wait3A_45] : memref<25016xf32, #tpu.memory_space<vmem>> -> memref<25000xf32, #tpu.memory_space<vmem>>
    %dma_wait3A_47 = tpu.memref_slice %arg2[%mul3A_32] : memref<100000xf32, #tpu.memory_space<hbm>> -> memref<25000xf32, #tpu.memory_space<hbm>>
    %dma_wait3A_48 = arith.constant 0 : i32
    %dma_wait3A_49 = tpu.memref_slice %arg7[%dma_wait3A_48] : memref<25016xf32, #tpu.memory_space<vmem>> -> memref<25000xf32, #tpu.memory_space<vmem>>
    %dma_wait3A_50 = tpu.memref_slice %arg2[%mul3A_32] : memref<100000xf32, #tpu.memory_space<hbm>> -> memref<25000xf32, #tpu.memory_space<hbm>>
    tpu.wait_dma2 semaphore(%arg12 : memref<!tpu.dma_semaphore, #tpu.memory_space<semaphore_mem>>) src(%dma_wait3A_50 : memref<25000xf32, #tpu.memory_space<hbm>>) dst(%dma_wait3A_49 : memref<25000xf32, #tpu.memory_space<vmem>>)
    %iota3A = tpu.iota {dimensions = array<i32: 0>} : vector<16xi32>
    %get3A = arith.constant 0 : index
    %get3A_51 = tpu.vector_load %arg8[%get3A] {strides = array<i32>} : memref<64xi32, #tpu.memory_space<vmem>>, vector<16xi32>,
    %get3A_52 = arith.constant 0 : index
    %get3A_53 = tpu.vector_load %arg10[%get3A_52] {strides = array<i32>} : memref<64xf32, #tpu.memory_space<vmem>>, vector<16xf32>,
    %get3A_54 = arith.constant 0 : index
    %get3A_55 = tpu.vector_load %arg9[%get3A_54] {strides = array<i32>} : memref<64xf32, #tpu.memory_space<vmem>>, vector<16xf32>,
    %ge3A = vector.broadcast %mul3A_32 : i32 to vector<16xi32>
    %ge3A_56 = arith.cmpi sge, %get3A_51, %ge3A : vector<16xi32>
    %add3A_57 = arith.constant 25000 : i32
    %add3A_58 = arith.addi %mul3A_32, %add3A_57 : i32
    %lt3A_59 = vector.broadcast %add3A_58 : i32 to vector<16xi32>
    %lt3A_60 = arith.cmpi slt, %get3A_51, %lt3A_59 : vector<16xi32>
    %and3A_61 = arith.andi %ge3A_56, %lt3A_60 : vector<16xi1>
    %sub3A_62 = vector.broadcast %mul3A_32 : i32 to vector<16xi32>
    %sub3A_63 = arith.subi %get3A_51, %sub3A_62 : vector<16xi32>
    %jit3A_64 = arith.constant 0 : i32
    %broadcast_in_dim3A = vector.broadcast %jit3A_64 : i32 to vector<16xi32>
    %select_n3A_65 = arith.select %and3A_61, %sub3A_63, %broadcast_in_dim3A : vector<16xi1>, vector<16xi32>
    %gather3A = tpu.vector_load_idx %arg7[%select_n3A_65] : memref<25016xf32, #tpu.memory_space<vmem>>[vector<16xi32>], vector<16xf32>,
    %sub3A_66 = arith.subf %get3A_55, %gather3A : vector<16xf32>
    %mul3A_67 = arith.mulf %get3A_53, %sub3A_66 : vector<16xf32>
    %add3A_68 = arith.addf %gather3A, %mul3A_67 : vector<16xf32>
    %sub3A_69 = vector.broadcast %mul3A_32 : i32 to vector<16xi32>
    %sub3A_70 = arith.subi %get3A_51, %sub3A_69 : vector<16xi32>
    %add3A_71 = arith.constant 25000 : i32
    %add3A_72 = vector.broadcast %add3A_71 : i32 to vector<16xi32>
    %add3A_73 = arith.addi %add3A_72, %iota3A : vector<16xi32>
    %select_n3A_74 = arith.select %and3A_61, %sub3A_70, %add3A_73 : vector<16xi1>, vector<16xi32>
    tpu.vector_store_idx %arg7[%select_n3A_74], %add3A_68 : memref<25016xf32, #tpu.memory_space<vmem>>[vector<16xi32>], vector<16xf32>,
    %get3A_75 = arith.constant 16 : index
    %get3A_76 = tpu.vector_load %arg8[%get3A_75] {strides = array<i32>} : memref<64xi32, #tpu.memory_space<vmem>>, vector<16xi32>,
    %get3A_77 = arith.constant 16 : index
    %get3A_78 = tpu.vector_load %arg10[%get3A_77] {strides = array<i32>} : memref<64xf32, #tpu.memory_space<vmem>>, vector<16xf32>,
    %get3A_79 = arith.constant 16 : index
    %get3A_80 = tpu.vector_load %arg9[%get3A_79] {strides = array<i32>} : memref<64xf32, #tpu.memory_space<vmem>>, vector<16xf32>,
    %ge3A_81 = vector.broadcast %mul3A_32 : i32 to vector<16xi32>
    %ge3A_82 = arith.cmpi sge, %get3A_76, %ge3A_81 : vector<16xi32>
    %add3A_83 = arith.constant 25000 : i32
    %add3A_84 = arith.addi %mul3A_32, %add3A_83 : i32
    %lt3A_85 = vector.broadcast %add3A_84 : i32 to vector<16xi32>
    %lt3A_86 = arith.cmpi slt, %get3A_76, %lt3A_85 : vector<16xi32>
    %and3A_87 = arith.andi %ge3A_82, %lt3A_86 : vector<16xi1>
    %sub3A_88 = vector.broadcast %mul3A_32 : i32 to vector<16xi32>
    %sub3A_89 = arith.subi %get3A_76, %sub3A_88 : vector<16xi32>
    %jit3A_90 = arith.constant 0 : i32
    %broadcast_in_dim3A_91 = vector.broadcast %jit3A_90 : i32 to vector<16xi32>
    %select_n3A_92 = arith.select %and3A_87, %sub3A_89, %broadcast_in_dim3A_91 : vector<16xi1>, vector<16xi32>
    %gather3A_93 = tpu.vector_load_idx %arg7[%select_n3A_92] : memref<25016xf32, #tpu.memory_space<vmem>>[vector<16xi32>], vector<16xf32>,
    %sub3A_94 = arith.subf %get3A_80, %gather3A_93 : vector<16xf32>
    %mul3A_95 = arith.mulf %get3A_78, %sub3A_94 : vector<16xf32>
    %add3A_96 = arith.addf %gather3A_93, %mul3A_95 : vector<16xf32>
    %sub3A_97 = vector.broadcast %mul3A_32 : i32 to vector<16xi32>
    %sub3A_98 = arith.subi %get3A_76, %sub3A_97 : vector<16xi32>
    %add3A_99 = arith.constant 25000 : i32
    %add3A_100 = vector.broadcast %add3A_99 : i32 to vector<16xi32>
    %add3A_101 = arith.addi %add3A_100, %iota3A : vector<16xi32>
    %select_n3A_102 = arith.select %and3A_87, %sub3A_98, %add3A_101 : vector<16xi1>, vector<16xi32>
    tpu.vector_store_idx %arg7[%select_n3A_102], %add3A_96 : memref<25016xf32, #tpu.memory_space<vmem>>[vector<16xi32>], vector<16xf32>,
    %get3A_103 = arith.constant 32 : index
    %get3A_104 = tpu.vector_load %arg8[%get3A_103] {strides = array<i32>} : memref<64xi32, #tpu.memory_space<vmem>>, vector<16xi32>,
    %get3A_105 = arith.constant 32 : index
    %get3A_106 = tpu.vector_load %arg10[%get3A_105] {strides = array<i32>} : memref<64xf32, #tpu.memory_space<vmem>>, vector<16xf32>,
    %get3A_107 = arith.constant 32 : index
    %get3A_108 = tpu.vector_load %arg9[%get3A_107] {strides = array<i32>} : memref<64xf32, #tpu.memory_space<vmem>>, vector<16xf32>,
    %ge3A_109 = vector.broadcast %mul3A_32 : i32 to vector<16xi32>
    %ge3A_110 = arith.cmpi sge, %get3A_104, %ge3A_109 : vector<16xi32>
    %add3A_111 = arith.constant 25000 : i32
    %add3A_112 = arith.addi %mul3A_32, %add3A_111 : i32
    %lt3A_113 = vector.broadcast %add3A_112 : i32 to vector<16xi32>
    %lt3A_114 = arith.cmpi slt, %get3A_104, %lt3A_113 : vector<16xi32>
    %and3A_115 = arith.andi %ge3A_110, %lt3A_114 : vector<16xi1>
    %sub3A_116 = vector.broadcast %mul3A_32 : i32 to vector<16xi32>
    %sub3A_117 = arith.subi %get3A_104, %sub3A_116 : vector<16xi32>
    %jit3A_118 = arith.constant 0 : i32
    %broadcast_in_dim3A_119 = vector.broadcast %jit3A_118 : i32 to vector<16xi32>
    %select_n3A_120 = arith.select %and3A_115, %sub3A_117, %broadcast_in_dim3A_119 : vector<16xi1>, vector<16xi32>
    %gather3A_121 = tpu.vector_load_idx %arg7[%select_n3A_120] : memref<25016xf32, #tpu.memory_space<vmem>>[vector<16xi32>], vector<16xf32>,
    %sub3A_122 = arith.subf %get3A_108, %gather3A_121 : vector<16xf32>
    %mul3A_123 = arith.mulf %get3A_106, %sub3A_122 : vector<16xf32>
    %add3A_124 = arith.addf %gather3A_121, %mul3A_123 : vector<16xf32>
    %sub3A_125 = vector.broadcast %mul3A_32 : i32 to vector<16xi32>
    %sub3A_126 = arith.subi %get3A_104, %sub3A_125 : vector<16xi32>
    %add3A_127 = arith.constant 25000 : i32
    %add3A_128 = vector.broadcast %add3A_127 : i32 to vector<16xi32>
    %add3A_129 = arith.addi %add3A_128, %iota3A : vector<16xi32>
    %select_n3A_130 = arith.select %and3A_115, %sub3A_126, %add3A_129 : vector<16xi1>, vector<16xi32>
    tpu.vector_store_idx %arg7[%select_n3A_130], %add3A_124 : memref<25016xf32, #tpu.memory_space<vmem>>[vector<16xi32>], vector<16xf32>,
    %get3A_131 = arith.constant 48 : index
    %get3A_132 = tpu.vector_load %arg8[%get3A_131] {strides = array<i32>} : memref<64xi32, #tpu.memory_space<vmem>>, vector<16xi32>,
    %get3A_133 = arith.constant 48 : index
    %get3A_134 = tpu.vector_load %arg10[%get3A_133] {strides = array<i32>} : memref<64xf32, #tpu.memory_space<vmem>>, vector<16xf32>,
    %get3A_135 = arith.constant 48 : index
    %get3A_136 = tpu.vector_load %arg9[%get3A_135] {strides = array<i32>} : memref<64xf32, #tpu.memory_space<vmem>>, vector<16xf32>,
    %ge3A_137 = vector.broadcast %mul3A_32 : i32 to vector<16xi32>
    %ge3A_138 = arith.cmpi sge, %get3A_132, %ge3A_137 : vector<16xi32>
    %add3A_139 = arith.constant 25000 : i32
    %add3A_140 = arith.addi %mul3A_32, %add3A_139 : i32
    %lt3A_141 = vector.broadcast %add3A_140 : i32 to vector<16xi32>
    %lt3A_142 = arith.cmpi slt, %get3A_132, %lt3A_141 : vector<16xi32>
    %and3A_143 = arith.andi %ge3A_138, %lt3A_142 : vector<16xi1>
    %sub3A_144 = vector.broadcast %mul3A_32 : i32 to vector<16xi32>
    %sub3A_145 = arith.subi %get3A_132, %sub3A_144 : vector<16xi32>
    %jit3A_146 = arith.constant 0 : i32
    %broadcast_in_dim3A_147 = vector.broadcast %jit3A_146 : i32 to vector<16xi32>
    %select_n3A_148 = arith.select %and3A_143, %sub3A_145, %broadcast_in_dim3A_147 : vector<16xi1>, vector<16xi32>
    %gather3A_149 = tpu.vector_load_idx %arg7[%select_n3A_148] : memref<25016xf32, #tpu.memory_space<vmem>>[vector<16xi32>], vector<16xf32>,
    %sub3A_150 = arith.subf %get3A_136, %gather3A_149 : vector<16xf32>
    %mul3A_151 = arith.mulf %get3A_134, %sub3A_150 : vector<16xf32>
    %add3A_152 = arith.addf %gather3A_149, %mul3A_151 : vector<16xf32>
    %sub3A_153 = vector.broadcast %mul3A_32 : i32 to vector<16xi32>
    %sub3A_154 = arith.subi %get3A_132, %sub3A_153 : vector<16xi32>
    %add3A_155 = arith.constant 25000 : i32
    %add3A_156 = vector.broadcast %add3A_155 : i32 to vector<16xi32>
    %add3A_157 = arith.addi %add3A_156, %iota3A : vector<16xi32>
    %select_n3A_158 = arith.select %and3A_143, %sub3A_154, %add3A_157 : vector<16xi1>, vector<16xi32>
    tpu.vector_store_idx %arg7[%select_n3A_158], %add3A_152 : memref<25016xf32, #tpu.memory_space<vmem>>[vector<16xi32>], vector<16xf32>,
    %mul3A_159 = arith.constant 100000 : i32
    %mul3A_160 = arith.muli %select_n3A, %mul3A_159 : i32
    %add3A_161 = arith.addi %mul3A_160, %mul3A_32 : i32
    "tpu.region"() ({
      %run_scoped3A = tpu.sem_alloc : memref<!tpu.dma_semaphore, #tpu.memory_space<semaphore_mem>>
      %dma_start3A_162 = arith.constant 0 : i32
      %dma_start3A_163 = tpu.memref_slice %arg7[%dma_start3A_162] : memref<25016xf32, #tpu.memory_space<vmem>> -> memref<25000xf32, #tpu.memory_space<vmem>>
      %dma_start3A_164 = tpu.memref_slice %arg6[%add3A_161] : memref<800000xf32, #tpu.memory_space<hbm>> -> memref<25000xf32, #tpu.memory_space<hbm>>
      %dma_start3A_165 = tpu.memref_slice %arg6[%add3A_161] : memref<800000xf32, #tpu.memory_space<hbm>> -> memref<25000xf32, #tpu.memory_space<hbm>>
      %dma_start3A_166 = arith.constant 0 : i32
      %dma_start3A_167 = tpu.memref_slice %arg7[%dma_start3A_166] : memref<25016xf32, #tpu.memory_space<vmem>> -> memref<25000xf32, #tpu.memory_space<vmem>>
      tpu.enqueue_dma source(%dma_start3A_167 : memref<25000xf32, #tpu.memory_space<vmem>>) target(%dma_start3A_165 : memref<25000xf32, #tpu.memory_space<hbm>>) target_semaphore(%run_scoped3A : memref<!tpu.dma_semaphore, #tpu.memory_space<semaphore_mem>>)
      %dma_wait3A_168 = arith.constant 0 : i32
      %dma_wait3A_169 = tpu.memref_slice %arg7[%dma_wait3A_168] : memref<25016xf32, #tpu.memory_space<vmem>> -> memref<25000xf32, #tpu.memory_space<vmem>>
      %dma_wait3A_170 = tpu.memref_slice %arg6[%add3A_161] : memref<800000xf32, #tpu.memory_space<hbm>> -> memref<25000xf32, #tpu.memory_space<hbm>>
      %dma_wait3A_171 = tpu.memref_slice %arg6[%add3A_161] : memref<800000xf32, #tpu.memory_space<hbm>> -> memref<25000xf32, #tpu.memory_space<hbm>>
      %dma_wait3A_172 = arith.constant 0 : i32
      %dma_wait3A_173 = tpu.memref_slice %arg7[%dma_wait3A_172] : memref<25016xf32, #tpu.memory_space<vmem>> -> memref<25000xf32, #tpu.memory_space<vmem>>
      tpu.wait_dma2 semaphore(%run_scoped3A : memref<!tpu.dma_semaphore, #tpu.memory_space<semaphore_mem>>) src(%dma_wait3A_173 : memref<25000xf32, #tpu.memory_space<vmem>>) dst(%dma_wait3A_171 : memref<25000xf32, #tpu.memory_space<hbm>>)
      tpu.yield
    }) : () -> ()
    return
  }
}

module attributes {stable_mosaic.version = 14 : i64} {
  func.func @_tc_body(%arg0: i32, %arg1: memref<64x64x64xf32, #tpu.memory_space<vmem>>, %arg2: memref<32x512xf32, #tpu.memory_space<vmem>>, %arg3: memref<32x32xf32, #tpu.memory_space<vmem>>, %arg4: memref<1x32xf32, #tpu.memory_space<vmem>>, %arg5: memref<1x32xf32, #tpu.memory_space<vmem>>, %arg6: memref<1x32xf32, #tpu.memory_space<vmem>>, %arg7: memref<32x32xf32, #tpu.memory_space<vmem>>, %arg8: memref<1x32xf32, #tpu.memory_space<vmem>>, %arg9: memref<1x32xf32, #tpu.memory_space<vmem>>, %arg10: memref<1x32xf32, #tpu.memory_space<vmem>>, %arg11: memref<32x32xf32, #tpu.memory_space<vmem>>, %arg12: memref<32x32xf32, #tpu.memory_space<vmem>>, %arg13: memref<32x32xf32, #tpu.memory_space<vmem>>, %arg14: memref<1x32xf32, #tpu.memory_space<vmem>>, %arg15: memref<1x32xf32, #tpu.memory_space<vmem>>, %arg16: memref<8xi32, #tpu.memory_space<smem>>, %arg17: memref<32x16384xf32, #tpu.memory_space<vmem>>, %arg18: memref<1x16384xf32, #tpu.memory_space<vmem>>, %arg19: memref<1xf32, #tpu.memory_space<smem>>, %arg20: memref<512xf32, #tpu.memory_space<vmem>>, %arg21: memref<16384xf32, #tpu.memory_space<vmem>>, %arg22: memref<16384xf32, #tpu.memory_space<vmem>>) attributes {dimension_semantics = [#tpu.dimension_semantics<arbitrary>], iteration_bounds = array<i64: 7>, scalar_prefetch = 0 : i64, scratch_operands = 0 : i64, tpu.core_type = #tpu.core_type<tc>, window_params = [{pipeline_mode = #tpu.pipeline_mode<synchronous>, transform_indices = @transform_0, window_bounds = array<i64: 64, 64, 64>}, {pipeline_mode = #tpu.pipeline_mode<synchronous>, transform_indices = @transform_1, window_bounds = array<i64: 32, 512>}, {pipeline_mode = #tpu.pipeline_mode<synchronous>, transform_indices = @transform_2, window_bounds = array<i64: 32, 32>}, {pipeline_mode = #tpu.pipeline_mode<synchronous>, transform_indices = @transform_3, window_bounds = array<i64: 1, 32>}, {pipeline_mode = #tpu.pipeline_mode<synchronous>, transform_indices = @transform_4, window_bounds = array<i64: 1, 32>}, {pipeline_mode = #tpu.pipeline_mode<synchronous>, transform_indices = @transform_5, window_bounds = array<i64: 1, 32>}, {pipeline_mode = #tpu.pipeline_mode<synchronous>, transform_indices = @transform_6, window_bounds = array<i64: 32, 32>}, {pipeline_mode = #tpu.pipeline_mode<synchronous>, transform_indices = @transform_7, window_bounds = array<i64: 1, 32>}, {pipeline_mode = #tpu.pipeline_mode<synchronous>, transform_indices = @transform_8, window_bounds = array<i64: 1, 32>}, {pipeline_mode = #tpu.pipeline_mode<synchronous>, transform_indices = @transform_9, window_bounds = array<i64: 1, 32>}, {pipeline_mode = #tpu.pipeline_mode<synchronous>, transform_indices = @transform_10, window_bounds = array<i64: 32, 32>}, {pipeline_mode = #tpu.pipeline_mode<synchronous>, transform_indices = @transform_11, window_bounds = array<i64: 32, 32>}, {pipeline_mode = #tpu.pipeline_mode<synchronous>, transform_indices = @transform_12, window_bounds = array<i64: 32, 32>}, {pipeline_mode = #tpu.pipeline_mode<synchronous>, transform_indices = @transform_13, window_bounds = array<i64: 1, 32>}, {pipeline_mode = #tpu.pipeline_mode<synchronous>, transform_indices = @transform_14, window_bounds = array<i64: 1, 32>}, {transform_indices = @transform_15, window_bounds = array<i64: 8>}, {transform_indices = @transform_16, window_bounds = array<i64: 32, 16384>}, {transform_indices = @transform_17, window_bounds = array<i64: 1, 16384>}, {transform_indices = @transform_18, window_bounds = array<i64: 1>}, {pipeline_mode = #tpu.pipeline_mode<synchronous>, transform_indices = @transform_19, window_bounds = array<i64: 512>}, {transform_indices = @transform_20, window_bounds = array<i64: 16384>}, {transform_indices = @transform_21, window_bounds = array<i64: 16384>}]} {
    %get3A = arith.constant 0 : index
    %get3A_0 = memref.load %arg19[%get3A] : memref<1xf32, #tpu.memory_space<smem>>
    %get3A_1 = arith.constant 0 : index
    %get3A_2 = arith.constant 0 : index
    %get3A_3 = vector.load %arg15[%get3A_1, %get3A_2] : memref<1x32xf32, #tpu.memory_space<vmem>>, vector<1x32xf32>
    %get3A_4 = arith.constant 0 : index
    %get3A_5 = arith.constant 0 : index
    %get3A_6 = vector.load %arg17[%get3A_4, %get3A_5] : memref<32x16384xf32, #tpu.memory_space<vmem>>, vector<32x16384xf32>
    %dot_general3A = arith.constant dense<0.000000e+00> : vector<1x16384xf32>
    %dot_general3A_7 = tpu.matmul %get3A_3, %get3A_6, %dot_general3A {dimension_numbers = #tpu.dot_dimension_numbers<[1], [0], [0], [1], [0, 0, 1, 1], [], []>, transpose_lhs_hint = false} : vector<1x32xf32>, vector<32x16384xf32>, vector<1x16384xf32> -> vector<1x16384xf32>
    %reshape3A = vector.shape_cast %dot_general3A_7 : vector<1x16384xf32> to vector<16384xf32>
    %add3A = vector.broadcast %get3A_0 : f32 to vector<16384xf32>
    %add3A_8 = arith.addf %reshape3A, %add3A : vector<16384xf32>
    %swap3A = arith.constant 0 : index
    %swap3A_9 = vector.load %arg21[%swap3A] : memref<16384xf32, #tpu.memory_space<vmem>>, vector<16384xf32>
    tpu.vector_store %arg21[%swap3A], %add3A_8 {strides = array<i32>} : memref<16384xf32, #tpu.memory_space<vmem>>, vector<16384xf32>,
    %get3A_10 = arith.constant 0 : index
    %get3A_11 = arith.constant 0 : index
    %get3A_12 = vector.load %arg18[%get3A_10, %get3A_11] : memref<1x16384xf32, #tpu.memory_space<vmem>>, vector<1x16384xf32>
    %reshape3A_13 = vector.shape_cast %get3A_12 : vector<1x16384xf32> to vector<16384xf32>
    %swap3A_14 = arith.constant 0 : index
    %swap3A_15 = vector.load %arg22[%swap3A_14] : memref<16384xf32, #tpu.memory_space<vmem>>, vector<16384xf32>
    tpu.vector_store %arg22[%swap3A_14], %reshape3A_13 {strides = array<i32>} : memref<16384xf32, #tpu.memory_space<vmem>>, vector<16384xf32>,
    %eq3A = arith.constant 0 : i32
    %eq3A_16 = arith.cmpi eq, %arg0, %eq3A : i32
    %convert_element_type3A = arith.extui %eq3A_16 : i1 to i32
    %cond3A = arith.constant 0 : i32
    %cond3A_17 = arith.cmpi ne, %convert_element_type3A, %cond3A : i32
    scf.if %cond3A_17 {
      %get3A_18 = arith.constant 0 : index
      %get3A_19 = arith.constant 0 : index
      %get3A_20 = arith.constant 0 : index
      %get3A_21 = vector.load %arg1[%get3A_18, %get3A_19, %get3A_20] : memref<64x64x64xf32, #tpu.memory_space<vmem>>, vector<64x64x64xf32>
      %get3A_22 = arith.constant 0 : index
      %get3A_23 = arith.constant 0 : index
      %get3A_24 = vector.load %arg2[%get3A_22, %get3A_23] : memref<32x512xf32, #tpu.memory_space<vmem>>, vector<32x512xf32>
      %transpose3A = tpu.transpose %get3A_24, [1, 0] : vector<32x512xf32> -> vector<512x32xf32>
      %reshape3A_25 = vector.shape_cast %transpose3A : vector<512x32xf32> to vector<8x64x32xf32>
      %broadcast_in_dim3A = vector.shape_cast %reshape3A_25 : vector<8x64x32xf32> to vector<1x8x64x32xf32>
      %broadcast_in_dim3A_26 = vector.shape_cast %broadcast_in_dim3A : vector<1x8x64x32xf32> to vector<1x8x64x32xf32>
      %broadcast_in_dim3A_27 = vector.broadcast %broadcast_in_dim3A_26 : vector<1x8x64x32xf32> to vector<8x8x64x32xf32>
      %reshape3A_28 = vector.shape_cast %broadcast_in_dim3A_27 : vector<8x8x64x32xf32> to vector<64x64x32xf32>
      %broadcast_in_dim3A_29 = arith.constant 1.000000e+00 : f32
      %broadcast_in_dim3A_30 = vector.broadcast %broadcast_in_dim3A_29 : f32 to vector<1x4096xf32>
      %dot_general3A_31 = arith.constant dense<0.000000e+00> : vector<64x64x32xf32>
      %dot_general3A_32 = tpu.matmul %get3A_21, %reshape3A_28, %dot_general3A_31 {dimension_numbers = #tpu.dot_dimension_numbers<[1], [1], [2], [2], [0, 0, 0, 2, 1, 2], [0], [0]>, transpose_lhs_hint = false} : vector<64x64x64xf32>, vector<64x64x32xf32>, vector<64x64x32xf32> -> vector<64x64x32xf32>
      %reshape3A_33 = vector.shape_cast %dot_general3A_32 : vector<64x64x32xf32> to vector<4096x32xf32>
      %get3A_34 = arith.constant 0 : index
      %get3A_35 = arith.constant 0 : index
      %get3A_36 = vector.load %arg3[%get3A_34, %get3A_35] : memref<32x32xf32, #tpu.memory_space<vmem>>, vector<32x32xf32>
      %dot_general3A_37 = arith.constant dense<0.000000e+00> : vector<4096x32xf32>
      %dot_general3A_38 = tpu.matmul %reshape3A_33, %get3A_36, %dot_general3A_37 {dimension_numbers = #tpu.dot_dimension_numbers<[1], [1], [0], [0], [0, 0, 1, 0], [], []>, transpose_lhs_hint = false} : vector<4096x32xf32>, vector<32x32xf32>, vector<4096x32xf32> -> vector<4096x32xf32>
      %get3A_39 = arith.constant 0 : index
      %get3A_40 = arith.constant 0 : index
      %get3A_41 = vector.load %arg4[%get3A_39, %get3A_40] : memref<1x32xf32, #tpu.memory_space<vmem>>, vector<1x32xf32>
      %add3A_42 = vector.broadcast %get3A_41 : vector<1x32xf32> to vector<4096x32xf32>
      %add3A_43 = arith.addf %dot_general3A_38, %add3A_42 : vector<4096x32xf32>
      %dot_general3A_44 = arith.constant dense<0.000000e+00> : vector<1x32xf32>
      %dot_general3A_45 = tpu.matmul %broadcast_in_dim3A_30, %add3A_43, %dot_general3A_44 {dimension_numbers = #tpu.dot_dimension_numbers<[1], [0], [0], [1], [0, 0, 1, 1], [], []>, transpose_lhs_hint = false} : vector<1x4096xf32>, vector<4096x32xf32>, vector<1x32xf32> -> vector<1x32xf32>
      %mul3A = arith.mulf %add3A_43, %add3A_43 : vector<4096x32xf32>
      %dot_general3A_46 = arith.constant dense<0.000000e+00> : vector<1x32xf32>
      %dot_general3A_47 = tpu.matmul %broadcast_in_dim3A_30, %mul3A, %dot_general3A_46 {dimension_numbers = #tpu.dot_dimension_numbers<[1], [0], [0], [1], [0, 0, 1, 1], [], []>, transpose_lhs_hint = false} : vector<1x4096xf32>, vector<4096x32xf32>, vector<1x32xf32> -> vector<1x32xf32>
      %mul3A_48 = arith.constant 2.44140625E-4 : f32
      %mul3A_49 = vector.broadcast %mul3A_48 : f32 to vector<1x32xf32>
      %mul3A_50 = arith.mulf %dot_general3A_45, %mul3A_49 : vector<1x32xf32>
      %mul3A_51 = arith.constant 2.44140625E-4 : f32
      %mul3A_52 = vector.broadcast %mul3A_51 : f32 to vector<1x32xf32>
      %mul3A_53 = arith.mulf %dot_general3A_47, %mul3A_52 : vector<1x32xf32>
      %mul3A_54 = arith.mulf %mul3A_50, %mul3A_50 : vector<1x32xf32>
      %sub3A = arith.subf %mul3A_53, %mul3A_54 : vector<1x32xf32>
      %sub3A_55 = vector.broadcast %mul3A_50 : vector<1x32xf32> to vector<4096x32xf32>
      %sub3A_56 = arith.subf %add3A_43, %sub3A_55 : vector<4096x32xf32>
      %add3A_57 = arith.constant 9.99999974E-6 : f32
      %add3A_58 = vector.broadcast %add3A_57 : f32 to vector<1x32xf32>
      %add3A_59 = arith.addf %sub3A, %add3A_58 : vector<1x32xf32>
      %rsqrt3A = math.rsqrt %add3A_59 : vector<1x32xf32>
      %mul3A_60 = vector.broadcast %rsqrt3A : vector<1x32xf32> to vector<4096x32xf32>
      %mul3A_61 = arith.mulf %sub3A_56, %mul3A_60 : vector<4096x32xf32>
      %get3A_62 = arith.constant 0 : index
      %get3A_63 = arith.constant 0 : index
      %get3A_64 = vector.load %arg5[%get3A_62, %get3A_63] : memref<1x32xf32, #tpu.memory_space<vmem>>, vector<1x32xf32>
      %mul3A_65 = vector.broadcast %get3A_64 : vector<1x32xf32> to vector<4096x32xf32>
      %mul3A_66 = arith.mulf %mul3A_61, %mul3A_65 : vector<4096x32xf32>
      %get3A_67 = arith.constant 0 : index
      %get3A_68 = arith.constant 0 : index
      %get3A_69 = vector.load %arg6[%get3A_67, %get3A_68] : memref<1x32xf32, #tpu.memory_space<vmem>>, vector<1x32xf32>
      %add3A_70 = vector.broadcast %get3A_69 : vector<1x32xf32> to vector<4096x32xf32>
      %add3A_71 = arith.addf %mul3A_66, %add3A_70 : vector<4096x32xf32>
      %max3A = arith.constant 0.000000e+00 : f32
      %max3A_72 = vector.broadcast %max3A : f32 to vector<4096x32xf32>
      %max3A_73 = arith.maximumf %add3A_71, %max3A_72 : vector<4096x32xf32>
      %reshape3A_74 = vector.shape_cast %max3A_73 : vector<4096x32xf32> to vector<64x64x32xf32>
      %dot_general3A_75 = arith.constant dense<0.000000e+00> : vector<64x64x32xf32>
      %dot_general3A_76 = tpu.matmul %get3A_21, %reshape3A_74, %dot_general3A_75 {dimension_numbers = #tpu.dot_dimension_numbers<[1], [1], [2], [2], [0, 0, 0, 2, 1, 2], [0], [0]>, transpose_lhs_hint = false} : vector<64x64x64xf32>, vector<64x64x32xf32>, vector<64x64x32xf32> -> vector<64x64x32xf32>
      %reshape3A_77 = vector.shape_cast %dot_general3A_76 : vector<64x64x32xf32> to vector<4096x32xf32>
      %get3A_78 = arith.constant 0 : index
      %get3A_79 = arith.constant 0 : index
      %get3A_80 = vector.load %arg7[%get3A_78, %get3A_79] : memref<32x32xf32, #tpu.memory_space<vmem>>, vector<32x32xf32>
      %dot_general3A_81 = arith.constant dense<0.000000e+00> : vector<4096x32xf32>
      %dot_general3A_82 = tpu.matmul %reshape3A_77, %get3A_80, %dot_general3A_81 {dimension_numbers = #tpu.dot_dimension_numbers<[1], [1], [0], [0], [0, 0, 1, 0], [], []>, transpose_lhs_hint = false} : vector<4096x32xf32>, vector<32x32xf32>, vector<4096x32xf32> -> vector<4096x32xf32>
      %get3A_83 = arith.constant 0 : index
      %get3A_84 = arith.constant 0 : index
      %get3A_85 = vector.load %arg8[%get3A_83, %get3A_84] : memref<1x32xf32, #tpu.memory_space<vmem>>, vector<1x32xf32>
      %add3A_86 = vector.broadcast %get3A_85 : vector<1x32xf32> to vector<4096x32xf32>
      %add3A_87 = arith.addf %dot_general3A_82, %add3A_86 : vector<4096x32xf32>
      %dot_general3A_88 = arith.constant dense<0.000000e+00> : vector<1x32xf32>
      %dot_general3A_89 = tpu.matmul %broadcast_in_dim3A_30, %add3A_87, %dot_general3A_88 {dimension_numbers = #tpu.dot_dimension_numbers<[1], [0], [0], [1], [0, 0, 1, 1], [], []>, transpose_lhs_hint = false} : vector<1x4096xf32>, vector<4096x32xf32>, vector<1x32xf32> -> vector<1x32xf32>
      %mul3A_90 = arith.mulf %add3A_87, %add3A_87 : vector<4096x32xf32>
      %dot_general3A_91 = arith.constant dense<0.000000e+00> : vector<1x32xf32>
      %dot_general3A_92 = tpu.matmul %broadcast_in_dim3A_30, %mul3A_90, %dot_general3A_91 {dimension_numbers = #tpu.dot_dimension_numbers<[1], [0], [0], [1], [0, 0, 1, 1], [], []>, transpose_lhs_hint = false} : vector<1x4096xf32>, vector<4096x32xf32>, vector<1x32xf32> -> vector<1x32xf32>
      %mul3A_93 = arith.constant 2.44140625E-4 : f32
      %mul3A_94 = vector.broadcast %mul3A_93 : f32 to vector<1x32xf32>
      %mul3A_95 = arith.mulf %dot_general3A_89, %mul3A_94 : vector<1x32xf32>
      %mul3A_96 = arith.constant 2.44140625E-4 : f32
      %mul3A_97 = vector.broadcast %mul3A_96 : f32 to vector<1x32xf32>
      %mul3A_98 = arith.mulf %dot_general3A_92, %mul3A_97 : vector<1x32xf32>
      %mul3A_99 = arith.mulf %mul3A_95, %mul3A_95 : vector<1x32xf32>
      %sub3A_100 = arith.subf %mul3A_98, %mul3A_99 : vector<1x32xf32>
      %sub3A_101 = vector.broadcast %mul3A_95 : vector<1x32xf32> to vector<4096x32xf32>
      %sub3A_102 = arith.subf %add3A_87, %sub3A_101 : vector<4096x32xf32>
      %add3A_103 = arith.constant 9.99999974E-6 : f32
      %add3A_104 = vector.broadcast %add3A_103 : f32 to vector<1x32xf32>
      %add3A_105 = arith.addf %sub3A_100, %add3A_104 : vector<1x32xf32>
      %rsqrt3A_106 = math.rsqrt %add3A_105 : vector<1x32xf32>
      %mul3A_107 = vector.broadcast %rsqrt3A_106 : vector<1x32xf32> to vector<4096x32xf32>
      %mul3A_108 = arith.mulf %sub3A_102, %mul3A_107 : vector<4096x32xf32>
      %get3A_109 = arith.constant 0 : index
      %get3A_110 = arith.constant 0 : index
      %get3A_111 = vector.load %arg9[%get3A_109, %get3A_110] : memref<1x32xf32, #tpu.memory_space<vmem>>, vector<1x32xf32>
      %mul3A_112 = vector.broadcast %get3A_111 : vector<1x32xf32> to vector<4096x32xf32>
      %mul3A_113 = arith.mulf %mul3A_108, %mul3A_112 : vector<4096x32xf32>
      %get3A_114 = arith.constant 0 : index
      %get3A_115 = arith.constant 0 : index
      %get3A_116 = vector.load %arg10[%get3A_114, %get3A_115] : memref<1x32xf32, #tpu.memory_space<vmem>>, vector<1x32xf32>
      %add3A_117 = vector.broadcast %get3A_116 : vector<1x32xf32> to vector<4096x32xf32>
      %add3A_118 = arith.addf %mul3A_113, %add3A_117 : vector<4096x32xf32>
      %max3A_119 = arith.constant 0.000000e+00 : f32
      %max3A_120 = vector.broadcast %max3A_119 : f32 to vector<4096x32xf32>
      %max3A_121 = arith.maximumf %add3A_118, %max3A_120 : vector<4096x32xf32>
      %reshape3A_122 = vector.shape_cast %max3A_121 : vector<4096x32xf32> to vector<64x64x32xf32>
      %slice3A = vector.extract_strided_slice %reshape3A_122 {offsets = [0, 0, 0], sizes = [8, 64, 32], strides = [1, 1, 1]} : vector<64x64x32xf32> to vector<8x64x32xf32>
      %reshape3A_123 = vector.shape_cast %slice3A : vector<8x64x32xf32> to vector<512x32xf32>
      %slice3A_124 = vector.extract_strided_slice %reshape3A_122 {offsets = [8, 0, 0], sizes = [8, 64, 32], strides = [1, 1, 1]} : vector<64x64x32xf32> to vector<8x64x32xf32>
      %reshape3A_125 = vector.shape_cast %slice3A_124 : vector<8x64x32xf32> to vector<512x32xf32>
      %slice3A_126 = vector.extract_strided_slice %reshape3A_122 {offsets = [16, 0, 0], sizes = [8, 64, 32], strides = [1, 1, 1]} : vector<64x64x32xf32> to vector<8x64x32xf32>
      %reshape3A_127 = vector.shape_cast %slice3A_126 : vector<8x64x32xf32> to vector<512x32xf32>
      %slice3A_128 = vector.extract_strided_slice %reshape3A_122 {offsets = [24, 0, 0], sizes = [8, 64, 32], strides = [1, 1, 1]} : vector<64x64x32xf32> to vector<8x64x32xf32>
      %reshape3A_129 = vector.shape_cast %slice3A_128 : vector<8x64x32xf32> to vector<512x32xf32>
      %slice3A_130 = vector.extract_strided_slice %reshape3A_122 {offsets = [32, 0, 0], sizes = [8, 64, 32], strides = [1, 1, 1]} : vector<64x64x32xf32> to vector<8x64x32xf32>
      %reshape3A_131 = vector.shape_cast %slice3A_130 : vector<8x64x32xf32> to vector<512x32xf32>
      %slice3A_132 = vector.extract_strided_slice %reshape3A_122 {offsets = [40, 0, 0], sizes = [8, 64, 32], strides = [1, 1, 1]} : vector<64x64x32xf32> to vector<8x64x32xf32>
      %reshape3A_133 = vector.shape_cast %slice3A_132 : vector<8x64x32xf32> to vector<512x32xf32>
      %slice3A_134 = vector.extract_strided_slice %reshape3A_122 {offsets = [48, 0, 0], sizes = [8, 64, 32], strides = [1, 1, 1]} : vector<64x64x32xf32> to vector<8x64x32xf32>
      %reshape3A_135 = vector.shape_cast %slice3A_134 : vector<8x64x32xf32> to vector<512x32xf32>
      %slice3A_136 = vector.extract_strided_slice %reshape3A_122 {offsets = [56, 0, 0], sizes = [8, 64, 32], strides = [1, 1, 1]} : vector<64x64x32xf32> to vector<8x64x32xf32>
      %reshape3A_137 = vector.shape_cast %slice3A_136 : vector<8x64x32xf32> to vector<512x32xf32>
      %get3A_138 = arith.constant 0 : index
      %get3A_139 = arith.constant 0 : index
      %get3A_140 = vector.load %arg11[%get3A_138, %get3A_139] : memref<32x32xf32, #tpu.memory_space<vmem>>, vector<32x32xf32>
      %dot_general3A_141 = arith.constant dense<0.000000e+00> : vector<512x32xf32>
      %dot_general3A_142 = tpu.matmul %reshape3A_123, %get3A_140, %dot_general3A_141 {dimension_numbers = #tpu.dot_dimension_numbers<[1], [1], [0], [0], [0, 0, 1, 0], [], []>, transpose_lhs_hint = false} : vector<512x32xf32>, vector<32x32xf32>, vector<512x32xf32> -> vector<512x32xf32>
      %mul3A_143 = arith.constant 0.353553385 : f32
      %mul3A_144 = vector.broadcast %mul3A_143 : f32 to vector<512x32xf32>
      %mul3A_145 = arith.mulf %dot_general3A_142, %mul3A_144 : vector<512x32xf32>
      %get3A_146 = arith.constant 0 : index
      %get3A_147 = arith.constant 0 : index
      %get3A_148 = vector.load %arg11[%get3A_146, %get3A_147] : memref<32x32xf32, #tpu.memory_space<vmem>>, vector<32x32xf32>
      %dot_general3A_149 = arith.constant dense<0.000000e+00> : vector<512x32xf32>
      %dot_general3A_150 = tpu.matmul %reshape3A_125, %get3A_148, %dot_general3A_149 {dimension_numbers = #tpu.dot_dimension_numbers<[1], [1], [0], [0], [0, 0, 1, 0], [], []>, transpose_lhs_hint = false} : vector<512x32xf32>, vector<32x32xf32>, vector<512x32xf32> -> vector<512x32xf32>
      %mul3A_151 = arith.constant 0.353553385 : f32
      %mul3A_152 = vector.broadcast %mul3A_151 : f32 to vector<512x32xf32>
      %mul3A_153 = arith.mulf %dot_general3A_150, %mul3A_152 : vector<512x32xf32>
      %get3A_154 = arith.constant 0 : index
      %get3A_155 = arith.constant 0 : index
      %get3A_156 = vector.load %arg11[%get3A_154, %get3A_155] : memref<32x32xf32, #tpu.memory_space<vmem>>, vector<32x32xf32>
      %dot_general3A_157 = arith.constant dense<0.000000e+00> : vector<512x32xf32>
      %dot_general3A_158 = tpu.matmul %reshape3A_127, %get3A_156, %dot_general3A_157 {dimension_numbers = #tpu.dot_dimension_numbers<[1], [1], [0], [0], [0, 0, 1, 0], [], []>, transpose_lhs_hint = false} : vector<512x32xf32>, vector<32x32xf32>, vector<512x32xf32> -> vector<512x32xf32>
      %mul3A_159 = arith.constant 0.353553385 : f32
      %mul3A_160 = vector.broadcast %mul3A_159 : f32 to vector<512x32xf32>
      %mul3A_161 = arith.mulf %dot_general3A_158, %mul3A_160 : vector<512x32xf32>
      %get3A_162 = arith.constant 0 : index
      %get3A_163 = arith.constant 0 : index
      %get3A_164 = vector.load %arg11[%get3A_162, %get3A_163] : memref<32x32xf32, #tpu.memory_space<vmem>>, vector<32x32xf32>
      %dot_general3A_165 = arith.constant dense<0.000000e+00> : vector<512x32xf32>
      %dot_general3A_166 = tpu.matmul %reshape3A_129, %get3A_164, %dot_general3A_165 {dimension_numbers = #tpu.dot_dimension_numbers<[1], [1], [0], [0], [0, 0, 1, 0], [], []>, transpose_lhs_hint = false} : vector<512x32xf32>, vector<32x32xf32>, vector<512x32xf32> -> vector<512x32xf32>
      %mul3A_167 = arith.constant 0.353553385 : f32
      %mul3A_168 = vector.broadcast %mul3A_167 : f32 to vector<512x32xf32>
      %mul3A_169 = arith.mulf %dot_general3A_166, %mul3A_168 : vector<512x32xf32>
      %get3A_170 = arith.constant 0 : index
      %get3A_171 = arith.constant 0 : index
      %get3A_172 = vector.load %arg11[%get3A_170, %get3A_171] : memref<32x32xf32, #tpu.memory_space<vmem>>, vector<32x32xf32>
      %dot_general3A_173 = arith.constant dense<0.000000e+00> : vector<512x32xf32>
      %dot_general3A_174 = tpu.matmul %reshape3A_131, %get3A_172, %dot_general3A_173 {dimension_numbers = #tpu.dot_dimension_numbers<[1], [1], [0], [0], [0, 0, 1, 0], [], []>, transpose_lhs_hint = false} : vector<512x32xf32>, vector<32x32xf32>, vector<512x32xf32> -> vector<512x32xf32>
      %mul3A_175 = arith.constant 0.353553385 : f32
      %mul3A_176 = vector.broadcast %mul3A_175 : f32 to vector<512x32xf32>
      %mul3A_177 = arith.mulf %dot_general3A_174, %mul3A_176 : vector<512x32xf32>
      %get3A_178 = arith.constant 0 : index
      %get3A_179 = arith.constant 0 : index
      %get3A_180 = vector.load %arg11[%get3A_178, %get3A_179] : memref<32x32xf32, #tpu.memory_space<vmem>>, vector<32x32xf32>
      %dot_general3A_181 = arith.constant dense<0.000000e+00> : vector<512x32xf32>
      %dot_general3A_182 = tpu.matmul %reshape3A_133, %get3A_180, %dot_general3A_181 {dimension_numbers = #tpu.dot_dimension_numbers<[1], [1], [0], [0], [0, 0, 1, 0], [], []>, transpose_lhs_hint = false} : vector<512x32xf32>, vector<32x32xf32>, vector<512x32xf32> -> vector<512x32xf32>
      %mul3A_183 = arith.constant 0.353553385 : f32
      %mul3A_184 = vector.broadcast %mul3A_183 : f32 to vector<512x32xf32>
      %mul3A_185 = arith.mulf %dot_general3A_182, %mul3A_184 : vector<512x32xf32>
      %get3A_186 = arith.constant 0 : index
      %get3A_187 = arith.constant 0 : index
      %get3A_188 = vector.load %arg11[%get3A_186, %get3A_187] : memref<32x32xf32, #tpu.memory_space<vmem>>, vector<32x32xf32>
      %dot_general3A_189 = arith.constant dense<0.000000e+00> : vector<512x32xf32>
      %dot_general3A_190 = tpu.matmul %reshape3A_135, %get3A_188, %dot_general3A_189 {dimension_numbers = #tpu.dot_dimension_numbers<[1], [1], [0], [0], [0, 0, 1, 0], [], []>, transpose_lhs_hint = false} : vector<512x32xf32>, vector<32x32xf32>, vector<512x32xf32> -> vector<512x32xf32>
      %mul3A_191 = arith.constant 0.353553385 : f32
      %mul3A_192 = vector.broadcast %mul3A_191 : f32 to vector<512x32xf32>
      %mul3A_193 = arith.mulf %dot_general3A_190, %mul3A_192 : vector<512x32xf32>
      %get3A_194 = arith.constant 0 : index
      %get3A_195 = arith.constant 0 : index
      %get3A_196 = vector.load %arg11[%get3A_194, %get3A_195] : memref<32x32xf32, #tpu.memory_space<vmem>>, vector<32x32xf32>
      %dot_general3A_197 = arith.constant dense<0.000000e+00> : vector<512x32xf32>
      %dot_general3A_198 = tpu.matmul %reshape3A_137, %get3A_196, %dot_general3A_197 {dimension_numbers = #tpu.dot_dimension_numbers<[1], [1], [0], [0], [0, 0, 1, 0], [], []>, transpose_lhs_hint = false} : vector<512x32xf32>, vector<32x32xf32>, vector<512x32xf32> -> vector<512x32xf32>
      %mul3A_199 = arith.constant 0.353553385 : f32
      %mul3A_200 = vector.broadcast %mul3A_199 : f32 to vector<512x32xf32>
      %mul3A_201 = arith.mulf %dot_general3A_198, %mul3A_200 : vector<512x32xf32>
      %get3A_202 = arith.constant 0 : index
      %get3A_203 = arith.constant 0 : index
      %get3A_204 = vector.load %arg12[%get3A_202, %get3A_203] : memref<32x32xf32, #tpu.memory_space<vmem>>, vector<32x32xf32>
      %dot_general3A_205 = arith.constant dense<0.000000e+00> : vector<512x32xf32>
      %dot_general3A_206 = tpu.matmul %reshape3A_123, %get3A_204, %dot_general3A_205 {dimension_numbers = #tpu.dot_dimension_numbers<[1], [1], [0], [0], [0, 0, 1, 0], [], []>, transpose_lhs_hint = false} : vector<512x32xf32>, vector<32x32xf32>, vector<512x32xf32> -> vector<512x32xf32>
      %get3A_207 = arith.constant 0 : index
      %get3A_208 = arith.constant 0 : index
      %get3A_209 = vector.load %arg12[%get3A_207, %get3A_208] : memref<32x32xf32, #tpu.memory_space<vmem>>, vector<32x32xf32>
      %dot_general3A_210 = arith.constant dense<0.000000e+00> : vector<512x32xf32>
      %dot_general3A_211 = tpu.matmul %reshape3A_125, %get3A_209, %dot_general3A_210 {dimension_numbers = #tpu.dot_dimension_numbers<[1], [1], [0], [0], [0, 0, 1, 0], [], []>, transpose_lhs_hint = false} : vector<512x32xf32>, vector<32x32xf32>, vector<512x32xf32> -> vector<512x32xf32>
      %get3A_212 = arith.constant 0 : index
      %get3A_213 = arith.constant 0 : index
      %get3A_214 = vector.load %arg12[%get3A_212, %get3A_213] : memref<32x32xf32, #tpu.memory_space<vmem>>, vector<32x32xf32>
      %dot_general3A_215 = arith.constant dense<0.000000e+00> : vector<512x32xf32>
      %dot_general3A_216 = tpu.matmul %reshape3A_127, %get3A_214, %dot_general3A_215 {dimension_numbers = #tpu.dot_dimension_numbers<[1], [1], [0], [0], [0, 0, 1, 0], [], []>, transpose_lhs_hint = false} : vector<512x32xf32>, vector<32x32xf32>, vector<512x32xf32> -> vector<512x32xf32>
      %get3A_217 = arith.constant 0 : index
      %get3A_218 = arith.constant 0 : index
      %get3A_219 = vector.load %arg12[%get3A_217, %get3A_218] : memref<32x32xf32, #tpu.memory_space<vmem>>, vector<32x32xf32>
      %dot_general3A_220 = arith.constant dense<0.000000e+00> : vector<512x32xf32>
      %dot_general3A_221 = tpu.matmul %reshape3A_129, %get3A_219, %dot_general3A_220 {dimension_numbers = #tpu.dot_dimension_numbers<[1], [1], [0], [0], [0, 0, 1, 0], [], []>, transpose_lhs_hint = false} : vector<512x32xf32>, vector<32x32xf32>, vector<512x32xf32> -> vector<512x32xf32>
      %get3A_222 = arith.constant 0 : index
      %get3A_223 = arith.constant 0 : index
      %get3A_224 = vector.load %arg12[%get3A_222, %get3A_223] : memref<32x32xf32, #tpu.memory_space<vmem>>, vector<32x32xf32>
      %dot_general3A_225 = arith.constant dense<0.000000e+00> : vector<512x32xf32>
      %dot_general3A_226 = tpu.matmul %reshape3A_131, %get3A_224, %dot_general3A_225 {dimension_numbers = #tpu.dot_dimension_numbers<[1], [1], [0], [0], [0, 0, 1, 0], [], []>, transpose_lhs_hint = false} : vector<512x32xf32>, vector<32x32xf32>, vector<512x32xf32> -> vector<512x32xf32>
      %get3A_227 = arith.constant 0 : index
      %get3A_228 = arith.constant 0 : index
      %get3A_229 = vector.load %arg12[%get3A_227, %get3A_228] : memref<32x32xf32, #tpu.memory_space<vmem>>, vector<32x32xf32>
      %dot_general3A_230 = arith.constant dense<0.000000e+00> : vector<512x32xf32>
      %dot_general3A_231 = tpu.matmul %reshape3A_133, %get3A_229, %dot_general3A_230 {dimension_numbers = #tpu.dot_dimension_numbers<[1], [1], [0], [0], [0, 0, 1, 0], [], []>, transpose_lhs_hint = false} : vector<512x32xf32>, vector<32x32xf32>, vector<512x32xf32> -> vector<512x32xf32>
      %get3A_232 = arith.constant 0 : index
      %get3A_233 = arith.constant 0 : index
      %get3A_234 = vector.load %arg12[%get3A_232, %get3A_233] : memref<32x32xf32, #tpu.memory_space<vmem>>, vector<32x32xf32>
      %dot_general3A_235 = arith.constant dense<0.000000e+00> : vector<512x32xf32>
      %dot_general3A_236 = tpu.matmul %reshape3A_135, %get3A_234, %dot_general3A_235 {dimension_numbers = #tpu.dot_dimension_numbers<[1], [1], [0], [0], [0, 0, 1, 0], [], []>, transpose_lhs_hint = false} : vector<512x32xf32>, vector<32x32xf32>, vector<512x32xf32> -> vector<512x32xf32>
      %get3A_237 = arith.constant 0 : index
      %get3A_238 = arith.constant 0 : index
      %get3A_239 = vector.load %arg12[%get3A_237, %get3A_238] : memref<32x32xf32, #tpu.memory_space<vmem>>, vector<32x32xf32>
      %dot_general3A_240 = arith.constant dense<0.000000e+00> : vector<512x32xf32>
      %dot_general3A_241 = tpu.matmul %reshape3A_137, %get3A_239, %dot_general3A_240 {dimension_numbers = #tpu.dot_dimension_numbers<[1], [1], [0], [0], [0, 0, 1, 0], [], []>, transpose_lhs_hint = false} : vector<512x32xf32>, vector<32x32xf32>, vector<512x32xf32> -> vector<512x32xf32>
      %get3A_242 = arith.constant 0 : index
      %get3A_243 = arith.constant 0 : index
      %get3A_244 = vector.load %arg13[%get3A_242, %get3A_243] : memref<32x32xf32, #tpu.memory_space<vmem>>, vector<32x32xf32>
      %dot_general3A_245 = arith.constant dense<0.000000e+00> : vector<512x32xf32>
      %dot_general3A_246 = tpu.matmul %reshape3A_123, %get3A_244, %dot_general3A_245 {dimension_numbers = #tpu.dot_dimension_numbers<[1], [1], [0], [0], [0, 0, 1, 0], [], []>, transpose_lhs_hint = false} : vector<512x32xf32>, vector<32x32xf32>, vector<512x32xf32> -> vector<512x32xf32>
      %get3A_247 = arith.constant 0 : index
      %get3A_248 = arith.constant 0 : index
      %get3A_249 = vector.load %arg13[%get3A_247, %get3A_248] : memref<32x32xf32, #tpu.memory_space<vmem>>, vector<32x32xf32>
      %dot_general3A_250 = arith.constant dense<0.000000e+00> : vector<512x32xf32>
      %dot_general3A_251 = tpu.matmul %reshape3A_125, %get3A_249, %dot_general3A_250 {dimension_numbers = #tpu.dot_dimension_numbers<[1], [1], [0], [0], [0, 0, 1, 0], [], []>, transpose_lhs_hint = false} : vector<512x32xf32>, vector<32x32xf32>, vector<512x32xf32> -> vector<512x32xf32>
      %get3A_252 = arith.constant 0 : index
      %get3A_253 = arith.constant 0 : index
      %get3A_254 = vector.load %arg13[%get3A_252, %get3A_253] : memref<32x32xf32, #tpu.memory_space<vmem>>, vector<32x32xf32>
      %dot_general3A_255 = arith.constant dense<0.000000e+00> : vector<512x32xf32>
      %dot_general3A_256 = tpu.matmul %reshape3A_127, %get3A_254, %dot_general3A_255 {dimension_numbers = #tpu.dot_dimension_numbers<[1], [1], [0], [0], [0, 0, 1, 0], [], []>, transpose_lhs_hint = false} : vector<512x32xf32>, vector<32x32xf32>, vector<512x32xf32> -> vector<512x32xf32>
      %get3A_257 = arith.constant 0 : index
      %get3A_258 = arith.constant 0 : index
      %get3A_259 = vector.load %arg13[%get3A_257, %get3A_258] : memref<32x32xf32, #tpu.memory_space<vmem>>, vector<32x32xf32>
      %dot_general3A_260 = arith.constant dense<0.000000e+00> : vector<512x32xf32>
      %dot_general3A_261 = tpu.matmul %reshape3A_129, %get3A_259, %dot_general3A_260 {dimension_numbers = #tpu.dot_dimension_numbers<[1], [1], [0], [0], [0, 0, 1, 0], [], []>, transpose_lhs_hint = false} : vector<512x32xf32>, vector<32x32xf32>, vector<512x32xf32> -> vector<512x32xf32>
      %get3A_262 = arith.constant 0 : index
      %get3A_263 = arith.constant 0 : index
      %get3A_264 = vector.load %arg13[%get3A_262, %get3A_263] : memref<32x32xf32, #tpu.memory_space<vmem>>, vector<32x32xf32>
      %dot_general3A_265 = arith.constant dense<0.000000e+00> : vector<512x32xf32>
      %dot_general3A_266 = tpu.matmul %reshape3A_131, %get3A_264, %dot_general3A_265 {dimension_numbers = #tpu.dot_dimension_numbers<[1], [1], [0], [0], [0, 0, 1, 0], [], []>, transpose_lhs_hint = false} : vector<512x32xf32>, vector<32x32xf32>, vector<512x32xf32> -> vector<512x32xf32>
      %get3A_267 = arith.constant 0 : index
      %get3A_268 = arith.constant 0 : index
      %get3A_269 = vector.load %arg13[%get3A_267, %get3A_268] : memref<32x32xf32, #tpu.memory_space<vmem>>, vector<32x32xf32>
      %dot_general3A_270 = arith.constant dense<0.000000e+00> : vector<512x32xf32>
      %dot_general3A_271 = tpu.matmul %reshape3A_133, %get3A_269, %dot_general3A_270 {dimension_numbers = #tpu.dot_dimension_numbers<[1], [1], [0], [0], [0, 0, 1, 0], [], []>, transpose_lhs_hint = false} : vector<512x32xf32>, vector<32x32xf32>, vector<512x32xf32> -> vector<512x32xf32>
      %get3A_272 = arith.constant 0 : index
      %get3A_273 = arith.constant 0 : index
      %get3A_274 = vector.load %arg13[%get3A_272, %get3A_273] : memref<32x32xf32, #tpu.memory_space<vmem>>, vector<32x32xf32>
      %dot_general3A_275 = arith.constant dense<0.000000e+00> : vector<512x32xf32>
      %dot_general3A_276 = tpu.matmul %reshape3A_135, %get3A_274, %dot_general3A_275 {dimension_numbers = #tpu.dot_dimension_numbers<[1], [1], [0], [0], [0, 0, 1, 0], [], []>, transpose_lhs_hint = false} : vector<512x32xf32>, vector<32x32xf32>, vector<512x32xf32> -> vector<512x32xf32>
      %get3A_277 = arith.constant 0 : index
      %get3A_278 = arith.constant 0 : index
      %get3A_279 = vector.load %arg13[%get3A_277, %get3A_278] : memref<32x32xf32, #tpu.memory_space<vmem>>, vector<32x32xf32>
      %dot_general3A_280 = arith.constant dense<0.000000e+00> : vector<512x32xf32>
      %dot_general3A_281 = tpu.matmul %reshape3A_137, %get3A_279, %dot_general3A_280 {dimension_numbers = #tpu.dot_dimension_numbers<[1], [1], [0], [0], [0, 0, 1, 0], [], []>, transpose_lhs_hint = false} : vector<512x32xf32>, vector<32x32xf32>, vector<512x32xf32> -> vector<512x32xf32>
      %iota3A = tpu.iota {dimensions = array<i32: 0>} : vector<32x4xi32>
      %jit3A = arith.constant 8 : i32
      %div3A = vector.broadcast %jit3A : i32 to vector<32x4xi32>
      %div3A_282 = arith.divsi %iota3A, %div3A : vector<32x4xi32>
      %sign3A = arith.constant 0 : i32
      %sign3A_283 = vector.broadcast %sign3A : i32 to vector<32x4xi32>
      %sign3A_284 = arith.cmpi sgt, %iota3A, %sign3A_283 : vector<32x4xi32>
      %sign3A_285 = arith.extui %sign3A_284 : vector<32x4xi1> to vector<32x4xi32>
      %sign3A_286 = arith.constant 0 : i32
      %sign3A_287 = vector.broadcast %sign3A_286 : i32 to vector<32x4xi32>
      %sign3A_288 = arith.cmpi slt, %iota3A, %sign3A_287 : vector<32x4xi32>
      %sign3A_289 = arith.extui %sign3A_288 : vector<32x4xi1> to vector<32x4xi32>
      %sign3A_290 = arith.subi %sign3A_285, %sign3A_289 : vector<32x4xi32>
      %sign3A_291 = arith.constant 0 : i32
      %sign3A_292 = arith.cmpi sgt, %jit3A, %sign3A_291 : i32
      %sign3A_293 = arith.extui %sign3A_292 : i1 to i32
      %sign3A_294 = arith.constant 0 : i32
      %sign3A_295 = arith.cmpi slt, %jit3A, %sign3A_294 : i32
      %sign3A_296 = arith.extui %sign3A_295 : i1 to i32
      %sign3A_297 = arith.subi %sign3A_293, %sign3A_296 : i32
      %ne3A = vector.broadcast %sign3A_297 : i32 to vector<32x4xi32>
      %ne3A_298 = arith.cmpi ne, %sign3A_290, %ne3A : vector<32x4xi32>
      %rem3A = vector.broadcast %jit3A : i32 to vector<32x4xi32>
      %rem3A_299 = arith.remsi %iota3A, %rem3A : vector<32x4xi32>
      %ne3A_300 = arith.constant 0 : i32
      %ne3A_301 = vector.broadcast %ne3A_300 : i32 to vector<32x4xi32>
      %ne3A_302 = arith.cmpi ne, %rem3A_299, %ne3A_301 : vector<32x4xi32>
      %and3A = arith.andi %ne3A_298, %ne3A_302 : vector<32x4xi1>
      %sub3A_303 = arith.constant 1 : i32
      %sub3A_304 = vector.broadcast %sub3A_303 : i32 to vector<32x4xi32>
      %sub3A_305 = arith.subi %div3A_282, %sub3A_304 : vector<32x4xi32>
      %select_n3A = arith.select %and3A, %sub3A_305, %div3A_282 : vector<32x4xi1>, vector<32x4xi32>
      %iota3A_306 = tpu.iota {dimensions = array<i32: 1>} : vector<32x4xi32>
      %eq3A_307 = arith.cmpi eq, %select_n3A, %iota3A_306 : vector<32x4xi32>
      %convert_element_type3A_308 = arith.extui %eq3A_307 : vector<32x4xi1> to vector<32x4xi32>
      %convert_element_type3A_309 = arith.sitofp %convert_element_type3A_308 : vector<32x4xi32> to vector<32x4xf32>
      %get3A_310 = arith.constant 0 : index
      %get3A_311 = arith.constant 0 : index
      %get3A_312 = vector.load %arg14[%get3A_310, %get3A_311] : memref<1x32xf32, #tpu.memory_space<vmem>>, vector<1x32xf32>
      %get3A_313 = arith.constant 0 : index
      %get3A_314 = arith.constant 0 : index
      %get3A_315 = vector.load %arg15[%get3A_313, %get3A_314] : memref<1x32xf32, #tpu.memory_space<vmem>>, vector<1x32xf32>
      %concatenate3A = tpu.concatenate %get3A_312, %get3A_315 in 0 : vector<1x32xf32>, vector<1x32xf32> -> vector<2x32xf32>
      %concatenate3A_316 = tpu.concatenate %dot_general3A_246, %dot_general3A_251, %dot_general3A_256, %dot_general3A_261, %dot_general3A_266, %dot_general3A_271, %dot_general3A_276, %dot_general3A_281 in 1 : vector<512x32xf32>, vector<512x32xf32>, vector<512x32xf32>, vector<512x32xf32>, vector<512x32xf32>, vector<512x32xf32>, vector<512x32xf32>, vector<512x32xf32> -> vector<512x256xf32>
      %mul3A_317 = arith.mulf %mul3A_145, %dot_general3A_206 : vector<512x32xf32>
      %dot_general3A_318 = arith.constant dense<0.000000e+00> : vector<512x4xf32>
      %dot_general3A_319 = tpu.matmul %mul3A_317, %convert_element_type3A_309, %dot_general3A_318 {dimension_numbers = #tpu.dot_dimension_numbers<[1], [0], [0], [1], [0, 0, 1, 1], [], []>, transpose_lhs_hint = false} : vector<512x32xf32>, vector<32x4xf32>, vector<512x4xf32> -> vector<512x4xf32>
      %reduce_max3A = arith.constant dense<0xFF800000> : vector<512xf32>
      %reduce_max3A_320 = vector.multi_reduction <maximumf>, %dot_general3A_319, %reduce_max3A [1] : vector<512x4xf32> to vector<512xf32>
      %broadcast_in_dim3A_321 = vector.shape_cast %reduce_max3A_320 : vector<512xf32> to vector<512x1xf32>
      %sub3A_322 = vector.broadcast %broadcast_in_dim3A_321 : vector<512x1xf32> to vector<512x4xf32>
      %sub3A_323 = arith.subf %dot_general3A_319, %sub3A_322 : vector<512x4xf32>
      %exp3A = math.exp %sub3A_323 : vector<512x4xf32>
      %iota3A_324 = tpu.iota {dimensions = array<i32: 0>} : vector<4x4xi32>
      %iota3A_325 = tpu.iota {dimensions = array<i32: 1>} : vector<4x4xi32>
      %jit3A_326 = arith.constant 4 : i32
      %eq3A_327 = arith.constant 0 : i32
      %eq3A_328 = arith.cmpi eq, %jit3A_326, %eq3A_327 : i32
      %jit3A_329 = arith.constant 1 : i32
      %select_n3A_330 = arith.select %eq3A_328, %jit3A_329, %jit3A_326 : i32
      %rem3A_331 = vector.broadcast %select_n3A_330 : i32 to vector<4x4xi32>
      %rem3A_332 = arith.remsi %iota3A_324, %rem3A_331 : vector<4x4xi32>
      %ne3A_333 = arith.constant 0 : i32
      %ne3A_334 = vector.broadcast %ne3A_333 : i32 to vector<4x4xi32>
      %ne3A_335 = arith.cmpi ne, %rem3A_332, %ne3A_334 : vector<4x4xi32>
      %lt3A = arith.constant 0 : i32
      %lt3A_336 = vector.broadcast %lt3A : i32 to vector<4x4xi32>
      %lt3A_337 = arith.cmpi slt, %rem3A_332, %lt3A_336 : vector<4x4xi32>
      %lt3A_338 = arith.constant 0 : i32
      %lt3A_339 = arith.cmpi slt, %select_n3A_330, %lt3A_338 : i32
      %ne3A_340 = vector.broadcast %lt3A_339 : i1 to vector<4x4xi1>
      %ne3A_341 = vector.broadcast %ne3A_340 : vector<4x4xi1> to vector<4x4xi1>
      %ne3A_342 = arith.xori %lt3A_337, %ne3A_341 : vector<4x4xi1>
      %and3A_343 = arith.andi %ne3A_342, %ne3A_335 : vector<4x4xi1>
      %add3A_344 = vector.broadcast %select_n3A_330 : i32 to vector<4x4xi32>
      %add3A_345 = arith.addi %rem3A_332, %add3A_344 : vector<4x4xi32>
      %select_n3A_346 = arith.select %and3A_343, %add3A_345, %rem3A_332 : vector<4x4xi1>, vector<4x4xi32>
      %eq3A_347 = arith.cmpi eq, %select_n3A_346, %iota3A_325 : vector<4x4xi32>
      %convert_element_type3A_348 = arith.extui %eq3A_347 : vector<4x4xi1> to vector<4x4xi32>
      %convert_element_type3A_349 = arith.sitofp %convert_element_type3A_348 : vector<4x4xi32> to vector<4x4xf32>
      %dot_general3A_350 = arith.constant dense<0.000000e+00> : vector<512x4xf32>
      %dot_general3A_351 = tpu.matmul %exp3A, %convert_element_type3A_349, %dot_general3A_350 {dimension_numbers = #tpu.dot_dimension_numbers<[1], [0], [0], [1], [0, 0, 1, 1], [], []>, transpose_lhs_hint = false} : vector<512x4xf32>, vector<4x4xf32>, vector<512x4xf32> -> vector<512x4xf32>
      %div3A_352 = arith.constant 1.000000e+00 : f32
      %div3A_353 = vector.broadcast %div3A_352 : f32 to vector<512x4xf32>
      %div3A_354 = arith.divf %div3A_353, %dot_general3A_351 : vector<512x4xf32>
      %transpose3A_355 = tpu.transpose %iota3A_325, [1, 0] : vector<4x4xi32> -> vector<4x4xi32>
      %jit3A_356 = arith.constant 4 : i32
      %eq3A_357 = arith.constant 0 : i32
      %eq3A_358 = arith.cmpi eq, %jit3A_356, %eq3A_357 : i32
      %jit3A_359 = arith.constant 1 : i32
      %select_n3A_360 = arith.select %eq3A_358, %jit3A_359, %jit3A_356 : i32
      %rem3A_361 = vector.broadcast %select_n3A_360 : i32 to vector<4x4xi32>
      %rem3A_362 = arith.remsi %iota3A_324, %rem3A_361 : vector<4x4xi32>
      %ne3A_363 = arith.constant 0 : i32
      %ne3A_364 = vector.broadcast %ne3A_363 : i32 to vector<4x4xi32>
      %ne3A_365 = arith.cmpi ne, %rem3A_362, %ne3A_364 : vector<4x4xi32>
      %lt3A_366 = arith.constant 0 : i32
      %lt3A_367 = vector.broadcast %lt3A_366 : i32 to vector<4x4xi32>
      %lt3A_368 = arith.cmpi slt, %rem3A_362, %lt3A_367 : vector<4x4xi32>
      %lt3A_369 = arith.constant 0 : i32
      %lt3A_370 = arith.cmpi slt, %select_n3A_360, %lt3A_369 : i32
      %ne3A_371 = vector.broadcast %lt3A_370 : i1 to vector<4x4xi1>
      %ne3A_372 = vector.broadcast %ne3A_371 : vector<4x4xi1> to vector<4x4xi1>
      %ne3A_373 = arith.xori %lt3A_368, %ne3A_372 : vector<4x4xi1>
      %and3A_374 = arith.andi %ne3A_373, %ne3A_365 : vector<4x4xi1>
      %add3A_375 = vector.broadcast %select_n3A_360 : i32 to vector<4x4xi32>
      %add3A_376 = arith.addi %rem3A_362, %add3A_375 : vector<4x4xi32>
      %select_n3A_377 = arith.select %and3A_374, %add3A_376, %rem3A_362 : vector<4x4xi1>, vector<4x4xi32>
      %transpose3A_378 = tpu.transpose %select_n3A_377, [1, 0] : vector<4x4xi32> -> vector<4x4xi32>
      %eq3A_379 = arith.cmpi eq, %transpose3A_355, %transpose3A_378 : vector<4x4xi32>
      %convert_element_type3A_380 = arith.extui %eq3A_379 : vector<4x4xi1> to vector<4x4xi32>
      %convert_element_type3A_381 = arith.sitofp %convert_element_type3A_380 : vector<4x4xi32> to vector<4x4xf32>
      %dot_general3A_382 = arith.constant dense<0.000000e+00> : vector<512x4xf32>
      %dot_general3A_383 = tpu.matmul %div3A_354, %convert_element_type3A_381, %dot_general3A_382 {dimension_numbers = #tpu.dot_dimension_numbers<[1], [0], [0], [1], [0, 0, 1, 1], [], []>, transpose_lhs_hint = false} : vector<512x4xf32>, vector<4x4xf32>, vector<512x4xf32> -> vector<512x4xf32>
      %mul3A_384 = arith.mulf %exp3A, %dot_general3A_383 : vector<512x4xf32>
      %iota3A_385 = tpu.iota {dimensions = array<i32: 0>} : vector<4x32xi32>
      %iota3A_386 = tpu.iota {dimensions = array<i32: 1>} : vector<4x32xi32>
      %jit3A_387 = arith.constant 32 : i32
      %div3A_388 = vector.broadcast %jit3A_387 : i32 to vector<4x32xi32>
      %div3A_389 = arith.divsi %iota3A_386, %div3A_388 : vector<4x32xi32>
      %sign3A_390 = arith.constant 0 : i32
      %sign3A_391 = vector.broadcast %sign3A_390 : i32 to vector<4x32xi32>
      %sign3A_392 = arith.cmpi sgt, %iota3A_386, %sign3A_391 : vector<4x32xi32>
      %sign3A_393 = arith.extui %sign3A_392 : vector<4x32xi1> to vector<4x32xi32>
      %sign3A_394 = arith.constant 0 : i32
      %sign3A_395 = vector.broadcast %sign3A_394 : i32 to vector<4x32xi32>
      %sign3A_396 = arith.cmpi slt, %iota3A_386, %sign3A_395 : vector<4x32xi32>
      %sign3A_397 = arith.extui %sign3A_396 : vector<4x32xi1> to vector<4x32xi32>
      %sign3A_398 = arith.subi %sign3A_393, %sign3A_397 : vector<4x32xi32>
      %sign3A_399 = arith.constant 0 : i32
      %sign3A_400 = arith.cmpi sgt, %jit3A_387, %sign3A_399 : i32
      %sign3A_401 = arith.extui %sign3A_400 : i1 to i32
      %sign3A_402 = arith.constant 0 : i32
      %sign3A_403 = arith.cmpi slt, %jit3A_387, %sign3A_402 : i32
      %sign3A_404 = arith.extui %sign3A_403 : i1 to i32
      %sign3A_405 = arith.subi %sign3A_401, %sign3A_404 : i32
      %ne3A_406 = vector.broadcast %sign3A_405 : i32 to vector<4x32xi32>
      %ne3A_407 = arith.cmpi ne, %sign3A_398, %ne3A_406 : vector<4x32xi32>
      %rem3A_408 = vector.broadcast %jit3A_387 : i32 to vector<4x32xi32>
      %rem3A_409 = arith.remsi %iota3A_386, %rem3A_408 : vector<4x32xi32>
      %ne3A_410 = arith.constant 0 : i32
      %ne3A_411 = vector.broadcast %ne3A_410 : i32 to vector<4x32xi32>
      %ne3A_412 = arith.cmpi ne, %rem3A_409, %ne3A_411 : vector<4x32xi32>
      %and3A_413 = arith.andi %ne3A_407, %ne3A_412 : vector<4x32xi1>
      %sub3A_414 = arith.constant 1 : i32
      %sub3A_415 = vector.broadcast %sub3A_414 : i32 to vector<4x32xi32>
      %sub3A_416 = arith.subi %div3A_389, %sub3A_415 : vector<4x32xi32>
      %select_n3A_417 = arith.select %and3A_413, %sub3A_416, %div3A_389 : vector<4x32xi1>, vector<4x32xi32>
      %jit3A_418 = arith.constant 4 : i32
      %div3A_419 = vector.broadcast %jit3A_418 : i32 to vector<4x32xi32>
      %div3A_420 = arith.divsi %iota3A_385, %div3A_419 : vector<4x32xi32>
      %sign3A_421 = arith.constant 0 : i32
      %sign3A_422 = vector.broadcast %sign3A_421 : i32 to vector<4x32xi32>
      %sign3A_423 = arith.cmpi sgt, %iota3A_385, %sign3A_422 : vector<4x32xi32>
      %sign3A_424 = arith.extui %sign3A_423 : vector<4x32xi1> to vector<4x32xi32>
      %sign3A_425 = arith.constant 0 : i32
      %sign3A_426 = vector.broadcast %sign3A_425 : i32 to vector<4x32xi32>
      %sign3A_427 = arith.cmpi slt, %iota3A_385, %sign3A_426 : vector<4x32xi32>
      %sign3A_428 = arith.extui %sign3A_427 : vector<4x32xi1> to vector<4x32xi32>
      %sign3A_429 = arith.subi %sign3A_424, %sign3A_428 : vector<4x32xi32>
      %sign3A_430 = arith.constant 0 : i32
      %sign3A_431 = arith.cmpi sgt, %jit3A_418, %sign3A_430 : i32
      %sign3A_432 = arith.extui %sign3A_431 : i1 to i32
      %sign3A_433 = arith.constant 0 : i32
      %sign3A_434 = arith.cmpi slt, %jit3A_418, %sign3A_433 : i32
      %sign3A_435 = arith.extui %sign3A_434 : i1 to i32
      %sign3A_436 = arith.subi %sign3A_432, %sign3A_435 : i32
      %ne3A_437 = vector.broadcast %sign3A_436 : i32 to vector<4x32xi32>
      %ne3A_438 = arith.cmpi ne, %sign3A_429, %ne3A_437 : vector<4x32xi32>
      %rem3A_439 = vector.broadcast %jit3A_418 : i32 to vector<4x32xi32>
      %rem3A_440 = arith.remsi %iota3A_385, %rem3A_439 : vector<4x32xi32>
      %ne3A_441 = arith.constant 0 : i32
      %ne3A_442 = vector.broadcast %ne3A_441 : i32 to vector<4x32xi32>
      %ne3A_443 = arith.cmpi ne, %rem3A_440, %ne3A_442 : vector<4x32xi32>
      %and3A_444 = arith.andi %ne3A_438, %ne3A_443 : vector<4x32xi1>
      %sub3A_445 = arith.constant 1 : i32
      %sub3A_446 = vector.broadcast %sub3A_445 : i32 to vector<4x32xi32>
      %sub3A_447 = arith.subi %div3A_420, %sub3A_446 : vector<4x32xi32>
      %select_n3A_448 = arith.select %and3A_444, %sub3A_447, %div3A_420 : vector<4x32xi1>, vector<4x32xi32>
      %eq3A_449 = arith.cmpi eq, %select_n3A_417, %select_n3A_448 : vector<4x32xi32>
      %jit3A_450 = arith.constant 32 : i32
      %eq3A_451 = arith.constant 0 : i32
      %eq3A_452 = arith.cmpi eq, %jit3A_450, %eq3A_451 : i32
      %jit3A_453 = arith.constant 1 : i32
      %select_n3A_454 = arith.select %eq3A_452, %jit3A_453, %jit3A_450 : i32
      %rem3A_455 = vector.broadcast %select_n3A_454 : i32 to vector<4x32xi32>
      %rem3A_456 = arith.remsi %iota3A_386, %rem3A_455 : vector<4x32xi32>
      %ne3A_457 = arith.constant 0 : i32
      %ne3A_458 = vector.broadcast %ne3A_457 : i32 to vector<4x32xi32>
      %ne3A_459 = arith.cmpi ne, %rem3A_456, %ne3A_458 : vector<4x32xi32>
      %lt3A_460 = arith.constant 0 : i32
      %lt3A_461 = vector.broadcast %lt3A_460 : i32 to vector<4x32xi32>
      %lt3A_462 = arith.cmpi slt, %rem3A_456, %lt3A_461 : vector<4x32xi32>
      %lt3A_463 = arith.constant 0 : i32
      %lt3A_464 = arith.cmpi slt, %select_n3A_454, %lt3A_463 : i32
      %ne3A_465 = vector.broadcast %lt3A_464 : i1 to vector<4x32xi1>
      %ne3A_466 = vector.broadcast %ne3A_465 : vector<4x32xi1> to vector<4x32xi1>
      %ne3A_467 = arith.xori %lt3A_462, %ne3A_466 : vector<4x32xi1>
      %and3A_468 = arith.andi %ne3A_467, %ne3A_459 : vector<4x32xi1>
      %add3A_469 = vector.broadcast %select_n3A_454 : i32 to vector<4x32xi32>
      %add3A_470 = arith.addi %rem3A_456, %add3A_469 : vector<4x32xi32>
      %select_n3A_471 = arith.select %and3A_468, %add3A_470, %rem3A_456 : vector<4x32xi1>, vector<4x32xi32>
      %jit3A_472 = arith.constant 8 : i32
      %div3A_473 = vector.broadcast %jit3A_472 : i32 to vector<4x32xi32>
      %div3A_474 = arith.divsi %select_n3A_471, %div3A_473 : vector<4x32xi32>
      %sign3A_475 = arith.constant 0 : i32
      %sign3A_476 = vector.broadcast %sign3A_475 : i32 to vector<4x32xi32>
      %sign3A_477 = arith.cmpi sgt, %select_n3A_471, %sign3A_476 : vector<4x32xi32>
      %sign3A_478 = arith.extui %sign3A_477 : vector<4x32xi1> to vector<4x32xi32>
      %sign3A_479 = arith.constant 0 : i32
      %sign3A_480 = vector.broadcast %sign3A_479 : i32 to vector<4x32xi32>
      %sign3A_481 = arith.cmpi slt, %select_n3A_471, %sign3A_480 : vector<4x32xi32>
      %sign3A_482 = arith.extui %sign3A_481 : vector<4x32xi1> to vector<4x32xi32>
      %sign3A_483 = arith.subi %sign3A_478, %sign3A_482 : vector<4x32xi32>
      %sign3A_484 = arith.constant 0 : i32
      %sign3A_485 = arith.cmpi sgt, %jit3A_472, %sign3A_484 : i32
      %sign3A_486 = arith.extui %sign3A_485 : i1 to i32
      %sign3A_487 = arith.constant 0 : i32
      %sign3A_488 = arith.cmpi slt, %jit3A_472, %sign3A_487 : i32
      %sign3A_489 = arith.extui %sign3A_488 : i1 to i32
      %sign3A_490 = arith.subi %sign3A_486, %sign3A_489 : i32
      %ne3A_491 = vector.broadcast %sign3A_490 : i32 to vector<4x32xi32>
      %ne3A_492 = arith.cmpi ne, %sign3A_483, %ne3A_491 : vector<4x32xi32>
      %rem3A_493 = vector.broadcast %jit3A_472 : i32 to vector<4x32xi32>
      %rem3A_494 = arith.remsi %select_n3A_471, %rem3A_493 : vector<4x32xi32>
      %ne3A_495 = arith.constant 0 : i32
      %ne3A_496 = vector.broadcast %ne3A_495 : i32 to vector<4x32xi32>
      %ne3A_497 = arith.cmpi ne, %rem3A_494, %ne3A_496 : vector<4x32xi32>
      %and3A_498 = arith.andi %ne3A_492, %ne3A_497 : vector<4x32xi1>
      %sub3A_499 = arith.constant 1 : i32
      %sub3A_500 = vector.broadcast %sub3A_499 : i32 to vector<4x32xi32>
      %sub3A_501 = arith.subi %div3A_474, %sub3A_500 : vector<4x32xi32>
      %select_n3A_502 = arith.select %and3A_498, %sub3A_501, %div3A_474 : vector<4x32xi1>, vector<4x32xi32>
      %jit3A_503 = arith.constant 4 : i32
      %eq3A_504 = arith.constant 0 : i32
      %eq3A_505 = arith.cmpi eq, %jit3A_503, %eq3A_504 : i32
      %jit3A_506 = arith.constant 1 : i32
      %select_n3A_507 = arith.select %eq3A_505, %jit3A_506, %jit3A_503 : i32
      %rem3A_508 = vector.broadcast %select_n3A_507 : i32 to vector<4x32xi32>
      %rem3A_509 = arith.remsi %iota3A_385, %rem3A_508 : vector<4x32xi32>
      %ne3A_510 = arith.constant 0 : i32
      %ne3A_511 = vector.broadcast %ne3A_510 : i32 to vector<4x32xi32>
      %ne3A_512 = arith.cmpi ne, %rem3A_509, %ne3A_511 : vector<4x32xi32>
      %lt3A_513 = arith.constant 0 : i32
      %lt3A_514 = vector.broadcast %lt3A_513 : i32 to vector<4x32xi32>
      %lt3A_515 = arith.cmpi slt, %rem3A_509, %lt3A_514 : vector<4x32xi32>
      %lt3A_516 = arith.constant 0 : i32
      %lt3A_517 = arith.cmpi slt, %select_n3A_507, %lt3A_516 : i32
      %ne3A_518 = vector.broadcast %lt3A_517 : i1 to vector<4x32xi1>
      %ne3A_519 = vector.broadcast %ne3A_518 : vector<4x32xi1> to vector<4x32xi1>
      %ne3A_520 = arith.xori %lt3A_515, %ne3A_519 : vector<4x32xi1>
      %and3A_521 = arith.andi %ne3A_520, %ne3A_512 : vector<4x32xi1>
      %add3A_522 = vector.broadcast %select_n3A_507 : i32 to vector<4x32xi32>
      %add3A_523 = arith.addi %rem3A_509, %add3A_522 : vector<4x32xi32>
      %select_n3A_524 = arith.select %and3A_521, %add3A_523, %rem3A_509 : vector<4x32xi1>, vector<4x32xi32>
      %eq3A_525 = arith.cmpi eq, %select_n3A_502, %select_n3A_524 : vector<4x32xi32>
      %and3A_526 = arith.andi %eq3A_449, %eq3A_525 : vector<4x32xi1>
      %convert_element_type3A_527 = arith.extui %and3A_526 : vector<4x32xi1> to vector<4x32xi32>
      %convert_element_type3A_528 = arith.sitofp %convert_element_type3A_527 : vector<4x32xi32> to vector<4x32xf32>
      %dot_general3A_529 = arith.constant dense<0.000000e+00> : vector<512x32xf32>
      %dot_general3A_530 = tpu.matmul %mul3A_384, %convert_element_type3A_528, %dot_general3A_529 {dimension_numbers = #tpu.dot_dimension_numbers<[1], [0], [0], [1], [0, 0, 1, 1], [], []>, transpose_lhs_hint = false} : vector<512x4xf32>, vector<4x32xf32>, vector<512x32xf32> -> vector<512x32xf32>
      %slice3A_531 = vector.extract_strided_slice %concatenate3A_316 {offsets = [0, 0], sizes = [512, 32], strides = [1, 1]} : vector<512x256xf32> to vector<512x32xf32>
      %mul3A_532 = arith.mulf %dot_general3A_530, %slice3A_531 : vector<512x32xf32>
      %dot_general3A_533 = arith.constant dense<0.000000e+00> : vector<512x2xf32>
      %dot_general3A_534 = tpu.matmul %mul3A_532, %concatenate3A, %dot_general3A_533 {dimension_numbers = #tpu.dot_dimension_numbers<[1], [1], [0], [0], [0, 0, 1, 0], [], []>, transpose_lhs_hint = false} : vector<512x32xf32>, vector<2x32xf32>, vector<512x2xf32> -> vector<512x2xf32>
      %slice3A_535 = vector.extract_strided_slice %dot_general3A_534 {offsets = [0, 0], sizes = [512, 1], strides = [1, 1]} : vector<512x2xf32> to vector<512x1xf32>
      %slice3A_536 = vector.extract_strided_slice %dot_general3A_534 {offsets = [0, 1], sizes = [512, 1], strides = [1, 1]} : vector<512x2xf32> to vector<512x1xf32>
      %mul3A_537 = arith.mulf %slice3A_535, %slice3A_536 : vector<512x1xf32>
      %mul3A_538 = arith.mulf %mul3A_153, %dot_general3A_206 : vector<512x32xf32>
      %mul3A_539 = arith.mulf %mul3A_153, %dot_general3A_211 : vector<512x32xf32>
      %concatenate3A_540 = tpu.concatenate %mul3A_538, %mul3A_539 in 0 : vector<512x32xf32>, vector<512x32xf32> -> vector<1024x32xf32>
      %dot_general3A_541 = arith.constant dense<0.000000e+00> : vector<1024x4xf32>
      %dot_general3A_542 = tpu.matmul %concatenate3A_540, %convert_element_type3A_309, %dot_general3A_541 {dimension_numbers = #tpu.dot_dimension_numbers<[1], [0], [0], [1], [0, 0, 1, 1], [], []>, transpose_lhs_hint = false} : vector<1024x32xf32>, vector<32x4xf32>, vector<1024x4xf32> -> vector<1024x4xf32>
      %slice3A_543 = vector.extract_strided_slice %dot_general3A_542 {offsets = [0, 0], sizes = [512, 4], strides = [1, 1]} : vector<1024x4xf32> to vector<512x4xf32>
      %slice3A_544 = vector.extract_strided_slice %dot_general3A_542 {offsets = [512, 0], sizes = [512, 4], strides = [1, 1]} : vector<1024x4xf32> to vector<512x4xf32>
      %concatenate3A_545 = tpu.concatenate %slice3A_543, %slice3A_544 in 1 : vector<512x4xf32>, vector<512x4xf32> -> vector<512x8xf32>
      %reduce_max3A_546 = arith.constant dense<0xFF800000> : vector<512xf32>
      %reduce_max3A_547 = vector.multi_reduction <maximumf>, %concatenate3A_545, %reduce_max3A_546 [1] : vector<512x8xf32> to vector<512xf32>
      %broadcast_in_dim3A_548 = vector.shape_cast %reduce_max3A_547 : vector<512xf32> to vector<512x1xf32>
      %sub3A_549 = vector.broadcast %broadcast_in_dim3A_548 : vector<512x1xf32> to vector<512x8xf32>
      %sub3A_550 = arith.subf %concatenate3A_545, %sub3A_549 : vector<512x8xf32>
      %exp3A_551 = math.exp %sub3A_550 : vector<512x8xf32>
      %iota3A_552 = tpu.iota {dimensions = array<i32: 0>} : vector<8x4xi32>
      %iota3A_553 = tpu.iota {dimensions = array<i32: 1>} : vector<8x4xi32>
      %jit3A_554 = arith.constant 4 : i32
      %eq3A_555 = arith.constant 0 : i32
      %eq3A_556 = arith.cmpi eq, %jit3A_554, %eq3A_555 : i32
      %jit3A_557 = arith.constant 1 : i32
      %select_n3A_558 = arith.select %eq3A_556, %jit3A_557, %jit3A_554 : i32
      %rem3A_559 = vector.broadcast %select_n3A_558 : i32 to vector<8x4xi32>
      %rem3A_560 = arith.remsi %iota3A_552, %rem3A_559 : vector<8x4xi32>
      %ne3A_561 = arith.constant 0 : i32
      %ne3A_562 = vector.broadcast %ne3A_561 : i32 to vector<8x4xi32>
      %ne3A_563 = arith.cmpi ne, %rem3A_560, %ne3A_562 : vector<8x4xi32>
      %lt3A_564 = arith.constant 0 : i32
      %lt3A_565 = vector.broadcast %lt3A_564 : i32 to vector<8x4xi32>
      %lt3A_566 = arith.cmpi slt, %rem3A_560, %lt3A_565 : vector<8x4xi32>
      %lt3A_567 = arith.constant 0 : i32
      %lt3A_568 = arith.cmpi slt, %select_n3A_558, %lt3A_567 : i32
      %ne3A_569 = vector.broadcast %lt3A_568 : i1 to vector<8x4xi1>
      %ne3A_570 = vector.broadcast %ne3A_569 : vector<8x4xi1> to vector<8x4xi1>
      %ne3A_571 = arith.xori %lt3A_566, %ne3A_570 : vector<8x4xi1>
      %and3A_572 = arith.andi %ne3A_571, %ne3A_563 : vector<8x4xi1>
      %add3A_573 = vector.broadcast %select_n3A_558 : i32 to vector<8x4xi32>
      %add3A_574 = arith.addi %rem3A_560, %add3A_573 : vector<8x4xi32>
      %select_n3A_575 = arith.select %and3A_572, %add3A_574, %rem3A_560 : vector<8x4xi1>, vector<8x4xi32>
      %eq3A_576 = arith.cmpi eq, %select_n3A_575, %iota3A_553 : vector<8x4xi32>
      %convert_element_type3A_577 = arith.extui %eq3A_576 : vector<8x4xi1> to vector<8x4xi32>
      %convert_element_type3A_578 = arith.sitofp %convert_element_type3A_577 : vector<8x4xi32> to vector<8x4xf32>
      %dot_general3A_579 = arith.constant dense<0.000000e+00> : vector<512x4xf32>
      %dot_general3A_580 = tpu.matmul %exp3A_551, %convert_element_type3A_578, %dot_general3A_579 {dimension_numbers = #tpu.dot_dimension_numbers<[1], [0], [0], [1], [0, 0, 1, 1], [], []>, transpose_lhs_hint = false} : vector<512x8xf32>, vector<8x4xf32>, vector<512x4xf32> -> vector<512x4xf32>
      %div3A_581 = arith.constant 1.000000e+00 : f32
      %div3A_582 = vector.broadcast %div3A_581 : f32 to vector<512x4xf32>
      %div3A_583 = arith.divf %div3A_582, %dot_general3A_580 : vector<512x4xf32>
      %transpose3A_584 = tpu.transpose %iota3A_553, [1, 0] : vector<8x4xi32> -> vector<4x8xi32>
      %jit3A_585 = arith.constant 4 : i32
      %eq3A_586 = arith.constant 0 : i32
      %eq3A_587 = arith.cmpi eq, %jit3A_585, %eq3A_586 : i32
      %jit3A_588 = arith.constant 1 : i32
      %select_n3A_589 = arith.select %eq3A_587, %jit3A_588, %jit3A_585 : i32
      %rem3A_590 = vector.broadcast %select_n3A_589 : i32 to vector<8x4xi32>
      %rem3A_591 = arith.remsi %iota3A_552, %rem3A_590 : vector<8x4xi32>
      %ne3A_592 = arith.constant 0 : i32
      %ne3A_593 = vector.broadcast %ne3A_592 : i32 to vector<8x4xi32>
      %ne3A_594 = arith.cmpi ne, %rem3A_591, %ne3A_593 : vector<8x4xi32>
      %lt3A_595 = arith.constant 0 : i32
      %lt3A_596 = vector.broadcast %lt3A_595 : i32 to vector<8x4xi32>
      %lt3A_597 = arith.cmpi slt, %rem3A_591, %lt3A_596 : vector<8x4xi32>
      %lt3A_598 = arith.constant 0 : i32
      %lt3A_599 = arith.cmpi slt, %select_n3A_589, %lt3A_598 : i32
      %ne3A_600 = vector.broadcast %lt3A_599 : i1 to vector<8x4xi1>
      %ne3A_601 = vector.broadcast %ne3A_600 : vector<8x4xi1> to vector<8x4xi1>
      %ne3A_602 = arith.xori %lt3A_597, %ne3A_601 : vector<8x4xi1>
      %and3A_603 = arith.andi %ne3A_602, %ne3A_594 : vector<8x4xi1>
      %add3A_604 = vector.broadcast %select_n3A_589 : i32 to vector<8x4xi32>
      %add3A_605 = arith.addi %rem3A_591, %add3A_604 : vector<8x4xi32>
      %select_n3A_606 = arith.select %and3A_603, %add3A_605, %rem3A_591 : vector<8x4xi1>, vector<8x4xi32>
      %transpose3A_607 = tpu.transpose %select_n3A_606, [1, 0] : vector<8x4xi32> -> vector<4x8xi32>
      %eq3A_608 = arith.cmpi eq, %transpose3A_584, %transpose3A_607 : vector<4x8xi32>
      %convert_element_type3A_609 = arith.extui %eq3A_608 : vector<4x8xi1> to vector<4x8xi32>
      %convert_element_type3A_610 = arith.sitofp %convert_element_type3A_609 : vector<4x8xi32> to vector<4x8xf32>
      %dot_general3A_611 = arith.constant dense<0.000000e+00> : vector<512x8xf32>
      %dot_general3A_612 = tpu.matmul %div3A_583, %convert_element_type3A_610, %dot_general3A_611 {dimension_numbers = #tpu.dot_dimension_numbers<[1], [0], [0], [1], [0, 0, 1, 1], [], []>, transpose_lhs_hint = false} : vector<512x4xf32>, vector<4x8xf32>, vector<512x8xf32> -> vector<512x8xf32>
      %mul3A_613 = arith.mulf %exp3A_551, %dot_general3A_612 : vector<512x8xf32>
      %iota3A_614 = tpu.iota {dimensions = array<i32: 0>} : vector<8x64xi32>
      %iota3A_615 = tpu.iota {dimensions = array<i32: 1>} : vector<8x64xi32>
      %jit3A_616 = arith.constant 32 : i32
      %div3A_617 = vector.broadcast %jit3A_616 : i32 to vector<8x64xi32>
      %div3A_618 = arith.divsi %iota3A_615, %div3A_617 : vector<8x64xi32>
      %sign3A_619 = arith.constant 0 : i32
      %sign3A_620 = vector.broadcast %sign3A_619 : i32 to vector<8x64xi32>
      %sign3A_621 = arith.cmpi sgt, %iota3A_615, %sign3A_620 : vector<8x64xi32>
      %sign3A_622 = arith.extui %sign3A_621 : vector<8x64xi1> to vector<8x64xi32>
      %sign3A_623 = arith.constant 0 : i32
      %sign3A_624 = vector.broadcast %sign3A_623 : i32 to vector<8x64xi32>
      %sign3A_625 = arith.cmpi slt, %iota3A_615, %sign3A_624 : vector<8x64xi32>
      %sign3A_626 = arith.extui %sign3A_625 : vector<8x64xi1> to vector<8x64xi32>
      %sign3A_627 = arith.subi %sign3A_622, %sign3A_626 : vector<8x64xi32>
      %sign3A_628 = arith.constant 0 : i32
      %sign3A_629 = arith.cmpi sgt, %jit3A_616, %sign3A_628 : i32
      %sign3A_630 = arith.extui %sign3A_629 : i1 to i32
      %sign3A_631 = arith.constant 0 : i32
      %sign3A_632 = arith.cmpi slt, %jit3A_616, %sign3A_631 : i32
      %sign3A_633 = arith.extui %sign3A_632 : i1 to i32
      %sign3A_634 = arith.subi %sign3A_630, %sign3A_633 : i32
      %ne3A_635 = vector.broadcast %sign3A_634 : i32 to vector<8x64xi32>
      %ne3A_636 = arith.cmpi ne, %sign3A_627, %ne3A_635 : vector<8x64xi32>
      %rem3A_637 = vector.broadcast %jit3A_616 : i32 to vector<8x64xi32>
      %rem3A_638 = arith.remsi %iota3A_615, %rem3A_637 : vector<8x64xi32>
      %ne3A_639 = arith.constant 0 : i32
      %ne3A_640 = vector.broadcast %ne3A_639 : i32 to vector<8x64xi32>
      %ne3A_641 = arith.cmpi ne, %rem3A_638, %ne3A_640 : vector<8x64xi32>
      %and3A_642 = arith.andi %ne3A_636, %ne3A_641 : vector<8x64xi1>
      %sub3A_643 = arith.constant 1 : i32
      %sub3A_644 = vector.broadcast %sub3A_643 : i32 to vector<8x64xi32>
      %sub3A_645 = arith.subi %div3A_618, %sub3A_644 : vector<8x64xi32>
      %select_n3A_646 = arith.select %and3A_642, %sub3A_645, %div3A_618 : vector<8x64xi1>, vector<8x64xi32>
      %jit3A_647 = arith.constant 4 : i32
      %div3A_648 = vector.broadcast %jit3A_647 : i32 to vector<8x64xi32>
      %div3A_649 = arith.divsi %iota3A_614, %div3A_648 : vector<8x64xi32>
      %sign3A_650 = arith.constant 0 : i32
      %sign3A_651 = vector.broadcast %sign3A_650 : i32 to vector<8x64xi32>
      %sign3A_652 = arith.cmpi sgt, %iota3A_614, %sign3A_651 : vector<8x64xi32>
      %sign3A_653 = arith.extui %sign3A_652 : vector<8x64xi1> to vector<8x64xi32>
      %sign3A_654 = arith.constant 0 : i32
      %sign3A_655 = vector.broadcast %sign3A_654 : i32 to vector<8x64xi32>
      %sign3A_656 = arith.cmpi slt, %iota3A_614, %sign3A_655 : vector<8x64xi32>
      %sign3A_657 = arith.extui %sign3A_656 : vector<8x64xi1> to vector<8x64xi32>
      %sign3A_658 = arith.subi %sign3A_653, %sign3A_657 : vector<8x64xi32>
      %sign3A_659 = arith.constant 0 : i32
      %sign3A_660 = arith.cmpi sgt, %jit3A_647, %sign3A_659 : i32
      %sign3A_661 = arith.extui %sign3A_660 : i1 to i32
      %sign3A_662 = arith.constant 0 : i32
      %sign3A_663 = arith.cmpi slt, %jit3A_647, %sign3A_662 : i32
      %sign3A_664 = arith.extui %sign3A_663 : i1 to i32
      %sign3A_665 = arith.subi %sign3A_661, %sign3A_664 : i32
      %ne3A_666 = vector.broadcast %sign3A_665 : i32 to vector<8x64xi32>
      %ne3A_667 = arith.cmpi ne, %sign3A_658, %ne3A_666 : vector<8x64xi32>
      %rem3A_668 = vector.broadcast %jit3A_647 : i32 to vector<8x64xi32>
      %rem3A_669 = arith.remsi %iota3A_614, %rem3A_668 : vector<8x64xi32>
      %ne3A_670 = arith.constant 0 : i32
      %ne3A_671 = vector.broadcast %ne3A_670 : i32 to vector<8x64xi32>
      %ne3A_672 = arith.cmpi ne, %rem3A_669, %ne3A_671 : vector<8x64xi32>
      %and3A_673 = arith.andi %ne3A_667, %ne3A_672 : vector<8x64xi1>
      %sub3A_674 = arith.constant 1 : i32
      %sub3A_675 = vector.broadcast %sub3A_674 : i32 to vector<8x64xi32>
      %sub3A_676 = arith.subi %div3A_649, %sub3A_675 : vector<8x64xi32>
      %select_n3A_677 = arith.select %and3A_673, %sub3A_676, %div3A_649 : vector<8x64xi1>, vector<8x64xi32>
      %eq3A_678 = arith.cmpi eq, %select_n3A_646, %select_n3A_677 : vector<8x64xi32>
      %jit3A_679 = arith.constant 32 : i32
      %eq3A_680 = arith.constant 0 : i32
      %eq3A_681 = arith.cmpi eq, %jit3A_679, %eq3A_680 : i32
      %jit3A_682 = arith.constant 1 : i32
      %select_n3A_683 = arith.select %eq3A_681, %jit3A_682, %jit3A_679 : i32
      %rem3A_684 = vector.broadcast %select_n3A_683 : i32 to vector<8x64xi32>
      %rem3A_685 = arith.remsi %iota3A_615, %rem3A_684 : vector<8x64xi32>
      %ne3A_686 = arith.constant 0 : i32
      %ne3A_687 = vector.broadcast %ne3A_686 : i32 to vector<8x64xi32>
      %ne3A_688 = arith.cmpi ne, %rem3A_685, %ne3A_687 : vector<8x64xi32>
      %lt3A_689 = arith.constant 0 : i32
      %lt3A_690 = vector.broadcast %lt3A_689 : i32 to vector<8x64xi32>
      %lt3A_691 = arith.cmpi slt, %rem3A_685, %lt3A_690 : vector<8x64xi32>
      %lt3A_692 = arith.constant 0 : i32
      %lt3A_693 = arith.cmpi slt, %select_n3A_683, %lt3A_692 : i32
      %ne3A_694 = vector.broadcast %lt3A_693 : i1 to vector<8x64xi1>
      %ne3A_695 = vector.broadcast %ne3A_694 : vector<8x64xi1> to vector<8x64xi1>
      %ne3A_696 = arith.xori %lt3A_691, %ne3A_695 : vector<8x64xi1>
      %and3A_697 = arith.andi %ne3A_696, %ne3A_688 : vector<8x64xi1>
      %add3A_698 = vector.broadcast %select_n3A_683 : i32 to vector<8x64xi32>
      %add3A_699 = arith.addi %rem3A_685, %add3A_698 : vector<8x64xi32>
      %select_n3A_700 = arith.select %and3A_697, %add3A_699, %rem3A_685 : vector<8x64xi1>, vector<8x64xi32>
      %jit3A_701 = arith.constant 8 : i32
      %div3A_702 = vector.broadcast %jit3A_701 : i32 to vector<8x64xi32>
      %div3A_703 = arith.divsi %select_n3A_700, %div3A_702 : vector<8x64xi32>
      %sign3A_704 = arith.constant 0 : i32
      %sign3A_705 = vector.broadcast %sign3A_704 : i32 to vector<8x64xi32>
      %sign3A_706 = arith.cmpi sgt, %select_n3A_700, %sign3A_705 : vector<8x64xi32>
      %sign3A_707 = arith.extui %sign3A_706 : vector<8x64xi1> to vector<8x64xi32>
      %sign3A_708 = arith.constant 0 : i32
      %sign3A_709 = vector.broadcast %sign3A_708 : i32 to vector<8x64xi32>
      %sign3A_710 = arith.cmpi slt, %select_n3A_700, %sign3A_709 : vector<8x64xi32>
      %sign3A_711 = arith.extui %sign3A_710 : vector<8x64xi1> to vector<8x64xi32>
      %sign3A_712 = arith.subi %sign3A_707, %sign3A_711 : vector<8x64xi32>
      %sign3A_713 = arith.constant 0 : i32
      %sign3A_714 = arith.cmpi sgt, %jit3A_701, %sign3A_713 : i32
      %sign3A_715 = arith.extui %sign3A_714 : i1 to i32
      %sign3A_716 = arith.constant 0 : i32
      %sign3A_717 = arith.cmpi slt, %jit3A_701, %sign3A_716 : i32
      %sign3A_718 = arith.extui %sign3A_717 : i1 to i32
      %sign3A_719 = arith.subi %sign3A_715, %sign3A_718 : i32
      %ne3A_720 = vector.broadcast %sign3A_719 : i32 to vector<8x64xi32>
      %ne3A_721 = arith.cmpi ne, %sign3A_712, %ne3A_720 : vector<8x64xi32>
      %rem3A_722 = vector.broadcast %jit3A_701 : i32 to vector<8x64xi32>
      %rem3A_723 = arith.remsi %select_n3A_700, %rem3A_722 : vector<8x64xi32>
      %ne3A_724 = arith.constant 0 : i32
      %ne3A_725 = vector.broadcast %ne3A_724 : i32 to vector<8x64xi32>
      %ne3A_726 = arith.cmpi ne, %rem3A_723, %ne3A_725 : vector<8x64xi32>
      %and3A_727 = arith.andi %ne3A_721, %ne3A_726 : vector<8x64xi1>
      %sub3A_728 = arith.constant 1 : i32
      %sub3A_729 = vector.broadcast %sub3A_728 : i32 to vector<8x64xi32>
      %sub3A_730 = arith.subi %div3A_703, %sub3A_729 : vector<8x64xi32>
      %select_n3A_731 = arith.select %and3A_727, %sub3A_730, %div3A_703 : vector<8x64xi1>, vector<8x64xi32>
      %jit3A_732 = arith.constant 4 : i32
      %eq3A_733 = arith.constant 0 : i32
      %eq3A_734 = arith.cmpi eq, %jit3A_732, %eq3A_733 : i32
      %jit3A_735 = arith.constant 1 : i32
      %select_n3A_736 = arith.select %eq3A_734, %jit3A_735, %jit3A_732 : i32
      %rem3A_737 = vector.broadcast %select_n3A_736 : i32 to vector<8x64xi32>
      %rem3A_738 = arith.remsi %iota3A_614, %rem3A_737 : vector<8x64xi32>
      %ne3A_739 = arith.constant 0 : i32
      %ne3A_740 = vector.broadcast %ne3A_739 : i32 to vector<8x64xi32>
      %ne3A_741 = arith.cmpi ne, %rem3A_738, %ne3A_740 : vector<8x64xi32>
      %lt3A_742 = arith.constant 0 : i32
      %lt3A_743 = vector.broadcast %lt3A_742 : i32 to vector<8x64xi32>
      %lt3A_744 = arith.cmpi slt, %rem3A_738, %lt3A_743 : vector<8x64xi32>
      %lt3A_745 = arith.constant 0 : i32
      %lt3A_746 = arith.cmpi slt, %select_n3A_736, %lt3A_745 : i32
      %ne3A_747 = vector.broadcast %lt3A_746 : i1 to vector<8x64xi1>
      %ne3A_748 = vector.broadcast %ne3A_747 : vector<8x64xi1> to vector<8x64xi1>
      %ne3A_749 = arith.xori %lt3A_744, %ne3A_748 : vector<8x64xi1>
      %and3A_750 = arith.andi %ne3A_749, %ne3A_741 : vector<8x64xi1>
      %add3A_751 = vector.broadcast %select_n3A_736 : i32 to vector<8x64xi32>
      %add3A_752 = arith.addi %rem3A_738, %add3A_751 : vector<8x64xi32>
      %select_n3A_753 = arith.select %and3A_750, %add3A_752, %rem3A_738 : vector<8x64xi1>, vector<8x64xi32>
      %eq3A_754 = arith.cmpi eq, %select_n3A_731, %select_n3A_753 : vector<8x64xi32>
      %and3A_755 = arith.andi %eq3A_678, %eq3A_754 : vector<8x64xi1>
      %convert_element_type3A_756 = arith.extui %and3A_755 : vector<8x64xi1> to vector<8x64xi32>
      %convert_element_type3A_757 = arith.sitofp %convert_element_type3A_756 : vector<8x64xi32> to vector<8x64xf32>
      %dot_general3A_758 = arith.constant dense<0.000000e+00> : vector<512x64xf32>
      %dot_general3A_759 = tpu.matmul %mul3A_613, %convert_element_type3A_757, %dot_general3A_758 {dimension_numbers = #tpu.dot_dimension_numbers<[1], [0], [0], [1], [0, 0, 1, 1], [], []>, transpose_lhs_hint = false} : vector<512x8xf32>, vector<8x64xf32>, vector<512x64xf32> -> vector<512x64xf32>
      %slice3A_760 = vector.extract_strided_slice %concatenate3A_316 {offsets = [0, 0], sizes = [512, 64], strides = [1, 1]} : vector<512x256xf32> to vector<512x64xf32>
      %mul3A_761 = arith.mulf %dot_general3A_759, %slice3A_760 : vector<512x64xf32>
      %slice3A_762 = vector.extract_strided_slice %mul3A_761 {offsets = [0, 0], sizes = [512, 32], strides = [1, 1]} : vector<512x64xf32> to vector<512x32xf32>
      %slice3A_763 = vector.extract_strided_slice %mul3A_761 {offsets = [0, 32], sizes = [512, 32], strides = [1, 1]} : vector<512x64xf32> to vector<512x32xf32>
      %add3A_764 = arith.addf %slice3A_762, %slice3A_763 : vector<512x32xf32>
      %dot_general3A_765 = arith.constant dense<0.000000e+00> : vector<512x2xf32>
      %dot_general3A_766 = tpu.matmul %add3A_764, %concatenate3A, %dot_general3A_765 {dimension_numbers = #tpu.dot_dimension_numbers<[1], [1], [0], [0], [0, 0, 1, 0], [], []>, transpose_lhs_hint = false} : vector<512x32xf32>, vector<2x32xf32>, vector<512x2xf32> -> vector<512x2xf32>
      %slice3A_767 = vector.extract_strided_slice %dot_general3A_766 {offsets = [0, 0], sizes = [512, 1], strides = [1, 1]} : vector<512x2xf32> to vector<512x1xf32>
      %slice3A_768 = vector.extract_strided_slice %dot_general3A_766 {offsets = [0, 1], sizes = [512, 1], strides = [1, 1]} : vector<512x2xf32> to vector<512x1xf32>
      %mul3A_769 = arith.mulf %slice3A_767, %slice3A_768 : vector<512x1xf32>
      %mul3A_770 = arith.mulf %mul3A_161, %dot_general3A_206 : vector<512x32xf32>
      %mul3A_771 = arith.mulf %mul3A_161, %dot_general3A_211 : vector<512x32xf32>
      %mul3A_772 = arith.mulf %mul3A_161, %dot_general3A_216 : vector<512x32xf32>
      %concatenate3A_773 = tpu.concatenate %mul3A_770, %mul3A_771, %mul3A_772 in 0 : vector<512x32xf32>, vector<512x32xf32>, vector<512x32xf32> -> vector<1536x32xf32>
      %dot_general3A_774 = arith.constant dense<0.000000e+00> : vector<1536x4xf32>
      %dot_general3A_775 = tpu.matmul %concatenate3A_773, %convert_element_type3A_309, %dot_general3A_774 {dimension_numbers = #tpu.dot_dimension_numbers<[1], [0], [0], [1], [0, 0, 1, 1], [], []>, transpose_lhs_hint = false} : vector<1536x32xf32>, vector<32x4xf32>, vector<1536x4xf32> -> vector<1536x4xf32>
      %slice3A_776 = vector.extract_strided_slice %dot_general3A_775 {offsets = [0, 0], sizes = [512, 4], strides = [1, 1]} : vector<1536x4xf32> to vector<512x4xf32>
      %slice3A_777 = vector.extract_strided_slice %dot_general3A_775 {offsets = [512, 0], sizes = [512, 4], strides = [1, 1]} : vector<1536x4xf32> to vector<512x4xf32>
      %slice3A_778 = vector.extract_strided_slice %dot_general3A_775 {offsets = [1024, 0], sizes = [512, 4], strides = [1, 1]} : vector<1536x4xf32> to vector<512x4xf32>
      %concatenate3A_779 = tpu.concatenate %slice3A_776, %slice3A_777, %slice3A_778 in 1 : vector<512x4xf32>, vector<512x4xf32>, vector<512x4xf32> -> vector<512x12xf32>
      %reduce_max3A_780 = arith.constant dense<0xFF800000> : vector<512xf32>
      %reduce_max3A_781 = vector.multi_reduction <maximumf>, %concatenate3A_779, %reduce_max3A_780 [1] : vector<512x12xf32> to vector<512xf32>
      %broadcast_in_dim3A_782 = vector.shape_cast %reduce_max3A_781 : vector<512xf32> to vector<512x1xf32>
      %sub3A_783 = vector.broadcast %broadcast_in_dim3A_782 : vector<512x1xf32> to vector<512x12xf32>
      %sub3A_784 = arith.subf %concatenate3A_779, %sub3A_783 : vector<512x12xf32>
      %exp3A_785 = math.exp %sub3A_784 : vector<512x12xf32>
      %iota3A_786 = tpu.iota {dimensions = array<i32: 0>} : vector<12x4xi32>
      %iota3A_787 = tpu.iota {dimensions = array<i32: 1>} : vector<12x4xi32>
      %jit3A_788 = arith.constant 4 : i32
      %eq3A_789 = arith.constant 0 : i32
      %eq3A_790 = arith.cmpi eq, %jit3A_788, %eq3A_789 : i32
      %jit3A_791 = arith.constant 1 : i32
      %select_n3A_792 = arith.select %eq3A_790, %jit3A_791, %jit3A_788 : i32
      %rem3A_793 = vector.broadcast %select_n3A_792 : i32 to vector<12x4xi32>
      %rem3A_794 = arith.remsi %iota3A_786, %rem3A_793 : vector<12x4xi32>
      %ne3A_795 = arith.constant 0 : i32
      %ne3A_796 = vector.broadcast %ne3A_795 : i32 to vector<12x4xi32>
      %ne3A_797 = arith.cmpi ne, %rem3A_794, %ne3A_796 : vector<12x4xi32>
      %lt3A_798 = arith.constant 0 : i32
      %lt3A_799 = vector.broadcast %lt3A_798 : i32 to vector<12x4xi32>
      %lt3A_800 = arith.cmpi slt, %rem3A_794, %lt3A_799 : vector<12x4xi32>
      %lt3A_801 = arith.constant 0 : i32
      %lt3A_802 = arith.cmpi slt, %select_n3A_792, %lt3A_801 : i32
      %ne3A_803 = vector.broadcast %lt3A_802 : i1 to vector<12x4xi1>
      %ne3A_804 = vector.broadcast %ne3A_803 : vector<12x4xi1> to vector<12x4xi1>
      %ne3A_805 = arith.xori %lt3A_800, %ne3A_804 : vector<12x4xi1>
      %and3A_806 = arith.andi %ne3A_805, %ne3A_797 : vector<12x4xi1>
      %add3A_807 = vector.broadcast %select_n3A_792 : i32 to vector<12x4xi32>
      %add3A_808 = arith.addi %rem3A_794, %add3A_807 : vector<12x4xi32>
      %select_n3A_809 = arith.select %and3A_806, %add3A_808, %rem3A_794 : vector<12x4xi1>, vector<12x4xi32>
      %eq3A_810 = arith.cmpi eq, %select_n3A_809, %iota3A_787 : vector<12x4xi32>
      %convert_element_type3A_811 = arith.extui %eq3A_810 : vector<12x4xi1> to vector<12x4xi32>
      %convert_element_type3A_812 = arith.sitofp %convert_element_type3A_811 : vector<12x4xi32> to vector<12x4xf32>
      %dot_general3A_813 = arith.constant dense<0.000000e+00> : vector<512x4xf32>
      %dot_general3A_814 = tpu.matmul %exp3A_785, %convert_element_type3A_812, %dot_general3A_813 {dimension_numbers = #tpu.dot_dimension_numbers<[1], [0], [0], [1], [0, 0, 1, 1], [], []>, transpose_lhs_hint = false} : vector<512x12xf32>, vector<12x4xf32>, vector<512x4xf32> -> vector<512x4xf32>
      %div3A_815 = arith.constant 1.000000e+00 : f32
      %div3A_816 = vector.broadcast %div3A_815 : f32 to vector<512x4xf32>
      %div3A_817 = arith.divf %div3A_816, %dot_general3A_814 : vector<512x4xf32>
      %transpose3A_818 = tpu.transpose %iota3A_787, [1, 0] : vector<12x4xi32> -> vector<4x12xi32>
      %jit3A_819 = arith.constant 4 : i32
      %eq3A_820 = arith.constant 0 : i32
      %eq3A_821 = arith.cmpi eq, %jit3A_819, %eq3A_820 : i32
      %jit3A_822 = arith.constant 1 : i32
      %select_n3A_823 = arith.select %eq3A_821, %jit3A_822, %jit3A_819 : i32
      %rem3A_824 = vector.broadcast %select_n3A_823 : i32 to vector<12x4xi32>
      %rem3A_825 = arith.remsi %iota3A_786, %rem3A_824 : vector<12x4xi32>
      %ne3A_826 = arith.constant 0 : i32
      %ne3A_827 = vector.broadcast %ne3A_826 : i32 to vector<12x4xi32>
      %ne3A_828 = arith.cmpi ne, %rem3A_825, %ne3A_827 : vector<12x4xi32>
      %lt3A_829 = arith.constant 0 : i32
      %lt3A_830 = vector.broadcast %lt3A_829 : i32 to vector<12x4xi32>
      %lt3A_831 = arith.cmpi slt, %rem3A_825, %lt3A_830 : vector<12x4xi32>
      %lt3A_832 = arith.constant 0 : i32
      %lt3A_833 = arith.cmpi slt, %select_n3A_823, %lt3A_832 : i32
      %ne3A_834 = vector.broadcast %lt3A_833 : i1 to vector<12x4xi1>
      %ne3A_835 = vector.broadcast %ne3A_834 : vector<12x4xi1> to vector<12x4xi1>
      %ne3A_836 = arith.xori %lt3A_831, %ne3A_835 : vector<12x4xi1>
      %and3A_837 = arith.andi %ne3A_836, %ne3A_828 : vector<12x4xi1>
      %add3A_838 = vector.broadcast %select_n3A_823 : i32 to vector<12x4xi32>
      %add3A_839 = arith.addi %rem3A_825, %add3A_838 : vector<12x4xi32>
      %select_n3A_840 = arith.select %and3A_837, %add3A_839, %rem3A_825 : vector<12x4xi1>, vector<12x4xi32>
      %transpose3A_841 = tpu.transpose %select_n3A_840, [1, 0] : vector<12x4xi32> -> vector<4x12xi32>
      %eq3A_842 = arith.cmpi eq, %transpose3A_818, %transpose3A_841 : vector<4x12xi32>
      %convert_element_type3A_843 = arith.extui %eq3A_842 : vector<4x12xi1> to vector<4x12xi32>
      %convert_element_type3A_844 = arith.sitofp %convert_element_type3A_843 : vector<4x12xi32> to vector<4x12xf32>
      %dot_general3A_845 = arith.constant dense<0.000000e+00> : vector<512x12xf32>
      %dot_general3A_846 = tpu.matmul %div3A_817, %convert_element_type3A_844, %dot_general3A_845 {dimension_numbers = #tpu.dot_dimension_numbers<[1], [0], [0], [1], [0, 0, 1, 1], [], []>, transpose_lhs_hint = false} : vector<512x4xf32>, vector<4x12xf32>, vector<512x12xf32> -> vector<512x12xf32>
      %mul3A_847 = arith.mulf %exp3A_785, %dot_general3A_846 : vector<512x12xf32>
      %iota3A_848 = tpu.iota {dimensions = array<i32: 0>} : vector<12x96xi32>
      %iota3A_849 = tpu.iota {dimensions = array<i32: 1>} : vector<12x96xi32>
      %jit3A_850 = arith.constant 32 : i32
      %div3A_851 = vector.broadcast %jit3A_850 : i32 to vector<12x96xi32>
      %div3A_852 = arith.divsi %iota3A_849, %div3A_851 : vector<12x96xi32>
      %sign3A_853 = arith.constant 0 : i32
      %sign3A_854 = vector.broadcast %sign3A_853 : i32 to vector<12x96xi32>
      %sign3A_855 = arith.cmpi sgt, %iota3A_849, %sign3A_854 : vector<12x96xi32>
      %sign3A_856 = arith.extui %sign3A_855 : vector<12x96xi1> to vector<12x96xi32>
      %sign3A_857 = arith.constant 0 : i32
      %sign3A_858 = vector.broadcast %sign3A_857 : i32 to vector<12x96xi32>
      %sign3A_859 = arith.cmpi slt, %iota3A_849, %sign3A_858 : vector<12x96xi32>
      %sign3A_860 = arith.extui %sign3A_859 : vector<12x96xi1> to vector<12x96xi32>
      %sign3A_861 = arith.subi %sign3A_856, %sign3A_860 : vector<12x96xi32>
      %sign3A_862 = arith.constant 0 : i32
      %sign3A_863 = arith.cmpi sgt, %jit3A_850, %sign3A_862 : i32
      %sign3A_864 = arith.extui %sign3A_863 : i1 to i32
      %sign3A_865 = arith.constant 0 : i32
      %sign3A_866 = arith.cmpi slt, %jit3A_850, %sign3A_865 : i32
      %sign3A_867 = arith.extui %sign3A_866 : i1 to i32
      %sign3A_868 = arith.subi %sign3A_864, %sign3A_867 : i32
      %ne3A_869 = vector.broadcast %sign3A_868 : i32 to vector<12x96xi32>
      %ne3A_870 = arith.cmpi ne, %sign3A_861, %ne3A_869 : vector<12x96xi32>
      %rem3A_871 = vector.broadcast %jit3A_850 : i32 to vector<12x96xi32>
      %rem3A_872 = arith.remsi %iota3A_849, %rem3A_871 : vector<12x96xi32>
      %ne3A_873 = arith.constant 0 : i32
      %ne3A_874 = vector.broadcast %ne3A_873 : i32 to vector<12x96xi32>
      %ne3A_875 = arith.cmpi ne, %rem3A_872, %ne3A_874 : vector<12x96xi32>
      %and3A_876 = arith.andi %ne3A_870, %ne3A_875 : vector<12x96xi1>
      %sub3A_877 = arith.constant 1 : i32
      %sub3A_878 = vector.broadcast %sub3A_877 : i32 to vector<12x96xi32>
      %sub3A_879 = arith.subi %div3A_852, %sub3A_878 : vector<12x96xi32>
      %select_n3A_880 = arith.select %and3A_876, %sub3A_879, %div3A_852 : vector<12x96xi1>, vector<12x96xi32>
      %jit3A_881 = arith.constant 4 : i32
      %div3A_882 = vector.broadcast %jit3A_881 : i32 to vector<12x96xi32>
      %div3A_883 = arith.divsi %iota3A_848, %div3A_882 : vector<12x96xi32>
      %sign3A_884 = arith.constant 0 : i32
      %sign3A_885 = vector.broadcast %sign3A_884 : i32 to vector<12x96xi32>
      %sign3A_886 = arith.cmpi sgt, %iota3A_848, %sign3A_885 : vector<12x96xi32>
      %sign3A_887 = arith.extui %sign3A_886 : vector<12x96xi1> to vector<12x96xi32>
      %sign3A_888 = arith.constant 0 : i32
      %sign3A_889 = vector.broadcast %sign3A_888 : i32 to vector<12x96xi32>
      %sign3A_890 = arith.cmpi slt, %iota3A_848, %sign3A_889 : vector<12x96xi32>
      %sign3A_891 = arith.extui %sign3A_890 : vector<12x96xi1> to vector<12x96xi32>
      %sign3A_892 = arith.subi %sign3A_887, %sign3A_891 : vector<12x96xi32>
      %sign3A_893 = arith.constant 0 : i32
      %sign3A_894 = arith.cmpi sgt, %jit3A_881, %sign3A_893 : i32
      %sign3A_895 = arith.extui %sign3A_894 : i1 to i32
      %sign3A_896 = arith.constant 0 : i32
      %sign3A_897 = arith.cmpi slt, %jit3A_881, %sign3A_896 : i32
      %sign3A_898 = arith.extui %sign3A_897 : i1 to i32
      %sign3A_899 = arith.subi %sign3A_895, %sign3A_898 : i32
      %ne3A_900 = vector.broadcast %sign3A_899 : i32 to vector<12x96xi32>
      %ne3A_901 = arith.cmpi ne, %sign3A_892, %ne3A_900 : vector<12x96xi32>
      %rem3A_902 = vector.broadcast %jit3A_881 : i32 to vector<12x96xi32>
      %rem3A_903 = arith.remsi %iota3A_848, %rem3A_902 : vector<12x96xi32>
      %ne3A_904 = arith.constant 0 : i32
      %ne3A_905 = vector.broadcast %ne3A_904 : i32 to vector<12x96xi32>
      %ne3A_906 = arith.cmpi ne, %rem3A_903, %ne3A_905 : vector<12x96xi32>
      %and3A_907 = arith.andi %ne3A_901, %ne3A_906 : vector<12x96xi1>
      %sub3A_908 = arith.constant 1 : i32
      %sub3A_909 = vector.broadcast %sub3A_908 : i32 to vector<12x96xi32>
      %sub3A_910 = arith.subi %div3A_883, %sub3A_909 : vector<12x96xi32>
      %select_n3A_911 = arith.select %and3A_907, %sub3A_910, %div3A_883 : vector<12x96xi1>, vector<12x96xi32>
      %eq3A_912 = arith.cmpi eq, %select_n3A_880, %select_n3A_911 : vector<12x96xi32>
      %jit3A_913 = arith.constant 32 : i32
      %eq3A_914 = arith.constant 0 : i32
      %eq3A_915 = arith.cmpi eq, %jit3A_913, %eq3A_914 : i32
      %jit3A_916 = arith.constant 1 : i32
      %select_n3A_917 = arith.select %eq3A_915, %jit3A_916, %jit3A_913 : i32
      %rem3A_918 = vector.broadcast %select_n3A_917 : i32 to vector<12x96xi32>
      %rem3A_919 = arith.remsi %iota3A_849, %rem3A_918 : vector<12x96xi32>
      %ne3A_920 = arith.constant 0 : i32
      %ne3A_921 = vector.broadcast %ne3A_920 : i32 to vector<12x96xi32>
      %ne3A_922 = arith.cmpi ne, %rem3A_919, %ne3A_921 : vector<12x96xi32>
      %lt3A_923 = arith.constant 0 : i32
      %lt3A_924 = vector.broadcast %lt3A_923 : i32 to vector<12x96xi32>
      %lt3A_925 = arith.cmpi slt, %rem3A_919, %lt3A_924 : vector<12x96xi32>
      %lt3A_926 = arith.constant 0 : i32
      %lt3A_927 = arith.cmpi slt, %select_n3A_917, %lt3A_926 : i32
      %ne3A_928 = vector.broadcast %lt3A_927 : i1 to vector<12x96xi1>
      %ne3A_929 = vector.broadcast %ne3A_928 : vector<12x96xi1> to vector<12x96xi1>
      %ne3A_930 = arith.xori %lt3A_925, %ne3A_929 : vector<12x96xi1>
      %and3A_931 = arith.andi %ne3A_930, %ne3A_922 : vector<12x96xi1>
      %add3A_932 = vector.broadcast %select_n3A_917 : i32 to vector<12x96xi32>
      %add3A_933 = arith.addi %rem3A_919, %add3A_932 : vector<12x96xi32>
      %select_n3A_934 = arith.select %and3A_931, %add3A_933, %rem3A_919 : vector<12x96xi1>, vector<12x96xi32>
      %jit3A_935 = arith.constant 8 : i32
      %div3A_936 = vector.broadcast %jit3A_935 : i32 to vector<12x96xi32>
      %div3A_937 = arith.divsi %select_n3A_934, %div3A_936 : vector<12x96xi32>
      %sign3A_938 = arith.constant 0 : i32
      %sign3A_939 = vector.broadcast %sign3A_938 : i32 to vector<12x96xi32>
      %sign3A_940 = arith.cmpi sgt, %select_n3A_934, %sign3A_939 : vector<12x96xi32>
      %sign3A_941 = arith.extui %sign3A_940 : vector<12x96xi1> to vector<12x96xi32>
      %sign3A_942 = arith.constant 0 : i32
      %sign3A_943 = vector.broadcast %sign3A_942 : i32 to vector<12x96xi32>
      %sign3A_944 = arith.cmpi slt, %select_n3A_934, %sign3A_943 : vector<12x96xi32>
      %sign3A_945 = arith.extui %sign3A_944 : vector<12x96xi1> to vector<12x96xi32>
      %sign3A_946 = arith.subi %sign3A_941, %sign3A_945 : vector<12x96xi32>
      %sign3A_947 = arith.constant 0 : i32
      %sign3A_948 = arith.cmpi sgt, %jit3A_935, %sign3A_947 : i32
      %sign3A_949 = arith.extui %sign3A_948 : i1 to i32
      %sign3A_950 = arith.constant 0 : i32
      %sign3A_951 = arith.cmpi slt, %jit3A_935, %sign3A_950 : i32
      %sign3A_952 = arith.extui %sign3A_951 : i1 to i32
      %sign3A_953 = arith.subi %sign3A_949, %sign3A_952 : i32
      %ne3A_954 = vector.broadcast %sign3A_953 : i32 to vector<12x96xi32>
      %ne3A_955 = arith.cmpi ne, %sign3A_946, %ne3A_954 : vector<12x96xi32>
      %rem3A_956 = vector.broadcast %jit3A_935 : i32 to vector<12x96xi32>
      %rem3A_957 = arith.remsi %select_n3A_934, %rem3A_956 : vector<12x96xi32>
      %ne3A_958 = arith.constant 0 : i32
      %ne3A_959 = vector.broadcast %ne3A_958 : i32 to vector<12x96xi32>
      %ne3A_960 = arith.cmpi ne, %rem3A_957, %ne3A_959 : vector<12x96xi32>
      %and3A_961 = arith.andi %ne3A_955, %ne3A_960 : vector<12x96xi1>
      %sub3A_962 = arith.constant 1 : i32
      %sub3A_963 = vector.broadcast %sub3A_962 : i32 to vector<12x96xi32>
      %sub3A_964 = arith.subi %div3A_937, %sub3A_963 : vector<12x96xi32>
      %select_n3A_965 = arith.select %and3A_961, %sub3A_964, %div3A_937 : vector<12x96xi1>, vector<12x96xi32>
      %jit3A_966 = arith.constant 4 : i32
      %eq3A_967 = arith.constant 0 : i32
      %eq3A_968 = arith.cmpi eq, %jit3A_966, %eq3A_967 : i32
      %jit3A_969 = arith.constant 1 : i32
      %select_n3A_970 = arith.select %eq3A_968, %jit3A_969, %jit3A_966 : i32
      %rem3A_971 = vector.broadcast %select_n3A_970 : i32 to vector<12x96xi32>
      %rem3A_972 = arith.remsi %iota3A_848, %rem3A_971 : vector<12x96xi32>
      %ne3A_973 = arith.constant 0 : i32
      %ne3A_974 = vector.broadcast %ne3A_973 : i32 to vector<12x96xi32>
      %ne3A_975 = arith.cmpi ne, %rem3A_972, %ne3A_974 : vector<12x96xi32>
      %lt3A_976 = arith.constant 0 : i32
      %lt3A_977 = vector.broadcast %lt3A_976 : i32 to vector<12x96xi32>
      %lt3A_978 = arith.cmpi slt, %rem3A_972, %lt3A_977 : vector<12x96xi32>
      %lt3A_979 = arith.constant 0 : i32
      %lt3A_980 = arith.cmpi slt, %select_n3A_970, %lt3A_979 : i32
      %ne3A_981 = vector.broadcast %lt3A_980 : i1 to vector<12x96xi1>
      %ne3A_982 = vector.broadcast %ne3A_981 : vector<12x96xi1> to vector<12x96xi1>
      %ne3A_983 = arith.xori %lt3A_978, %ne3A_982 : vector<12x96xi1>
      %and3A_984 = arith.andi %ne3A_983, %ne3A_975 : vector<12x96xi1>
      %add3A_985 = vector.broadcast %select_n3A_970 : i32 to vector<12x96xi32>
      %add3A_986 = arith.addi %rem3A_972, %add3A_985 : vector<12x96xi32>
      %select_n3A_987 = arith.select %and3A_984, %add3A_986, %rem3A_972 : vector<12x96xi1>, vector<12x96xi32>
      %eq3A_988 = arith.cmpi eq, %select_n3A_965, %select_n3A_987 : vector<12x96xi32>
      %and3A_989 = arith.andi %eq3A_912, %eq3A_988 : vector<12x96xi1>
      %convert_element_type3A_990 = arith.extui %and3A_989 : vector<12x96xi1> to vector<12x96xi32>
      %convert_element_type3A_991 = arith.sitofp %convert_element_type3A_990 : vector<12x96xi32> to vector<12x96xf32>
      %dot_general3A_992 = arith.constant dense<0.000000e+00> : vector<512x96xf32>
      %dot_general3A_993 = tpu.matmul %mul3A_847, %convert_element_type3A_991, %dot_general3A_992 {dimension_numbers = #tpu.dot_dimension_numbers<[1], [0], [0], [1], [0, 0, 1, 1], [], []>, transpose_lhs_hint = false} : vector<512x12xf32>, vector<12x96xf32>, vector<512x96xf32> -> vector<512x96xf32>
      %slice3A_994 = vector.extract_strided_slice %concatenate3A_316 {offsets = [0, 0], sizes = [512, 96], strides = [1, 1]} : vector<512x256xf32> to vector<512x96xf32>
      %mul3A_995 = arith.mulf %dot_general3A_993, %slice3A_994 : vector<512x96xf32>
      %slice3A_996 = vector.extract_strided_slice %mul3A_995 {offsets = [0, 0], sizes = [512, 32], strides = [1, 1]} : vector<512x96xf32> to vector<512x32xf32>
      %slice3A_997 = vector.extract_strided_slice %mul3A_995 {offsets = [0, 32], sizes = [512, 32], strides = [1, 1]} : vector<512x96xf32> to vector<512x32xf32>
      %add3A_998 = arith.addf %slice3A_996, %slice3A_997 : vector<512x32xf32>
      %slice3A_999 = vector.extract_strided_slice %mul3A_995 {offsets = [0, 64], sizes = [512, 32], strides = [1, 1]} : vector<512x96xf32> to vector<512x32xf32>
      %add3A_1000 = arith.addf %add3A_998, %slice3A_999 : vector<512x32xf32>
      %dot_general3A_1001 = arith.constant dense<0.000000e+00> : vector<512x2xf32>
      %dot_general3A_1002 = tpu.matmul %add3A_1000, %concatenate3A, %dot_general3A_1001 {dimension_numbers = #tpu.dot_dimension_numbers<[1], [1], [0], [0], [0, 0, 1, 0], [], []>, transpose_lhs_hint = false} : vector<512x32xf32>, vector<2x32xf32>, vector<512x2xf32> -> vector<512x2xf32>
      %slice3A_1003 = vector.extract_strided_slice %dot_general3A_1002 {offsets = [0, 0], sizes = [512, 1], strides = [1, 1]} : vector<512x2xf32> to vector<512x1xf32>
      %slice3A_1004 = vector.extract_strided_slice %dot_general3A_1002 {offsets = [0, 1], sizes = [512, 1], strides = [1, 1]} : vector<512x2xf32> to vector<512x1xf32>
      %mul3A_1005 = arith.mulf %slice3A_1003, %slice3A_1004 : vector<512x1xf32>
      %mul3A_1006 = arith.mulf %mul3A_169, %dot_general3A_206 : vector<512x32xf32>
      %mul3A_1007 = arith.mulf %mul3A_169, %dot_general3A_211 : vector<512x32xf32>
      %mul3A_1008 = arith.mulf %mul3A_169, %dot_general3A_216 : vector<512x32xf32>
      %mul3A_1009 = arith.mulf %mul3A_169, %dot_general3A_221 : vector<512x32xf32>
      %concatenate3A_1010 = tpu.concatenate %mul3A_1006, %mul3A_1007, %mul3A_1008, %mul3A_1009 in 0 : vector<512x32xf32>, vector<512x32xf32>, vector<512x32xf32>, vector<512x32xf32> -> vector<2048x32xf32>
      %dot_general3A_1011 = arith.constant dense<0.000000e+00> : vector<2048x4xf32>
      %dot_general3A_1012 = tpu.matmul %concatenate3A_1010, %convert_element_type3A_309, %dot_general3A_1011 {dimension_numbers = #tpu.dot_dimension_numbers<[1], [0], [0], [1], [0, 0, 1, 1], [], []>, transpose_lhs_hint = false} : vector<2048x32xf32>, vector<32x4xf32>, vector<2048x4xf32> -> vector<2048x4xf32>
      %slice3A_1013 = vector.extract_strided_slice %dot_general3A_1012 {offsets = [0, 0], sizes = [512, 4], strides = [1, 1]} : vector<2048x4xf32> to vector<512x4xf32>
      %slice3A_1014 = vector.extract_strided_slice %dot_general3A_1012 {offsets = [512, 0], sizes = [512, 4], strides = [1, 1]} : vector<2048x4xf32> to vector<512x4xf32>
      %slice3A_1015 = vector.extract_strided_slice %dot_general3A_1012 {offsets = [1024, 0], sizes = [512, 4], strides = [1, 1]} : vector<2048x4xf32> to vector<512x4xf32>
      %slice3A_1016 = vector.extract_strided_slice %dot_general3A_1012 {offsets = [1536, 0], sizes = [512, 4], strides = [1, 1]} : vector<2048x4xf32> to vector<512x4xf32>
      %concatenate3A_1017 = tpu.concatenate %slice3A_1013, %slice3A_1014, %slice3A_1015, %slice3A_1016 in 1 : vector<512x4xf32>, vector<512x4xf32>, vector<512x4xf32>, vector<512x4xf32> -> vector<512x16xf32>
      %reduce_max3A_1018 = arith.constant dense<0xFF800000> : vector<512xf32>
      %reduce_max3A_1019 = vector.multi_reduction <maximumf>, %concatenate3A_1017, %reduce_max3A_1018 [1] : vector<512x16xf32> to vector<512xf32>
      %broadcast_in_dim3A_1020 = vector.shape_cast %reduce_max3A_1019 : vector<512xf32> to vector<512x1xf32>
      %sub3A_1021 = vector.broadcast %broadcast_in_dim3A_1020 : vector<512x1xf32> to vector<512x16xf32>
      %sub3A_1022 = arith.subf %concatenate3A_1017, %sub3A_1021 : vector<512x16xf32>
      %exp3A_1023 = math.exp %sub3A_1022 : vector<512x16xf32>
      %iota3A_1024 = tpu.iota {dimensions = array<i32: 0>} : vector<16x4xi32>
      %iota3A_1025 = tpu.iota {dimensions = array<i32: 1>} : vector<16x4xi32>
      %jit3A_1026 = arith.constant 4 : i32
      %eq3A_1027 = arith.constant 0 : i32
      %eq3A_1028 = arith.cmpi eq, %jit3A_1026, %eq3A_1027 : i32
      %jit3A_1029 = arith.constant 1 : i32
      %select_n3A_1030 = arith.select %eq3A_1028, %jit3A_1029, %jit3A_1026 : i32
      %rem3A_1031 = vector.broadcast %select_n3A_1030 : i32 to vector<16x4xi32>
      %rem3A_1032 = arith.remsi %iota3A_1024, %rem3A_1031 : vector<16x4xi32>
      %ne3A_1033 = arith.constant 0 : i32
      %ne3A_1034 = vector.broadcast %ne3A_1033 : i32 to vector<16x4xi32>
      %ne3A_1035 = arith.cmpi ne, %rem3A_1032, %ne3A_1034 : vector<16x4xi32>
      %lt3A_1036 = arith.constant 0 : i32
      %lt3A_1037 = vector.broadcast %lt3A_1036 : i32 to vector<16x4xi32>
      %lt3A_1038 = arith.cmpi slt, %rem3A_1032, %lt3A_1037 : vector<16x4xi32>
      %lt3A_1039 = arith.constant 0 : i32
      %lt3A_1040 = arith.cmpi slt, %select_n3A_1030, %lt3A_1039 : i32
      %ne3A_1041 = vector.broadcast %lt3A_1040 : i1 to vector<16x4xi1>
      %ne3A_1042 = vector.broadcast %ne3A_1041 : vector<16x4xi1> to vector<16x4xi1>
      %ne3A_1043 = arith.xori %lt3A_1038, %ne3A_1042 : vector<16x4xi1>
      %and3A_1044 = arith.andi %ne3A_1043, %ne3A_1035 : vector<16x4xi1>
      %add3A_1045 = vector.broadcast %select_n3A_1030 : i32 to vector<16x4xi32>
      %add3A_1046 = arith.addi %rem3A_1032, %add3A_1045 : vector<16x4xi32>
      %select_n3A_1047 = arith.select %and3A_1044, %add3A_1046, %rem3A_1032 : vector<16x4xi1>, vector<16x4xi32>
      %eq3A_1048 = arith.cmpi eq, %select_n3A_1047, %iota3A_1025 : vector<16x4xi32>
      %convert_element_type3A_1049 = arith.extui %eq3A_1048 : vector<16x4xi1> to vector<16x4xi32>
      %convert_element_type3A_1050 = arith.sitofp %convert_element_type3A_1049 : vector<16x4xi32> to vector<16x4xf32>
      %dot_general3A_1051 = arith.constant dense<0.000000e+00> : vector<512x4xf32>
      %dot_general3A_1052 = tpu.matmul %exp3A_1023, %convert_element_type3A_1050, %dot_general3A_1051 {dimension_numbers = #tpu.dot_dimension_numbers<[1], [0], [0], [1], [0, 0, 1, 1], [], []>, transpose_lhs_hint = false} : vector<512x16xf32>, vector<16x4xf32>, vector<512x4xf32> -> vector<512x4xf32>
      %div3A_1053 = arith.constant 1.000000e+00 : f32
      %div3A_1054 = vector.broadcast %div3A_1053 : f32 to vector<512x4xf32>
      %div3A_1055 = arith.divf %div3A_1054, %dot_general3A_1052 : vector<512x4xf32>
      %transpose3A_1056 = tpu.transpose %iota3A_1025, [1, 0] : vector<16x4xi32> -> vector<4x16xi32>
      %jit3A_1057 = arith.constant 4 : i32
      %eq3A_1058 = arith.constant 0 : i32
      %eq3A_1059 = arith.cmpi eq, %jit3A_1057, %eq3A_1058 : i32
      %jit3A_1060 = arith.constant 1 : i32
      %select_n3A_1061 = arith.select %eq3A_1059, %jit3A_1060, %jit3A_1057 : i32
      %rem3A_1062 = vector.broadcast %select_n3A_1061 : i32 to vector<16x4xi32>
      %rem3A_1063 = arith.remsi %iota3A_1024, %rem3A_1062 : vector<16x4xi32>
      %ne3A_1064 = arith.constant 0 : i32
      %ne3A_1065 = vector.broadcast %ne3A_1064 : i32 to vector<16x4xi32>
      %ne3A_1066 = arith.cmpi ne, %rem3A_1063, %ne3A_1065 : vector<16x4xi32>
      %lt3A_1067 = arith.constant 0 : i32
      %lt3A_1068 = vector.broadcast %lt3A_1067 : i32 to vector<16x4xi32>
      %lt3A_1069 = arith.cmpi slt, %rem3A_1063, %lt3A_1068 : vector<16x4xi32>
      %lt3A_1070 = arith.constant 0 : i32
      %lt3A_1071 = arith.cmpi slt, %select_n3A_1061, %lt3A_1070 : i32
      %ne3A_1072 = vector.broadcast %lt3A_1071 : i1 to vector<16x4xi1>
      %ne3A_1073 = vector.broadcast %ne3A_1072 : vector<16x4xi1> to vector<16x4xi1>
      %ne3A_1074 = arith.xori %lt3A_1069, %ne3A_1073 : vector<16x4xi1>
      %and3A_1075 = arith.andi %ne3A_1074, %ne3A_1066 : vector<16x4xi1>
      %add3A_1076 = vector.broadcast %select_n3A_1061 : i32 to vector<16x4xi32>
      %add3A_1077 = arith.addi %rem3A_1063, %add3A_1076 : vector<16x4xi32>
      %select_n3A_1078 = arith.select %and3A_1075, %add3A_1077, %rem3A_1063 : vector<16x4xi1>, vector<16x4xi32>
      %transpose3A_1079 = tpu.transpose %select_n3A_1078, [1, 0] : vector<16x4xi32> -> vector<4x16xi32>
      %eq3A_1080 = arith.cmpi eq, %transpose3A_1056, %transpose3A_1079 : vector<4x16xi32>
      %convert_element_type3A_1081 = arith.extui %eq3A_1080 : vector<4x16xi1> to vector<4x16xi32>
      %convert_element_type3A_1082 = arith.sitofp %convert_element_type3A_1081 : vector<4x16xi32> to vector<4x16xf32>
      %dot_general3A_1083 = arith.constant dense<0.000000e+00> : vector<512x16xf32>
      %dot_general3A_1084 = tpu.matmul %div3A_1055, %convert_element_type3A_1082, %dot_general3A_1083 {dimension_numbers = #tpu.dot_dimension_numbers<[1], [0], [0], [1], [0, 0, 1, 1], [], []>, transpose_lhs_hint = false} : vector<512x4xf32>, vector<4x16xf32>, vector<512x16xf32> -> vector<512x16xf32>
      %mul3A_1085 = arith.mulf %exp3A_1023, %dot_general3A_1084 : vector<512x16xf32>
      %iota3A_1086 = tpu.iota {dimensions = array<i32: 0>} : vector<16x128xi32>
      %iota3A_1087 = tpu.iota {dimensions = array<i32: 1>} : vector<16x128xi32>
      %jit3A_1088 = arith.constant 32 : i32
      %div3A_1089 = vector.broadcast %jit3A_1088 : i32 to vector<16x128xi32>
      %div3A_1090 = arith.divsi %iota3A_1087, %div3A_1089 : vector<16x128xi32>
      %sign3A_1091 = arith.constant 0 : i32
      %sign3A_1092 = vector.broadcast %sign3A_1091 : i32 to vector<16x128xi32>
      %sign3A_1093 = arith.cmpi sgt, %iota3A_1087, %sign3A_1092 : vector<16x128xi32>
      %sign3A_1094 = arith.extui %sign3A_1093 : vector<16x128xi1> to vector<16x128xi32>
      %sign3A_1095 = arith.constant 0 : i32
      %sign3A_1096 = vector.broadcast %sign3A_1095 : i32 to vector<16x128xi32>
      %sign3A_1097 = arith.cmpi slt, %iota3A_1087, %sign3A_1096 : vector<16x128xi32>
      %sign3A_1098 = arith.extui %sign3A_1097 : vector<16x128xi1> to vector<16x128xi32>
      %sign3A_1099 = arith.subi %sign3A_1094, %sign3A_1098 : vector<16x128xi32>
      %sign3A_1100 = arith.constant 0 : i32
      %sign3A_1101 = arith.cmpi sgt, %jit3A_1088, %sign3A_1100 : i32
      %sign3A_1102 = arith.extui %sign3A_1101 : i1 to i32
      %sign3A_1103 = arith.constant 0 : i32
      %sign3A_1104 = arith.cmpi slt, %jit3A_1088, %sign3A_1103 : i32
      %sign3A_1105 = arith.extui %sign3A_1104 : i1 to i32
      %sign3A_1106 = arith.subi %sign3A_1102, %sign3A_1105 : i32
      %ne3A_1107 = vector.broadcast %sign3A_1106 : i32 to vector<16x128xi32>
      %ne3A_1108 = arith.cmpi ne, %sign3A_1099, %ne3A_1107 : vector<16x128xi32>
      %rem3A_1109 = vector.broadcast %jit3A_1088 : i32 to vector<16x128xi32>
      %rem3A_1110 = arith.remsi %iota3A_1087, %rem3A_1109 : vector<16x128xi32>
      %ne3A_1111 = arith.constant 0 : i32
      %ne3A_1112 = vector.broadcast %ne3A_1111 : i32 to vector<16x128xi32>
      %ne3A_1113 = arith.cmpi ne, %rem3A_1110, %ne3A_1112 : vector<16x128xi32>
      %and3A_1114 = arith.andi %ne3A_1108, %ne3A_1113 : vector<16x128xi1>
      %sub3A_1115 = arith.constant 1 : i32
      %sub3A_1116 = vector.broadcast %sub3A_1115 : i32 to vector<16x128xi32>
      %sub3A_1117 = arith.subi %div3A_1090, %sub3A_1116 : vector<16x128xi32>
      %select_n3A_1118 = arith.select %and3A_1114, %sub3A_1117, %div3A_1090 : vector<16x128xi1>, vector<16x128xi32>
      %jit3A_1119 = arith.constant 4 : i32
      %div3A_1120 = vector.broadcast %jit3A_1119 : i32 to vector<16x128xi32>
      %div3A_1121 = arith.divsi %iota3A_1086, %div3A_1120 : vector<16x128xi32>
      %sign3A_1122 = arith.constant 0 : i32
      %sign3A_1123 = vector.broadcast %sign3A_1122 : i32 to vector<16x128xi32>
      %sign3A_1124 = arith.cmpi sgt, %iota3A_1086, %sign3A_1123 : vector<16x128xi32>
      %sign3A_1125 = arith.extui %sign3A_1124 : vector<16x128xi1> to vector<16x128xi32>
      %sign3A_1126 = arith.constant 0 : i32
      %sign3A_1127 = vector.broadcast %sign3A_1126 : i32 to vector<16x128xi32>
      %sign3A_1128 = arith.cmpi slt, %iota3A_1086, %sign3A_1127 : vector<16x128xi32>
      %sign3A_1129 = arith.extui %sign3A_1128 : vector<16x128xi1> to vector<16x128xi32>
      %sign3A_1130 = arith.subi %sign3A_1125, %sign3A_1129 : vector<16x128xi32>
      %sign3A_1131 = arith.constant 0 : i32
      %sign3A_1132 = arith.cmpi sgt, %jit3A_1119, %sign3A_1131 : i32
      %sign3A_1133 = arith.extui %sign3A_1132 : i1 to i32
      %sign3A_1134 = arith.constant 0 : i32
      %sign3A_1135 = arith.cmpi slt, %jit3A_1119, %sign3A_1134 : i32
      %sign3A_1136 = arith.extui %sign3A_1135 : i1 to i32
      %sign3A_1137 = arith.subi %sign3A_1133, %sign3A_1136 : i32
      %ne3A_1138 = vector.broadcast %sign3A_1137 : i32 to vector<16x128xi32>
      %ne3A_1139 = arith.cmpi ne, %sign3A_1130, %ne3A_1138 : vector<16x128xi32>
      %rem3A_1140 = vector.broadcast %jit3A_1119 : i32 to vector<16x128xi32>
      %rem3A_1141 = arith.remsi %iota3A_1086, %rem3A_1140 : vector<16x128xi32>
      %ne3A_1142 = arith.constant 0 : i32
      %ne3A_1143 = vector.broadcast %ne3A_1142 : i32 to vector<16x128xi32>
      %ne3A_1144 = arith.cmpi ne, %rem3A_1141, %ne3A_1143 : vector<16x128xi32>
      %and3A_1145 = arith.andi %ne3A_1139, %ne3A_1144 : vector<16x128xi1>
      %sub3A_1146 = arith.constant 1 : i32
      %sub3A_1147 = vector.broadcast %sub3A_1146 : i32 to vector<16x128xi32>
      %sub3A_1148 = arith.subi %div3A_1121, %sub3A_1147 : vector<16x128xi32>
      %select_n3A_1149 = arith.select %and3A_1145, %sub3A_1148, %div3A_1121 : vector<16x128xi1>, vector<16x128xi32>
      %eq3A_1150 = arith.cmpi eq, %select_n3A_1118, %select_n3A_1149 : vector<16x128xi32>
      %jit3A_1151 = arith.constant 32 : i32
      %eq3A_1152 = arith.constant 0 : i32
      %eq3A_1153 = arith.cmpi eq, %jit3A_1151, %eq3A_1152 : i32
      %jit3A_1154 = arith.constant 1 : i32
      %select_n3A_1155 = arith.select %eq3A_1153, %jit3A_1154, %jit3A_1151 : i32
      %rem3A_1156 = vector.broadcast %select_n3A_1155 : i32 to vector<16x128xi32>
      %rem3A_1157 = arith.remsi %iota3A_1087, %rem3A_1156 : vector<16x128xi32>
      %ne3A_1158 = arith.constant 0 : i32
      %ne3A_1159 = vector.broadcast %ne3A_1158 : i32 to vector<16x128xi32>
      %ne3A_1160 = arith.cmpi ne, %rem3A_1157, %ne3A_1159 : vector<16x128xi32>
      %lt3A_1161 = arith.constant 0 : i32
      %lt3A_1162 = vector.broadcast %lt3A_1161 : i32 to vector<16x128xi32>
      %lt3A_1163 = arith.cmpi slt, %rem3A_1157, %lt3A_1162 : vector<16x128xi32>
      %lt3A_1164 = arith.constant 0 : i32
      %lt3A_1165 = arith.cmpi slt, %select_n3A_1155, %lt3A_1164 : i32
      %ne3A_1166 = vector.broadcast %lt3A_1165 : i1 to vector<16x128xi1>
      %ne3A_1167 = vector.broadcast %ne3A_1166 : vector<16x128xi1> to vector<16x128xi1>
      %ne3A_1168 = arith.xori %lt3A_1163, %ne3A_1167 : vector<16x128xi1>
      %and3A_1169 = arith.andi %ne3A_1168, %ne3A_1160 : vector<16x128xi1>
      %add3A_1170 = vector.broadcast %select_n3A_1155 : i32 to vector<16x128xi32>
      %add3A_1171 = arith.addi %rem3A_1157, %add3A_1170 : vector<16x128xi32>
      %select_n3A_1172 = arith.select %and3A_1169, %add3A_1171, %rem3A_1157 : vector<16x128xi1>, vector<16x128xi32>
      %jit3A_1173 = arith.constant 8 : i32
      %div3A_1174 = vector.broadcast %jit3A_1173 : i32 to vector<16x128xi32>
      %div3A_1175 = arith.divsi %select_n3A_1172, %div3A_1174 : vector<16x128xi32>
      %sign3A_1176 = arith.constant 0 : i32
      %sign3A_1177 = vector.broadcast %sign3A_1176 : i32 to vector<16x128xi32>
      %sign3A_1178 = arith.cmpi sgt, %select_n3A_1172, %sign3A_1177 : vector<16x128xi32>
      %sign3A_1179 = arith.extui %sign3A_1178 : vector<16x128xi1> to vector<16x128xi32>
      %sign3A_1180 = arith.constant 0 : i32
      %sign3A_1181 = vector.broadcast %sign3A_1180 : i32 to vector<16x128xi32>
      %sign3A_1182 = arith.cmpi slt, %select_n3A_1172, %sign3A_1181 : vector<16x128xi32>
      %sign3A_1183 = arith.extui %sign3A_1182 : vector<16x128xi1> to vector<16x128xi32>
      %sign3A_1184 = arith.subi %sign3A_1179, %sign3A_1183 : vector<16x128xi32>
      %sign3A_1185 = arith.constant 0 : i32
      %sign3A_1186 = arith.cmpi sgt, %jit3A_1173, %sign3A_1185 : i32
      %sign3A_1187 = arith.extui %sign3A_1186 : i1 to i32
      %sign3A_1188 = arith.constant 0 : i32
      %sign3A_1189 = arith.cmpi slt, %jit3A_1173, %sign3A_1188 : i32
      %sign3A_1190 = arith.extui %sign3A_1189 : i1 to i32
      %sign3A_1191 = arith.subi %sign3A_1187, %sign3A_1190 : i32
      %ne3A_1192 = vector.broadcast %sign3A_1191 : i32 to vector<16x128xi32>
      %ne3A_1193 = arith.cmpi ne, %sign3A_1184, %ne3A_1192 : vector<16x128xi32>
      %rem3A_1194 = vector.broadcast %jit3A_1173 : i32 to vector<16x128xi32>
      %rem3A_1195 = arith.remsi %select_n3A_1172, %rem3A_1194 : vector<16x128xi32>
      %ne3A_1196 = arith.constant 0 : i32
      %ne3A_1197 = vector.broadcast %ne3A_1196 : i32 to vector<16x128xi32>
      %ne3A_1198 = arith.cmpi ne, %rem3A_1195, %ne3A_1197 : vector<16x128xi32>
      %and3A_1199 = arith.andi %ne3A_1193, %ne3A_1198 : vector<16x128xi1>
      %sub3A_1200 = arith.constant 1 : i32
      %sub3A_1201 = vector.broadcast %sub3A_1200 : i32 to vector<16x128xi32>
      %sub3A_1202 = arith.subi %div3A_1175, %sub3A_1201 : vector<16x128xi32>
      %select_n3A_1203 = arith.select %and3A_1199, %sub3A_1202, %div3A_1175 : vector<16x128xi1>, vector<16x128xi32>
      %jit3A_1204 = arith.constant 4 : i32
      %eq3A_1205 = arith.constant 0 : i32
      %eq3A_1206 = arith.cmpi eq, %jit3A_1204, %eq3A_1205 : i32
      %jit3A_1207 = arith.constant 1 : i32
      %select_n3A_1208 = arith.select %eq3A_1206, %jit3A_1207, %jit3A_1204 : i32
      %rem3A_1209 = vector.broadcast %select_n3A_1208 : i32 to vector<16x128xi32>
      %rem3A_1210 = arith.remsi %iota3A_1086, %rem3A_1209 : vector<16x128xi32>
      %ne3A_1211 = arith.constant 0 : i32
      %ne3A_1212 = vector.broadcast %ne3A_1211 : i32 to vector<16x128xi32>
      %ne3A_1213 = arith.cmpi ne, %rem3A_1210, %ne3A_1212 : vector<16x128xi32>
      %lt3A_1214 = arith.constant 0 : i32
      %lt3A_1215 = vector.broadcast %lt3A_1214 : i32 to vector<16x128xi32>
      %lt3A_1216 = arith.cmpi slt, %rem3A_1210, %lt3A_1215 : vector<16x128xi32>
      %lt3A_1217 = arith.constant 0 : i32
      %lt3A_1218 = arith.cmpi slt, %select_n3A_1208, %lt3A_1217 : i32
      %ne3A_1219 = vector.broadcast %lt3A_1218 : i1 to vector<16x128xi1>
      %ne3A_1220 = vector.broadcast %ne3A_1219 : vector<16x128xi1> to vector<16x128xi1>
      %ne3A_1221 = arith.xori %lt3A_1216, %ne3A_1220 : vector<16x128xi1>
      %and3A_1222 = arith.andi %ne3A_1221, %ne3A_1213 : vector<16x128xi1>
      %add3A_1223 = vector.broadcast %select_n3A_1208 : i32 to vector<16x128xi32>
      %add3A_1224 = arith.addi %rem3A_1210, %add3A_1223 : vector<16x128xi32>
      %select_n3A_1225 = arith.select %and3A_1222, %add3A_1224, %rem3A_1210 : vector<16x128xi1>, vector<16x128xi32>
      %eq3A_1226 = arith.cmpi eq, %select_n3A_1203, %select_n3A_1225 : vector<16x128xi32>
      %and3A_1227 = arith.andi %eq3A_1150, %eq3A_1226 : vector<16x128xi1>
      %convert_element_type3A_1228 = arith.extui %and3A_1227 : vector<16x128xi1> to vector<16x128xi32>
      %convert_element_type3A_1229 = arith.sitofp %convert_element_type3A_1228 : vector<16x128xi32> to vector<16x128xf32>
      %dot_general3A_1230 = arith.constant dense<0.000000e+00> : vector<512x128xf32>
      %dot_general3A_1231 = tpu.matmul %mul3A_1085, %convert_element_type3A_1229, %dot_general3A_1230 {dimension_numbers = #tpu.dot_dimension_numbers<[1], [0], [0], [1], [0, 0, 1, 1], [], []>, transpose_lhs_hint = false} : vector<512x16xf32>, vector<16x128xf32>, vector<512x128xf32> -> vector<512x128xf32>
      %slice3A_1232 = vector.extract_strided_slice %concatenate3A_316 {offsets = [0, 0], sizes = [512, 128], strides = [1, 1]} : vector<512x256xf32> to vector<512x128xf32>
      %mul3A_1233 = arith.mulf %dot_general3A_1231, %slice3A_1232 : vector<512x128xf32>
      %slice3A_1234 = vector.extract_strided_slice %mul3A_1233 {offsets = [0, 0], sizes = [512, 32], strides = [1, 1]} : vector<512x128xf32> to vector<512x32xf32>
      %slice3A_1235 = vector.extract_strided_slice %mul3A_1233 {offsets = [0, 32], sizes = [512, 32], strides = [1, 1]} : vector<512x128xf32> to vector<512x32xf32>
      %add3A_1236 = arith.addf %slice3A_1234, %slice3A_1235 : vector<512x32xf32>
      %slice3A_1237 = vector.extract_strided_slice %mul3A_1233 {offsets = [0, 64], sizes = [512, 32], strides = [1, 1]} : vector<512x128xf32> to vector<512x32xf32>
      %add3A_1238 = arith.addf %add3A_1236, %slice3A_1237 : vector<512x32xf32>
      %slice3A_1239 = vector.extract_strided_slice %mul3A_1233 {offsets = [0, 96], sizes = [512, 32], strides = [1, 1]} : vector<512x128xf32> to vector<512x32xf32>
      %add3A_1240 = arith.addf %add3A_1238, %slice3A_1239 : vector<512x32xf32>
      %dot_general3A_1241 = arith.constant dense<0.000000e+00> : vector<512x2xf32>
      %dot_general3A_1242 = tpu.matmul %add3A_1240, %concatenate3A, %dot_general3A_1241 {dimension_numbers = #tpu.dot_dimension_numbers<[1], [1], [0], [0], [0, 0, 1, 0], [], []>, transpose_lhs_hint = false} : vector<512x32xf32>, vector<2x32xf32>, vector<512x2xf32> -> vector<512x2xf32>
      %slice3A_1243 = vector.extract_strided_slice %dot_general3A_1242 {offsets = [0, 0], sizes = [512, 1], strides = [1, 1]} : vector<512x2xf32> to vector<512x1xf32>
      %slice3A_1244 = vector.extract_strided_slice %dot_general3A_1242 {offsets = [0, 1], sizes = [512, 1], strides = [1, 1]} : vector<512x2xf32> to vector<512x1xf32>
      %mul3A_1245 = arith.mulf %slice3A_1243, %slice3A_1244 : vector<512x1xf32>
      %mul3A_1246 = arith.mulf %mul3A_177, %dot_general3A_206 : vector<512x32xf32>
      %mul3A_1247 = arith.mulf %mul3A_177, %dot_general3A_211 : vector<512x32xf32>
      %mul3A_1248 = arith.mulf %mul3A_177, %dot_general3A_216 : vector<512x32xf32>
      %mul3A_1249 = arith.mulf %mul3A_177, %dot_general3A_221 : vector<512x32xf32>
      %mul3A_1250 = arith.mulf %mul3A_177, %dot_general3A_226 : vector<512x32xf32>
      %concatenate3A_1251 = tpu.concatenate %mul3A_1246, %mul3A_1247, %mul3A_1248, %mul3A_1249, %mul3A_1250 in 0 : vector<512x32xf32>, vector<512x32xf32>, vector<512x32xf32>, vector<512x32xf32>, vector<512x32xf32> -> vector<2560x32xf32>
      %dot_general3A_1252 = arith.constant dense<0.000000e+00> : vector<2560x4xf32>
      %dot_general3A_1253 = tpu.matmul %concatenate3A_1251, %convert_element_type3A_309, %dot_general3A_1252 {dimension_numbers = #tpu.dot_dimension_numbers<[1], [0], [0], [1], [0, 0, 1, 1], [], []>, transpose_lhs_hint = false} : vector<2560x32xf32>, vector<32x4xf32>, vector<2560x4xf32> -> vector<2560x4xf32>
      %slice3A_1254 = vector.extract_strided_slice %dot_general3A_1253 {offsets = [0, 0], sizes = [512, 4], strides = [1, 1]} : vector<2560x4xf32> to vector<512x4xf32>
      %slice3A_1255 = vector.extract_strided_slice %dot_general3A_1253 {offsets = [512, 0], sizes = [512, 4], strides = [1, 1]} : vector<2560x4xf32> to vector<512x4xf32>
      %slice3A_1256 = vector.extract_strided_slice %dot_general3A_1253 {offsets = [1024, 0], sizes = [512, 4], strides = [1, 1]} : vector<2560x4xf32> to vector<512x4xf32>
      %slice3A_1257 = vector.extract_strided_slice %dot_general3A_1253 {offsets = [1536, 0], sizes = [512, 4], strides = [1, 1]} : vector<2560x4xf32> to vector<512x4xf32>
      %slice3A_1258 = vector.extract_strided_slice %dot_general3A_1253 {offsets = [2048, 0], sizes = [512, 4], strides = [1, 1]} : vector<2560x4xf32> to vector<512x4xf32>
      %concatenate3A_1259 = tpu.concatenate %slice3A_1254, %slice3A_1255, %slice3A_1256, %slice3A_1257, %slice3A_1258 in 1 : vector<512x4xf32>, vector<512x4xf32>, vector<512x4xf32>, vector<512x4xf32>, vector<512x4xf32> -> vector<512x20xf32>
      %reduce_max3A_1260 = arith.constant dense<0xFF800000> : vector<512xf32>
      %reduce_max3A_1261 = vector.multi_reduction <maximumf>, %concatenate3A_1259, %reduce_max3A_1260 [1] : vector<512x20xf32> to vector<512xf32>
      %broadcast_in_dim3A_1262 = vector.shape_cast %reduce_max3A_1261 : vector<512xf32> to vector<512x1xf32>
      %sub3A_1263 = vector.broadcast %broadcast_in_dim3A_1262 : vector<512x1xf32> to vector<512x20xf32>
      %sub3A_1264 = arith.subf %concatenate3A_1259, %sub3A_1263 : vector<512x20xf32>
      %exp3A_1265 = math.exp %sub3A_1264 : vector<512x20xf32>
      %iota3A_1266 = tpu.iota {dimensions = array<i32: 0>} : vector<20x4xi32>
      %iota3A_1267 = tpu.iota {dimensions = array<i32: 1>} : vector<20x4xi32>
      %jit3A_1268 = arith.constant 4 : i32
      %eq3A_1269 = arith.constant 0 : i32
      %eq3A_1270 = arith.cmpi eq, %jit3A_1268, %eq3A_1269 : i32
      %jit3A_1271 = arith.constant 1 : i32
      %select_n3A_1272 = arith.select %eq3A_1270, %jit3A_1271, %jit3A_1268 : i32
      %rem3A_1273 = vector.broadcast %select_n3A_1272 : i32 to vector<20x4xi32>
      %rem3A_1274 = arith.remsi %iota3A_1266, %rem3A_1273 : vector<20x4xi32>
      %ne3A_1275 = arith.constant 0 : i32
      %ne3A_1276 = vector.broadcast %ne3A_1275 : i32 to vector<20x4xi32>
      %ne3A_1277 = arith.cmpi ne, %rem3A_1274, %ne3A_1276 : vector<20x4xi32>
      %lt3A_1278 = arith.constant 0 : i32
      %lt3A_1279 = vector.broadcast %lt3A_1278 : i32 to vector<20x4xi32>
      %lt3A_1280 = arith.cmpi slt, %rem3A_1274, %lt3A_1279 : vector<20x4xi32>
      %lt3A_1281 = arith.constant 0 : i32
      %lt3A_1282 = arith.cmpi slt, %select_n3A_1272, %lt3A_1281 : i32
      %ne3A_1283 = vector.broadcast %lt3A_1282 : i1 to vector<20x4xi1>
      %ne3A_1284 = vector.broadcast %ne3A_1283 : vector<20x4xi1> to vector<20x4xi1>
      %ne3A_1285 = arith.xori %lt3A_1280, %ne3A_1284 : vector<20x4xi1>
      %and3A_1286 = arith.andi %ne3A_1285, %ne3A_1277 : vector<20x4xi1>
      %add3A_1287 = vector.broadcast %select_n3A_1272 : i32 to vector<20x4xi32>
      %add3A_1288 = arith.addi %rem3A_1274, %add3A_1287 : vector<20x4xi32>
      %select_n3A_1289 = arith.select %and3A_1286, %add3A_1288, %rem3A_1274 : vector<20x4xi1>, vector<20x4xi32>
      %eq3A_1290 = arith.cmpi eq, %select_n3A_1289, %iota3A_1267 : vector<20x4xi32>
      %convert_element_type3A_1291 = arith.extui %eq3A_1290 : vector<20x4xi1> to vector<20x4xi32>
      %convert_element_type3A_1292 = arith.sitofp %convert_element_type3A_1291 : vector<20x4xi32> to vector<20x4xf32>
      %dot_general3A_1293 = arith.constant dense<0.000000e+00> : vector<512x4xf32>
      %dot_general3A_1294 = tpu.matmul %exp3A_1265, %convert_element_type3A_1292, %dot_general3A_1293 {dimension_numbers = #tpu.dot_dimension_numbers<[1], [0], [0], [1], [0, 0, 1, 1], [], []>, transpose_lhs_hint = false} : vector<512x20xf32>, vector<20x4xf32>, vector<512x4xf32> -> vector<512x4xf32>
      %div3A_1295 = arith.constant 1.000000e+00 : f32
      %div3A_1296 = vector.broadcast %div3A_1295 : f32 to vector<512x4xf32>
      %div3A_1297 = arith.divf %div3A_1296, %dot_general3A_1294 : vector<512x4xf32>
      %transpose3A_1298 = tpu.transpose %iota3A_1267, [1, 0] : vector<20x4xi32> -> vector<4x20xi32>
      %jit3A_1299 = arith.constant 4 : i32
      %eq3A_1300 = arith.constant 0 : i32
      %eq3A_1301 = arith.cmpi eq, %jit3A_1299, %eq3A_1300 : i32
      %jit3A_1302 = arith.constant 1 : i32
      %select_n3A_1303 = arith.select %eq3A_1301, %jit3A_1302, %jit3A_1299 : i32
      %rem3A_1304 = vector.broadcast %select_n3A_1303 : i32 to vector<20x4xi32>
      %rem3A_1305 = arith.remsi %iota3A_1266, %rem3A_1304 : vector<20x4xi32>
      %ne3A_1306 = arith.constant 0 : i32
      %ne3A_1307 = vector.broadcast %ne3A_1306 : i32 to vector<20x4xi32>
      %ne3A_1308 = arith.cmpi ne, %rem3A_1305, %ne3A_1307 : vector<20x4xi32>
      %lt3A_1309 = arith.constant 0 : i32
      %lt3A_1310 = vector.broadcast %lt3A_1309 : i32 to vector<20x4xi32>
      %lt3A_1311 = arith.cmpi slt, %rem3A_1305, %lt3A_1310 : vector<20x4xi32>
      %lt3A_1312 = arith.constant 0 : i32
      %lt3A_1313 = arith.cmpi slt, %select_n3A_1303, %lt3A_1312 : i32
      %ne3A_1314 = vector.broadcast %lt3A_1313 : i1 to vector<20x4xi1>
      %ne3A_1315 = vector.broadcast %ne3A_1314 : vector<20x4xi1> to vector<20x4xi1>
      %ne3A_1316 = arith.xori %lt3A_1311, %ne3A_1315 : vector<20x4xi1>
      %and3A_1317 = arith.andi %ne3A_1316, %ne3A_1308 : vector<20x4xi1>
      %add3A_1318 = vector.broadcast %select_n3A_1303 : i32 to vector<20x4xi32>
      %add3A_1319 = arith.addi %rem3A_1305, %add3A_1318 : vector<20x4xi32>
      %select_n3A_1320 = arith.select %and3A_1317, %add3A_1319, %rem3A_1305 : vector<20x4xi1>, vector<20x4xi32>
      %transpose3A_1321 = tpu.transpose %select_n3A_1320, [1, 0] : vector<20x4xi32> -> vector<4x20xi32>
      %eq3A_1322 = arith.cmpi eq, %transpose3A_1298, %transpose3A_1321 : vector<4x20xi32>
      %convert_element_type3A_1323 = arith.extui %eq3A_1322 : vector<4x20xi1> to vector<4x20xi32>
      %convert_element_type3A_1324 = arith.sitofp %convert_element_type3A_1323 : vector<4x20xi32> to vector<4x20xf32>
      %dot_general3A_1325 = arith.constant dense<0.000000e+00> : vector<512x20xf32>
      %dot_general3A_1326 = tpu.matmul %div3A_1297, %convert_element_type3A_1324, %dot_general3A_1325 {dimension_numbers = #tpu.dot_dimension_numbers<[1], [0], [0], [1], [0, 0, 1, 1], [], []>, transpose_lhs_hint = false} : vector<512x4xf32>, vector<4x20xf32>, vector<512x20xf32> -> vector<512x20xf32>
      %mul3A_1327 = arith.mulf %exp3A_1265, %dot_general3A_1326 : vector<512x20xf32>
      %iota3A_1328 = tpu.iota {dimensions = array<i32: 0>} : vector<20x160xi32>
      %iota3A_1329 = tpu.iota {dimensions = array<i32: 1>} : vector<20x160xi32>
      %jit3A_1330 = arith.constant 32 : i32
      %div3A_1331 = vector.broadcast %jit3A_1330 : i32 to vector<20x160xi32>
      %div3A_1332 = arith.divsi %iota3A_1329, %div3A_1331 : vector<20x160xi32>
      %sign3A_1333 = arith.constant 0 : i32
      %sign3A_1334 = vector.broadcast %sign3A_1333 : i32 to vector<20x160xi32>
      %sign3A_1335 = arith.cmpi sgt, %iota3A_1329, %sign3A_1334 : vector<20x160xi32>
      %sign3A_1336 = arith.extui %sign3A_1335 : vector<20x160xi1> to vector<20x160xi32>
      %sign3A_1337 = arith.constant 0 : i32
      %sign3A_1338 = vector.broadcast %sign3A_1337 : i32 to vector<20x160xi32>
      %sign3A_1339 = arith.cmpi slt, %iota3A_1329, %sign3A_1338 : vector<20x160xi32>
      %sign3A_1340 = arith.extui %sign3A_1339 : vector<20x160xi1> to vector<20x160xi32>
      %sign3A_1341 = arith.subi %sign3A_1336, %sign3A_1340 : vector<20x160xi32>
      %sign3A_1342 = arith.constant 0 : i32
      %sign3A_1343 = arith.cmpi sgt, %jit3A_1330, %sign3A_1342 : i32
      %sign3A_1344 = arith.extui %sign3A_1343 : i1 to i32
      %sign3A_1345 = arith.constant 0 : i32
      %sign3A_1346 = arith.cmpi slt, %jit3A_1330, %sign3A_1345 : i32
      %sign3A_1347 = arith.extui %sign3A_1346 : i1 to i32
      %sign3A_1348 = arith.subi %sign3A_1344, %sign3A_1347 : i32
      %ne3A_1349 = vector.broadcast %sign3A_1348 : i32 to vector<20x160xi32>
      %ne3A_1350 = arith.cmpi ne, %sign3A_1341, %ne3A_1349 : vector<20x160xi32>
      %rem3A_1351 = vector.broadcast %jit3A_1330 : i32 to vector<20x160xi32>
      %rem3A_1352 = arith.remsi %iota3A_1329, %rem3A_1351 : vector<20x160xi32>
      %ne3A_1353 = arith.constant 0 : i32
      %ne3A_1354 = vector.broadcast %ne3A_1353 : i32 to vector<20x160xi32>
      %ne3A_1355 = arith.cmpi ne, %rem3A_1352, %ne3A_1354 : vector<20x160xi32>
      %and3A_1356 = arith.andi %ne3A_1350, %ne3A_1355 : vector<20x160xi1>
      %sub3A_1357 = arith.constant 1 : i32
      %sub3A_1358 = vector.broadcast %sub3A_1357 : i32 to vector<20x160xi32>
      %sub3A_1359 = arith.subi %div3A_1332, %sub3A_1358 : vector<20x160xi32>
      %select_n3A_1360 = arith.select %and3A_1356, %sub3A_1359, %div3A_1332 : vector<20x160xi1>, vector<20x160xi32>
      %jit3A_1361 = arith.constant 4 : i32
      %div3A_1362 = vector.broadcast %jit3A_1361 : i32 to vector<20x160xi32>
      %div3A_1363 = arith.divsi %iota3A_1328, %div3A_1362 : vector<20x160xi32>
      %sign3A_1364 = arith.constant 0 : i32
      %sign3A_1365 = vector.broadcast %sign3A_1364 : i32 to vector<20x160xi32>
      %sign3A_1366 = arith.cmpi sgt, %iota3A_1328, %sign3A_1365 : vector<20x160xi32>
      %sign3A_1367 = arith.extui %sign3A_1366 : vector<20x160xi1> to vector<20x160xi32>
      %sign3A_1368 = arith.constant 0 : i32
      %sign3A_1369 = vector.broadcast %sign3A_1368 : i32 to vector<20x160xi32>
      %sign3A_1370 = arith.cmpi slt, %iota3A_1328, %sign3A_1369 : vector<20x160xi32>
      %sign3A_1371 = arith.extui %sign3A_1370 : vector<20x160xi1> to vector<20x160xi32>
      %sign3A_1372 = arith.subi %sign3A_1367, %sign3A_1371 : vector<20x160xi32>
      %sign3A_1373 = arith.constant 0 : i32
      %sign3A_1374 = arith.cmpi sgt, %jit3A_1361, %sign3A_1373 : i32
      %sign3A_1375 = arith.extui %sign3A_1374 : i1 to i32
      %sign3A_1376 = arith.constant 0 : i32
      %sign3A_1377 = arith.cmpi slt, %jit3A_1361, %sign3A_1376 : i32
      %sign3A_1378 = arith.extui %sign3A_1377 : i1 to i32
      %sign3A_1379 = arith.subi %sign3A_1375, %sign3A_1378 : i32
      %ne3A_1380 = vector.broadcast %sign3A_1379 : i32 to vector<20x160xi32>
      %ne3A_1381 = arith.cmpi ne, %sign3A_1372, %ne3A_1380 : vector<20x160xi32>
      %rem3A_1382 = vector.broadcast %jit3A_1361 : i32 to vector<20x160xi32>
      %rem3A_1383 = arith.remsi %iota3A_1328, %rem3A_1382 : vector<20x160xi32>
      %ne3A_1384 = arith.constant 0 : i32
      %ne3A_1385 = vector.broadcast %ne3A_1384 : i32 to vector<20x160xi32>
      %ne3A_1386 = arith.cmpi ne, %rem3A_1383, %ne3A_1385 : vector<20x160xi32>
      %and3A_1387 = arith.andi %ne3A_1381, %ne3A_1386 : vector<20x160xi1>
      %sub3A_1388 = arith.constant 1 : i32
      %sub3A_1389 = vector.broadcast %sub3A_1388 : i32 to vector<20x160xi32>
      %sub3A_1390 = arith.subi %div3A_1363, %sub3A_1389 : vector<20x160xi32>
      %select_n3A_1391 = arith.select %and3A_1387, %sub3A_1390, %div3A_1363 : vector<20x160xi1>, vector<20x160xi32>
      %eq3A_1392 = arith.cmpi eq, %select_n3A_1360, %select_n3A_1391 : vector<20x160xi32>
      %jit3A_1393 = arith.constant 32 : i32
      %eq3A_1394 = arith.constant 0 : i32
      %eq3A_1395 = arith.cmpi eq, %jit3A_1393, %eq3A_1394 : i32
      %jit3A_1396 = arith.constant 1 : i32
      %select_n3A_1397 = arith.select %eq3A_1395, %jit3A_1396, %jit3A_1393 : i32
      %rem3A_1398 = vector.broadcast %select_n3A_1397 : i32 to vector<20x160xi32>
      %rem3A_1399 = arith.remsi %iota3A_1329, %rem3A_1398 : vector<20x160xi32>
      %ne3A_1400 = arith.constant 0 : i32
      %ne3A_1401 = vector.broadcast %ne3A_1400 : i32 to vector<20x160xi32>
      %ne3A_1402 = arith.cmpi ne, %rem3A_1399, %ne3A_1401 : vector<20x160xi32>
      %lt3A_1403 = arith.constant 0 : i32
      %lt3A_1404 = vector.broadcast %lt3A_1403 : i32 to vector<20x160xi32>
      %lt3A_1405 = arith.cmpi slt, %rem3A_1399, %lt3A_1404 : vector<20x160xi32>
      %lt3A_1406 = arith.constant 0 : i32
      %lt3A_1407 = arith.cmpi slt, %select_n3A_1397, %lt3A_1406 : i32
      %ne3A_1408 = vector.broadcast %lt3A_1407 : i1 to vector<20x160xi1>
      %ne3A_1409 = vector.broadcast %ne3A_1408 : vector<20x160xi1> to vector<20x160xi1>
      %ne3A_1410 = arith.xori %lt3A_1405, %ne3A_1409 : vector<20x160xi1>
      %and3A_1411 = arith.andi %ne3A_1410, %ne3A_1402 : vector<20x160xi1>
      %add3A_1412 = vector.broadcast %select_n3A_1397 : i32 to vector<20x160xi32>
      %add3A_1413 = arith.addi %rem3A_1399, %add3A_1412 : vector<20x160xi32>
      %select_n3A_1414 = arith.select %and3A_1411, %add3A_1413, %rem3A_1399 : vector<20x160xi1>, vector<20x160xi32>
      %jit3A_1415 = arith.constant 8 : i32
      %div3A_1416 = vector.broadcast %jit3A_1415 : i32 to vector<20x160xi32>
      %div3A_1417 = arith.divsi %select_n3A_1414, %div3A_1416 : vector<20x160xi32>
      %sign3A_1418 = arith.constant 0 : i32
      %sign3A_1419 = vector.broadcast %sign3A_1418 : i32 to vector<20x160xi32>
      %sign3A_1420 = arith.cmpi sgt, %select_n3A_1414, %sign3A_1419 : vector<20x160xi32>
      %sign3A_1421 = arith.extui %sign3A_1420 : vector<20x160xi1> to vector<20x160xi32>
      %sign3A_1422 = arith.constant 0 : i32
      %sign3A_1423 = vector.broadcast %sign3A_1422 : i32 to vector<20x160xi32>
      %sign3A_1424 = arith.cmpi slt, %select_n3A_1414, %sign3A_1423 : vector<20x160xi32>
      %sign3A_1425 = arith.extui %sign3A_1424 : vector<20x160xi1> to vector<20x160xi32>
      %sign3A_1426 = arith.subi %sign3A_1421, %sign3A_1425 : vector<20x160xi32>
      %sign3A_1427 = arith.constant 0 : i32
      %sign3A_1428 = arith.cmpi sgt, %jit3A_1415, %sign3A_1427 : i32
      %sign3A_1429 = arith.extui %sign3A_1428 : i1 to i32
      %sign3A_1430 = arith.constant 0 : i32
      %sign3A_1431 = arith.cmpi slt, %jit3A_1415, %sign3A_1430 : i32
      %sign3A_1432 = arith.extui %sign3A_1431 : i1 to i32
      %sign3A_1433 = arith.subi %sign3A_1429, %sign3A_1432 : i32
      %ne3A_1434 = vector.broadcast %sign3A_1433 : i32 to vector<20x160xi32>
      %ne3A_1435 = arith.cmpi ne, %sign3A_1426, %ne3A_1434 : vector<20x160xi32>
      %rem3A_1436 = vector.broadcast %jit3A_1415 : i32 to vector<20x160xi32>
      %rem3A_1437 = arith.remsi %select_n3A_1414, %rem3A_1436 : vector<20x160xi32>
      %ne3A_1438 = arith.constant 0 : i32
      %ne3A_1439 = vector.broadcast %ne3A_1438 : i32 to vector<20x160xi32>
      %ne3A_1440 = arith.cmpi ne, %rem3A_1437, %ne3A_1439 : vector<20x160xi32>
      %and3A_1441 = arith.andi %ne3A_1435, %ne3A_1440 : vector<20x160xi1>
      %sub3A_1442 = arith.constant 1 : i32
      %sub3A_1443 = vector.broadcast %sub3A_1442 : i32 to vector<20x160xi32>
      %sub3A_1444 = arith.subi %div3A_1417, %sub3A_1443 : vector<20x160xi32>
      %select_n3A_1445 = arith.select %and3A_1441, %sub3A_1444, %div3A_1417 : vector<20x160xi1>, vector<20x160xi32>
      %jit3A_1446 = arith.constant 4 : i32
      %eq3A_1447 = arith.constant 0 : i32
      %eq3A_1448 = arith.cmpi eq, %jit3A_1446, %eq3A_1447 : i32
      %jit3A_1449 = arith.constant 1 : i32
      %select_n3A_1450 = arith.select %eq3A_1448, %jit3A_1449, %jit3A_1446 : i32
      %rem3A_1451 = vector.broadcast %select_n3A_1450 : i32 to vector<20x160xi32>
      %rem3A_1452 = arith.remsi %iota3A_1328, %rem3A_1451 : vector<20x160xi32>
      %ne3A_1453 = arith.constant 0 : i32
      %ne3A_1454 = vector.broadcast %ne3A_1453 : i32 to vector<20x160xi32>
      %ne3A_1455 = arith.cmpi ne, %rem3A_1452, %ne3A_1454 : vector<20x160xi32>
      %lt3A_1456 = arith.constant 0 : i32
      %lt3A_1457 = vector.broadcast %lt3A_1456 : i32 to vector<20x160xi32>
      %lt3A_1458 = arith.cmpi slt, %rem3A_1452, %lt3A_1457 : vector<20x160xi32>
      %lt3A_1459 = arith.constant 0 : i32
      %lt3A_1460 = arith.cmpi slt, %select_n3A_1450, %lt3A_1459 : i32
      %ne3A_1461 = vector.broadcast %lt3A_1460 : i1 to vector<20x160xi1>
      %ne3A_1462 = vector.broadcast %ne3A_1461 : vector<20x160xi1> to vector<20x160xi1>
      %ne3A_1463 = arith.xori %lt3A_1458, %ne3A_1462 : vector<20x160xi1>
      %and3A_1464 = arith.andi %ne3A_1463, %ne3A_1455 : vector<20x160xi1>
      %add3A_1465 = vector.broadcast %select_n3A_1450 : i32 to vector<20x160xi32>
      %add3A_1466 = arith.addi %rem3A_1452, %add3A_1465 : vector<20x160xi32>
      %select_n3A_1467 = arith.select %and3A_1464, %add3A_1466, %rem3A_1452 : vector<20x160xi1>, vector<20x160xi32>
      %eq3A_1468 = arith.cmpi eq, %select_n3A_1445, %select_n3A_1467 : vector<20x160xi32>
      %and3A_1469 = arith.andi %eq3A_1392, %eq3A_1468 : vector<20x160xi1>
      %convert_element_type3A_1470 = arith.extui %and3A_1469 : vector<20x160xi1> to vector<20x160xi32>
      %convert_element_type3A_1471 = arith.sitofp %convert_element_type3A_1470 : vector<20x160xi32> to vector<20x160xf32>
      %dot_general3A_1472 = arith.constant dense<0.000000e+00> : vector<512x160xf32>
      %dot_general3A_1473 = tpu.matmul %mul3A_1327, %convert_element_type3A_1471, %dot_general3A_1472 {dimension_numbers = #tpu.dot_dimension_numbers<[1], [0], [0], [1], [0, 0, 1, 1], [], []>, transpose_lhs_hint = false} : vector<512x20xf32>, vector<20x160xf32>, vector<512x160xf32> -> vector<512x160xf32>
      %slice3A_1474 = vector.extract_strided_slice %concatenate3A_316 {offsets = [0, 0], sizes = [512, 160], strides = [1, 1]} : vector<512x256xf32> to vector<512x160xf32>
      %mul3A_1475 = arith.mulf %dot_general3A_1473, %slice3A_1474 : vector<512x160xf32>
      %slice3A_1476 = vector.extract_strided_slice %mul3A_1475 {offsets = [0, 0], sizes = [512, 32], strides = [1, 1]} : vector<512x160xf32> to vector<512x32xf32>
      %slice3A_1477 = vector.extract_strided_slice %mul3A_1475 {offsets = [0, 32], sizes = [512, 32], strides = [1, 1]} : vector<512x160xf32> to vector<512x32xf32>
      %add3A_1478 = arith.addf %slice3A_1476, %slice3A_1477 : vector<512x32xf32>
      %slice3A_1479 = vector.extract_strided_slice %mul3A_1475 {offsets = [0, 64], sizes = [512, 32], strides = [1, 1]} : vector<512x160xf32> to vector<512x32xf32>
      %add3A_1480 = arith.addf %add3A_1478, %slice3A_1479 : vector<512x32xf32>
      %slice3A_1481 = vector.extract_strided_slice %mul3A_1475 {offsets = [0, 96], sizes = [512, 32], strides = [1, 1]} : vector<512x160xf32> to vector<512x32xf32>
      %add3A_1482 = arith.addf %add3A_1480, %slice3A_1481 : vector<512x32xf32>
      %slice3A_1483 = vector.extract_strided_slice %mul3A_1475 {offsets = [0, 128], sizes = [512, 32], strides = [1, 1]} : vector<512x160xf32> to vector<512x32xf32>
      %add3A_1484 = arith.addf %add3A_1482, %slice3A_1483 : vector<512x32xf32>
      %dot_general3A_1485 = arith.constant dense<0.000000e+00> : vector<512x2xf32>
      %dot_general3A_1486 = tpu.matmul %add3A_1484, %concatenate3A, %dot_general3A_1485 {dimension_numbers = #tpu.dot_dimension_numbers<[1], [1], [0], [0], [0, 0, 1, 0], [], []>, transpose_lhs_hint = false} : vector<512x32xf32>, vector<2x32xf32>, vector<512x2xf32> -> vector<512x2xf32>
      %slice3A_1487 = vector.extract_strided_slice %dot_general3A_1486 {offsets = [0, 0], sizes = [512, 1], strides = [1, 1]} : vector<512x2xf32> to vector<512x1xf32>
      %slice3A_1488 = vector.extract_strided_slice %dot_general3A_1486 {offsets = [0, 1], sizes = [512, 1], strides = [1, 1]} : vector<512x2xf32> to vector<512x1xf32>
      %mul3A_1489 = arith.mulf %slice3A_1487, %slice3A_1488 : vector<512x1xf32>
      %mul3A_1490 = arith.mulf %mul3A_185, %dot_general3A_206 : vector<512x32xf32>
      %mul3A_1491 = arith.mulf %mul3A_185, %dot_general3A_211 : vector<512x32xf32>
      %mul3A_1492 = arith.mulf %mul3A_185, %dot_general3A_216 : vector<512x32xf32>
      %mul3A_1493 = arith.mulf %mul3A_185, %dot_general3A_221 : vector<512x32xf32>
      %mul3A_1494 = arith.mulf %mul3A_185, %dot_general3A_226 : vector<512x32xf32>
      %mul3A_1495 = arith.mulf %mul3A_185, %dot_general3A_231 : vector<512x32xf32>
      %concatenate3A_1496 = tpu.concatenate %mul3A_1490, %mul3A_1491, %mul3A_1492, %mul3A_1493, %mul3A_1494, %mul3A_1495 in 0 : vector<512x32xf32>, vector<512x32xf32>, vector<512x32xf32>, vector<512x32xf32>, vector<512x32xf32>, vector<512x32xf32> -> vector<3072x32xf32>
      %dot_general3A_1497 = arith.constant dense<0.000000e+00> : vector<3072x4xf32>
      %dot_general3A_1498 = tpu.matmul %concatenate3A_1496, %convert_element_type3A_309, %dot_general3A_1497 {dimension_numbers = #tpu.dot_dimension_numbers<[1], [0], [0], [1], [0, 0, 1, 1], [], []>, transpose_lhs_hint = false} : vector<3072x32xf32>, vector<32x4xf32>, vector<3072x4xf32> -> vector<3072x4xf32>
      %slice3A_1499 = vector.extract_strided_slice %dot_general3A_1498 {offsets = [0, 0], sizes = [512, 4], strides = [1, 1]} : vector<3072x4xf32> to vector<512x4xf32>
      %slice3A_1500 = vector.extract_strided_slice %dot_general3A_1498 {offsets = [512, 0], sizes = [512, 4], strides = [1, 1]} : vector<3072x4xf32> to vector<512x4xf32>
      %slice3A_1501 = vector.extract_strided_slice %dot_general3A_1498 {offsets = [1024, 0], sizes = [512, 4], strides = [1, 1]} : vector<3072x4xf32> to vector<512x4xf32>
      %slice3A_1502 = vector.extract_strided_slice %dot_general3A_1498 {offsets = [1536, 0], sizes = [512, 4], strides = [1, 1]} : vector<3072x4xf32> to vector<512x4xf32>
      %slice3A_1503 = vector.extract_strided_slice %dot_general3A_1498 {offsets = [2048, 0], sizes = [512, 4], strides = [1, 1]} : vector<3072x4xf32> to vector<512x4xf32>
      %slice3A_1504 = vector.extract_strided_slice %dot_general3A_1498 {offsets = [2560, 0], sizes = [512, 4], strides = [1, 1]} : vector<3072x4xf32> to vector<512x4xf32>
      %concatenate3A_1505 = tpu.concatenate %slice3A_1499, %slice3A_1500, %slice3A_1501, %slice3A_1502, %slice3A_1503, %slice3A_1504 in 1 : vector<512x4xf32>, vector<512x4xf32>, vector<512x4xf32>, vector<512x4xf32>, vector<512x4xf32>, vector<512x4xf32> -> vector<512x24xf32>
      %reduce_max3A_1506 = arith.constant dense<0xFF800000> : vector<512xf32>
      %reduce_max3A_1507 = vector.multi_reduction <maximumf>, %concatenate3A_1505, %reduce_max3A_1506 [1] : vector<512x24xf32> to vector<512xf32>
      %broadcast_in_dim3A_1508 = vector.shape_cast %reduce_max3A_1507 : vector<512xf32> to vector<512x1xf32>
      %sub3A_1509 = vector.broadcast %broadcast_in_dim3A_1508 : vector<512x1xf32> to vector<512x24xf32>
      %sub3A_1510 = arith.subf %concatenate3A_1505, %sub3A_1509 : vector<512x24xf32>
      %exp3A_1511 = math.exp %sub3A_1510 : vector<512x24xf32>
      %iota3A_1512 = tpu.iota {dimensions = array<i32: 0>} : vector<24x4xi32>
      %iota3A_1513 = tpu.iota {dimensions = array<i32: 1>} : vector<24x4xi32>
      %jit3A_1514 = arith.constant 4 : i32
      %eq3A_1515 = arith.constant 0 : i32
      %eq3A_1516 = arith.cmpi eq, %jit3A_1514, %eq3A_1515 : i32
      %jit3A_1517 = arith.constant 1 : i32
      %select_n3A_1518 = arith.select %eq3A_1516, %jit3A_1517, %jit3A_1514 : i32
      %rem3A_1519 = vector.broadcast %select_n3A_1518 : i32 to vector<24x4xi32>
      %rem3A_1520 = arith.remsi %iota3A_1512, %rem3A_1519 : vector<24x4xi32>
      %ne3A_1521 = arith.constant 0 : i32
      %ne3A_1522 = vector.broadcast %ne3A_1521 : i32 to vector<24x4xi32>
      %ne3A_1523 = arith.cmpi ne, %rem3A_1520, %ne3A_1522 : vector<24x4xi32>
      %lt3A_1524 = arith.constant 0 : i32
      %lt3A_1525 = vector.broadcast %lt3A_1524 : i32 to vector<24x4xi32>
      %lt3A_1526 = arith.cmpi slt, %rem3A_1520, %lt3A_1525 : vector<24x4xi32>
      %lt3A_1527 = arith.constant 0 : i32
      %lt3A_1528 = arith.cmpi slt, %select_n3A_1518, %lt3A_1527 : i32
      %ne3A_1529 = vector.broadcast %lt3A_1528 : i1 to vector<24x4xi1>
      %ne3A_1530 = vector.broadcast %ne3A_1529 : vector<24x4xi1> to vector<24x4xi1>
      %ne3A_1531 = arith.xori %lt3A_1526, %ne3A_1530 : vector<24x4xi1>
      %and3A_1532 = arith.andi %ne3A_1531, %ne3A_1523 : vector<24x4xi1>
      %add3A_1533 = vector.broadcast %select_n3A_1518 : i32 to vector<24x4xi32>
      %add3A_1534 = arith.addi %rem3A_1520, %add3A_1533 : vector<24x4xi32>
      %select_n3A_1535 = arith.select %and3A_1532, %add3A_1534, %rem3A_1520 : vector<24x4xi1>, vector<24x4xi32>
      %eq3A_1536 = arith.cmpi eq, %select_n3A_1535, %iota3A_1513 : vector<24x4xi32>
      %convert_element_type3A_1537 = arith.extui %eq3A_1536 : vector<24x4xi1> to vector<24x4xi32>
      %convert_element_type3A_1538 = arith.sitofp %convert_element_type3A_1537 : vector<24x4xi32> to vector<24x4xf32>
      %dot_general3A_1539 = arith.constant dense<0.000000e+00> : vector<512x4xf32>
      %dot_general3A_1540 = tpu.matmul %exp3A_1511, %convert_element_type3A_1538, %dot_general3A_1539 {dimension_numbers = #tpu.dot_dimension_numbers<[1], [0], [0], [1], [0, 0, 1, 1], [], []>, transpose_lhs_hint = false} : vector<512x24xf32>, vector<24x4xf32>, vector<512x4xf32> -> vector<512x4xf32>
      %div3A_1541 = arith.constant 1.000000e+00 : f32
      %div3A_1542 = vector.broadcast %div3A_1541 : f32 to vector<512x4xf32>
      %div3A_1543 = arith.divf %div3A_1542, %dot_general3A_1540 : vector<512x4xf32>
      %transpose3A_1544 = tpu.transpose %iota3A_1513, [1, 0] : vector<24x4xi32> -> vector<4x24xi32>
      %jit3A_1545 = arith.constant 4 : i32
      %eq3A_1546 = arith.constant 0 : i32
      %eq3A_1547 = arith.cmpi eq, %jit3A_1545, %eq3A_1546 : i32
      %jit3A_1548 = arith.constant 1 : i32
      %select_n3A_1549 = arith.select %eq3A_1547, %jit3A_1548, %jit3A_1545 : i32
      %rem3A_1550 = vector.broadcast %select_n3A_1549 : i32 to vector<24x4xi32>
      %rem3A_1551 = arith.remsi %iota3A_1512, %rem3A_1550 : vector<24x4xi32>
      %ne3A_1552 = arith.constant 0 : i32
      %ne3A_1553 = vector.broadcast %ne3A_1552 : i32 to vector<24x4xi32>
      %ne3A_1554 = arith.cmpi ne, %rem3A_1551, %ne3A_1553 : vector<24x4xi32>
      %lt3A_1555 = arith.constant 0 : i32
      %lt3A_1556 = vector.broadcast %lt3A_1555 : i32 to vector<24x4xi32>
      %lt3A_1557 = arith.cmpi slt, %rem3A_1551, %lt3A_1556 : vector<24x4xi32>
      %lt3A_1558 = arith.constant 0 : i32
      %lt3A_1559 = arith.cmpi slt, %select_n3A_1549, %lt3A_1558 : i32
      %ne3A_1560 = vector.broadcast %lt3A_1559 : i1 to vector<24x4xi1>
      %ne3A_1561 = vector.broadcast %ne3A_1560 : vector<24x4xi1> to vector<24x4xi1>
      %ne3A_1562 = arith.xori %lt3A_1557, %ne3A_1561 : vector<24x4xi1>
      %and3A_1563 = arith.andi %ne3A_1562, %ne3A_1554 : vector<24x4xi1>
      %add3A_1564 = vector.broadcast %select_n3A_1549 : i32 to vector<24x4xi32>
      %add3A_1565 = arith.addi %rem3A_1551, %add3A_1564 : vector<24x4xi32>
      %select_n3A_1566 = arith.select %and3A_1563, %add3A_1565, %rem3A_1551 : vector<24x4xi1>, vector<24x4xi32>
      %transpose3A_1567 = tpu.transpose %select_n3A_1566, [1, 0] : vector<24x4xi32> -> vector<4x24xi32>
      %eq3A_1568 = arith.cmpi eq, %transpose3A_1544, %transpose3A_1567 : vector<4x24xi32>
      %convert_element_type3A_1569 = arith.extui %eq3A_1568 : vector<4x24xi1> to vector<4x24xi32>
      %convert_element_type3A_1570 = arith.sitofp %convert_element_type3A_1569 : vector<4x24xi32> to vector<4x24xf32>
      %dot_general3A_1571 = arith.constant dense<0.000000e+00> : vector<512x24xf32>
      %dot_general3A_1572 = tpu.matmul %div3A_1543, %convert_element_type3A_1570, %dot_general3A_1571 {dimension_numbers = #tpu.dot_dimension_numbers<[1], [0], [0], [1], [0, 0, 1, 1], [], []>, transpose_lhs_hint = false} : vector<512x4xf32>, vector<4x24xf32>, vector<512x24xf32> -> vector<512x24xf32>
      %mul3A_1573 = arith.mulf %exp3A_1511, %dot_general3A_1572 : vector<512x24xf32>
      %iota3A_1574 = tpu.iota {dimensions = array<i32: 0>} : vector<24x192xi32>
      %iota3A_1575 = tpu.iota {dimensions = array<i32: 1>} : vector<24x192xi32>
      %jit3A_1576 = arith.constant 32 : i32
      %div3A_1577 = vector.broadcast %jit3A_1576 : i32 to vector<24x192xi32>
      %div3A_1578 = arith.divsi %iota3A_1575, %div3A_1577 : vector<24x192xi32>
      %sign3A_1579 = arith.constant 0 : i32
      %sign3A_1580 = vector.broadcast %sign3A_1579 : i32 to vector<24x192xi32>
      %sign3A_1581 = arith.cmpi sgt, %iota3A_1575, %sign3A_1580 : vector<24x192xi32>
      %sign3A_1582 = arith.extui %sign3A_1581 : vector<24x192xi1> to vector<24x192xi32>
      %sign3A_1583 = arith.constant 0 : i32
      %sign3A_1584 = vector.broadcast %sign3A_1583 : i32 to vector<24x192xi32>
      %sign3A_1585 = arith.cmpi slt, %iota3A_1575, %sign3A_1584 : vector<24x192xi32>
      %sign3A_1586 = arith.extui %sign3A_1585 : vector<24x192xi1> to vector<24x192xi32>
      %sign3A_1587 = arith.subi %sign3A_1582, %sign3A_1586 : vector<24x192xi32>
      %sign3A_1588 = arith.constant 0 : i32
      %sign3A_1589 = arith.cmpi sgt, %jit3A_1576, %sign3A_1588 : i32
      %sign3A_1590 = arith.extui %sign3A_1589 : i1 to i32
      %sign3A_1591 = arith.constant 0 : i32
      %sign3A_1592 = arith.cmpi slt, %jit3A_1576, %sign3A_1591 : i32
      %sign3A_1593 = arith.extui %sign3A_1592 : i1 to i32
      %sign3A_1594 = arith.subi %sign3A_1590, %sign3A_1593 : i32
      %ne3A_1595 = vector.broadcast %sign3A_1594 : i32 to vector<24x192xi32>
      %ne3A_1596 = arith.cmpi ne, %sign3A_1587, %ne3A_1595 : vector<24x192xi32>
      %rem3A_1597 = vector.broadcast %jit3A_1576 : i32 to vector<24x192xi32>
      %rem3A_1598 = arith.remsi %iota3A_1575, %rem3A_1597 : vector<24x192xi32>
      %ne3A_1599 = arith.constant 0 : i32
      %ne3A_1600 = vector.broadcast %ne3A_1599 : i32 to vector<24x192xi32>
      %ne3A_1601 = arith.cmpi ne, %rem3A_1598, %ne3A_1600 : vector<24x192xi32>
      %and3A_1602 = arith.andi %ne3A_1596, %ne3A_1601 : vector<24x192xi1>
      %sub3A_1603 = arith.constant 1 : i32
      %sub3A_1604 = vector.broadcast %sub3A_1603 : i32 to vector<24x192xi32>
      %sub3A_1605 = arith.subi %div3A_1578, %sub3A_1604 : vector<24x192xi32>
      %select_n3A_1606 = arith.select %and3A_1602, %sub3A_1605, %div3A_1578 : vector<24x192xi1>, vector<24x192xi32>
      %jit3A_1607 = arith.constant 4 : i32
      %div3A_1608 = vector.broadcast %jit3A_1607 : i32 to vector<24x192xi32>
      %div3A_1609 = arith.divsi %iota3A_1574, %div3A_1608 : vector<24x192xi32>
      %sign3A_1610 = arith.constant 0 : i32
      %sign3A_1611 = vector.broadcast %sign3A_1610 : i32 to vector<24x192xi32>
      %sign3A_1612 = arith.cmpi sgt, %iota3A_1574, %sign3A_1611 : vector<24x192xi32>
      %sign3A_1613 = arith.extui %sign3A_1612 : vector<24x192xi1> to vector<24x192xi32>
      %sign3A_1614 = arith.constant 0 : i32
      %sign3A_1615 = vector.broadcast %sign3A_1614 : i32 to vector<24x192xi32>
      %sign3A_1616 = arith.cmpi slt, %iota3A_1574, %sign3A_1615 : vector<24x192xi32>
      %sign3A_1617 = arith.extui %sign3A_1616 : vector<24x192xi1> to vector<24x192xi32>
      %sign3A_1618 = arith.subi %sign3A_1613, %sign3A_1617 : vector<24x192xi32>
      %sign3A_1619 = arith.constant 0 : i32
      %sign3A_1620 = arith.cmpi sgt, %jit3A_1607, %sign3A_1619 : i32
      %sign3A_1621 = arith.extui %sign3A_1620 : i1 to i32
      %sign3A_1622 = arith.constant 0 : i32
      %sign3A_1623 = arith.cmpi slt, %jit3A_1607, %sign3A_1622 : i32
      %sign3A_1624 = arith.extui %sign3A_1623 : i1 to i32
      %sign3A_1625 = arith.subi %sign3A_1621, %sign3A_1624 : i32
      %ne3A_1626 = vector.broadcast %sign3A_1625 : i32 to vector<24x192xi32>
      %ne3A_1627 = arith.cmpi ne, %sign3A_1618, %ne3A_1626 : vector<24x192xi32>
      %rem3A_1628 = vector.broadcast %jit3A_1607 : i32 to vector<24x192xi32>
      %rem3A_1629 = arith.remsi %iota3A_1574, %rem3A_1628 : vector<24x192xi32>
      %ne3A_1630 = arith.constant 0 : i32
      %ne3A_1631 = vector.broadcast %ne3A_1630 : i32 to vector<24x192xi32>
      %ne3A_1632 = arith.cmpi ne, %rem3A_1629, %ne3A_1631 : vector<24x192xi32>
      %and3A_1633 = arith.andi %ne3A_1627, %ne3A_1632 : vector<24x192xi1>
      %sub3A_1634 = arith.constant 1 : i32
      %sub3A_1635 = vector.broadcast %sub3A_1634 : i32 to vector<24x192xi32>
      %sub3A_1636 = arith.subi %div3A_1609, %sub3A_1635 : vector<24x192xi32>
      %select_n3A_1637 = arith.select %and3A_1633, %sub3A_1636, %div3A_1609 : vector<24x192xi1>, vector<24x192xi32>
      %eq3A_1638 = arith.cmpi eq, %select_n3A_1606, %select_n3A_1637 : vector<24x192xi32>
      %jit3A_1639 = arith.constant 32 : i32
      %eq3A_1640 = arith.constant 0 : i32
      %eq3A_1641 = arith.cmpi eq, %jit3A_1639, %eq3A_1640 : i32
      %jit3A_1642 = arith.constant 1 : i32
      %select_n3A_1643 = arith.select %eq3A_1641, %jit3A_1642, %jit3A_1639 : i32
      %rem3A_1644 = vector.broadcast %select_n3A_1643 : i32 to vector<24x192xi32>
      %rem3A_1645 = arith.remsi %iota3A_1575, %rem3A_1644 : vector<24x192xi32>
      %ne3A_1646 = arith.constant 0 : i32
      %ne3A_1647 = vector.broadcast %ne3A_1646 : i32 to vector<24x192xi32>
      %ne3A_1648 = arith.cmpi ne, %rem3A_1645, %ne3A_1647 : vector<24x192xi32>
      %lt3A_1649 = arith.constant 0 : i32
      %lt3A_1650 = vector.broadcast %lt3A_1649 : i32 to vector<24x192xi32>
      %lt3A_1651 = arith.cmpi slt, %rem3A_1645, %lt3A_1650 : vector<24x192xi32>
      %lt3A_1652 = arith.constant 0 : i32
      %lt3A_1653 = arith.cmpi slt, %select_n3A_1643, %lt3A_1652 : i32
      %ne3A_1654 = vector.broadcast %lt3A_1653 : i1 to vector<24x192xi1>
      %ne3A_1655 = vector.broadcast %ne3A_1654 : vector<24x192xi1> to vector<24x192xi1>
      %ne3A_1656 = arith.xori %lt3A_1651, %ne3A_1655 : vector<24x192xi1>
      %and3A_1657 = arith.andi %ne3A_1656, %ne3A_1648 : vector<24x192xi1>
      %add3A_1658 = vector.broadcast %select_n3A_1643 : i32 to vector<24x192xi32>
      %add3A_1659 = arith.addi %rem3A_1645, %add3A_1658 : vector<24x192xi32>
      %select_n3A_1660 = arith.select %and3A_1657, %add3A_1659, %rem3A_1645 : vector<24x192xi1>, vector<24x192xi32>
      %jit3A_1661 = arith.constant 8 : i32
      %div3A_1662 = vector.broadcast %jit3A_1661 : i32 to vector<24x192xi32>
      %div3A_1663 = arith.divsi %select_n3A_1660, %div3A_1662 : vector<24x192xi32>
      %sign3A_1664 = arith.constant 0 : i32
      %sign3A_1665 = vector.broadcast %sign3A_1664 : i32 to vector<24x192xi32>
      %sign3A_1666 = arith.cmpi sgt, %select_n3A_1660, %sign3A_1665 : vector<24x192xi32>
      %sign3A_1667 = arith.extui %sign3A_1666 : vector<24x192xi1> to vector<24x192xi32>
      %sign3A_1668 = arith.constant 0 : i32
      %sign3A_1669 = vector.broadcast %sign3A_1668 : i32 to vector<24x192xi32>
      %sign3A_1670 = arith.cmpi slt, %select_n3A_1660, %sign3A_1669 : vector<24x192xi32>
      %sign3A_1671 = arith.extui %sign3A_1670 : vector<24x192xi1> to vector<24x192xi32>
      %sign3A_1672 = arith.subi %sign3A_1667, %sign3A_1671 : vector<24x192xi32>
      %sign3A_1673 = arith.constant 0 : i32
      %sign3A_1674 = arith.cmpi sgt, %jit3A_1661, %sign3A_1673 : i32
      %sign3A_1675 = arith.extui %sign3A_1674 : i1 to i32
      %sign3A_1676 = arith.constant 0 : i32
      %sign3A_1677 = arith.cmpi slt, %jit3A_1661, %sign3A_1676 : i32
      %sign3A_1678 = arith.extui %sign3A_1677 : i1 to i32
      %sign3A_1679 = arith.subi %sign3A_1675, %sign3A_1678 : i32
      %ne3A_1680 = vector.broadcast %sign3A_1679 : i32 to vector<24x192xi32>
      %ne3A_1681 = arith.cmpi ne, %sign3A_1672, %ne3A_1680 : vector<24x192xi32>
      %rem3A_1682 = vector.broadcast %jit3A_1661 : i32 to vector<24x192xi32>
      %rem3A_1683 = arith.remsi %select_n3A_1660, %rem3A_1682 : vector<24x192xi32>
      %ne3A_1684 = arith.constant 0 : i32
      %ne3A_1685 = vector.broadcast %ne3A_1684 : i32 to vector<24x192xi32>
      %ne3A_1686 = arith.cmpi ne, %rem3A_1683, %ne3A_1685 : vector<24x192xi32>
      %and3A_1687 = arith.andi %ne3A_1681, %ne3A_1686 : vector<24x192xi1>
      %sub3A_1688 = arith.constant 1 : i32
      %sub3A_1689 = vector.broadcast %sub3A_1688 : i32 to vector<24x192xi32>
      %sub3A_1690 = arith.subi %div3A_1663, %sub3A_1689 : vector<24x192xi32>
      %select_n3A_1691 = arith.select %and3A_1687, %sub3A_1690, %div3A_1663 : vector<24x192xi1>, vector<24x192xi32>
      %jit3A_1692 = arith.constant 4 : i32
      %eq3A_1693 = arith.constant 0 : i32
      %eq3A_1694 = arith.cmpi eq, %jit3A_1692, %eq3A_1693 : i32
      %jit3A_1695 = arith.constant 1 : i32
      %select_n3A_1696 = arith.select %eq3A_1694, %jit3A_1695, %jit3A_1692 : i32
      %rem3A_1697 = vector.broadcast %select_n3A_1696 : i32 to vector<24x192xi32>
      %rem3A_1698 = arith.remsi %iota3A_1574, %rem3A_1697 : vector<24x192xi32>
      %ne3A_1699 = arith.constant 0 : i32
      %ne3A_1700 = vector.broadcast %ne3A_1699 : i32 to vector<24x192xi32>
      %ne3A_1701 = arith.cmpi ne, %rem3A_1698, %ne3A_1700 : vector<24x192xi32>
      %lt3A_1702 = arith.constant 0 : i32
      %lt3A_1703 = vector.broadcast %lt3A_1702 : i32 to vector<24x192xi32>
      %lt3A_1704 = arith.cmpi slt, %rem3A_1698, %lt3A_1703 : vector<24x192xi32>
      %lt3A_1705 = arith.constant 0 : i32
      %lt3A_1706 = arith.cmpi slt, %select_n3A_1696, %lt3A_1705 : i32
      %ne3A_1707 = vector.broadcast %lt3A_1706 : i1 to vector<24x192xi1>
      %ne3A_1708 = vector.broadcast %ne3A_1707 : vector<24x192xi1> to vector<24x192xi1>
      %ne3A_1709 = arith.xori %lt3A_1704, %ne3A_1708 : vector<24x192xi1>
      %and3A_1710 = arith.andi %ne3A_1709, %ne3A_1701 : vector<24x192xi1>
      %add3A_1711 = vector.broadcast %select_n3A_1696 : i32 to vector<24x192xi32>
      %add3A_1712 = arith.addi %rem3A_1698, %add3A_1711 : vector<24x192xi32>
      %select_n3A_1713 = arith.select %and3A_1710, %add3A_1712, %rem3A_1698 : vector<24x192xi1>, vector<24x192xi32>
      %eq3A_1714 = arith.cmpi eq, %select_n3A_1691, %select_n3A_1713 : vector<24x192xi32>
      %and3A_1715 = arith.andi %eq3A_1638, %eq3A_1714 : vector<24x192xi1>
      %convert_element_type3A_1716 = arith.extui %and3A_1715 : vector<24x192xi1> to vector<24x192xi32>
      %convert_element_type3A_1717 = arith.sitofp %convert_element_type3A_1716 : vector<24x192xi32> to vector<24x192xf32>
      %dot_general3A_1718 = arith.constant dense<0.000000e+00> : vector<512x192xf32>
      %dot_general3A_1719 = tpu.matmul %mul3A_1573, %convert_element_type3A_1717, %dot_general3A_1718 {dimension_numbers = #tpu.dot_dimension_numbers<[1], [0], [0], [1], [0, 0, 1, 1], [], []>, transpose_lhs_hint = false} : vector<512x24xf32>, vector<24x192xf32>, vector<512x192xf32> -> vector<512x192xf32>
      %slice3A_1720 = vector.extract_strided_slice %concatenate3A_316 {offsets = [0, 0], sizes = [512, 192], strides = [1, 1]} : vector<512x256xf32> to vector<512x192xf32>
      %mul3A_1721 = arith.mulf %dot_general3A_1719, %slice3A_1720 : vector<512x192xf32>
      %slice3A_1722 = vector.extract_strided_slice %mul3A_1721 {offsets = [0, 0], sizes = [512, 32], strides = [1, 1]} : vector<512x192xf32> to vector<512x32xf32>
      %slice3A_1723 = vector.extract_strided_slice %mul3A_1721 {offsets = [0, 32], sizes = [512, 32], strides = [1, 1]} : vector<512x192xf32> to vector<512x32xf32>
      %add3A_1724 = arith.addf %slice3A_1722, %slice3A_1723 : vector<512x32xf32>
      %slice3A_1725 = vector.extract_strided_slice %mul3A_1721 {offsets = [0, 64], sizes = [512, 32], strides = [1, 1]} : vector<512x192xf32> to vector<512x32xf32>
      %add3A_1726 = arith.addf %add3A_1724, %slice3A_1725 : vector<512x32xf32>
      %slice3A_1727 = vector.extract_strided_slice %mul3A_1721 {offsets = [0, 96], sizes = [512, 32], strides = [1, 1]} : vector<512x192xf32> to vector<512x32xf32>
      %add3A_1728 = arith.addf %add3A_1726, %slice3A_1727 : vector<512x32xf32>
      %slice3A_1729 = vector.extract_strided_slice %mul3A_1721 {offsets = [0, 128], sizes = [512, 32], strides = [1, 1]} : vector<512x192xf32> to vector<512x32xf32>
      %add3A_1730 = arith.addf %add3A_1728, %slice3A_1729 : vector<512x32xf32>
      %slice3A_1731 = vector.extract_strided_slice %mul3A_1721 {offsets = [0, 160], sizes = [512, 32], strides = [1, 1]} : vector<512x192xf32> to vector<512x32xf32>
      %add3A_1732 = arith.addf %add3A_1730, %slice3A_1731 : vector<512x32xf32>
      %dot_general3A_1733 = arith.constant dense<0.000000e+00> : vector<512x2xf32>
      %dot_general3A_1734 = tpu.matmul %add3A_1732, %concatenate3A, %dot_general3A_1733 {dimension_numbers = #tpu.dot_dimension_numbers<[1], [1], [0], [0], [0, 0, 1, 0], [], []>, transpose_lhs_hint = false} : vector<512x32xf32>, vector<2x32xf32>, vector<512x2xf32> -> vector<512x2xf32>
      %slice3A_1735 = vector.extract_strided_slice %dot_general3A_1734 {offsets = [0, 0], sizes = [512, 1], strides = [1, 1]} : vector<512x2xf32> to vector<512x1xf32>
      %slice3A_1736 = vector.extract_strided_slice %dot_general3A_1734 {offsets = [0, 1], sizes = [512, 1], strides = [1, 1]} : vector<512x2xf32> to vector<512x1xf32>
      %mul3A_1737 = arith.mulf %slice3A_1735, %slice3A_1736 : vector<512x1xf32>
      %mul3A_1738 = arith.mulf %mul3A_193, %dot_general3A_206 : vector<512x32xf32>
      %mul3A_1739 = arith.mulf %mul3A_193, %dot_general3A_211 : vector<512x32xf32>
      %mul3A_1740 = arith.mulf %mul3A_193, %dot_general3A_216 : vector<512x32xf32>
      %mul3A_1741 = arith.mulf %mul3A_193, %dot_general3A_221 : vector<512x32xf32>
      %mul3A_1742 = arith.mulf %mul3A_193, %dot_general3A_226 : vector<512x32xf32>
      %mul3A_1743 = arith.mulf %mul3A_193, %dot_general3A_231 : vector<512x32xf32>
      %mul3A_1744 = arith.mulf %mul3A_193, %dot_general3A_236 : vector<512x32xf32>
      %concatenate3A_1745 = tpu.concatenate %mul3A_1738, %mul3A_1739, %mul3A_1740, %mul3A_1741, %mul3A_1742, %mul3A_1743, %mul3A_1744 in 0 : vector<512x32xf32>, vector<512x32xf32>, vector<512x32xf32>, vector<512x32xf32>, vector<512x32xf32>, vector<512x32xf32>, vector<512x32xf32> -> vector<3584x32xf32>
      %dot_general3A_1746 = arith.constant dense<0.000000e+00> : vector<3584x4xf32>
      %dot_general3A_1747 = tpu.matmul %concatenate3A_1745, %convert_element_type3A_309, %dot_general3A_1746 {dimension_numbers = #tpu.dot_dimension_numbers<[1], [0], [0], [1], [0, 0, 1, 1], [], []>, transpose_lhs_hint = false} : vector<3584x32xf32>, vector<32x4xf32>, vector<3584x4xf32> -> vector<3584x4xf32>
      %slice3A_1748 = vector.extract_strided_slice %dot_general3A_1747 {offsets = [0, 0], sizes = [512, 4], strides = [1, 1]} : vector<3584x4xf32> to vector<512x4xf32>
      %slice3A_1749 = vector.extract_strided_slice %dot_general3A_1747 {offsets = [512, 0], sizes = [512, 4], strides = [1, 1]} : vector<3584x4xf32> to vector<512x4xf32>
      %slice3A_1750 = vector.extract_strided_slice %dot_general3A_1747 {offsets = [1024, 0], sizes = [512, 4], strides = [1, 1]} : vector<3584x4xf32> to vector<512x4xf32>
      %slice3A_1751 = vector.extract_strided_slice %dot_general3A_1747 {offsets = [1536, 0], sizes = [512, 4], strides = [1, 1]} : vector<3584x4xf32> to vector<512x4xf32>
      %slice3A_1752 = vector.extract_strided_slice %dot_general3A_1747 {offsets = [2048, 0], sizes = [512, 4], strides = [1, 1]} : vector<3584x4xf32> to vector<512x4xf32>
      %slice3A_1753 = vector.extract_strided_slice %dot_general3A_1747 {offsets = [2560, 0], sizes = [512, 4], strides = [1, 1]} : vector<3584x4xf32> to vector<512x4xf32>
      %slice3A_1754 = vector.extract_strided_slice %dot_general3A_1747 {offsets = [3072, 0], sizes = [512, 4], strides = [1, 1]} : vector<3584x4xf32> to vector<512x4xf32>
      %concatenate3A_1755 = tpu.concatenate %slice3A_1748, %slice3A_1749, %slice3A_1750, %slice3A_1751, %slice3A_1752, %slice3A_1753, %slice3A_1754 in 1 : vector<512x4xf32>, vector<512x4xf32>, vector<512x4xf32>, vector<512x4xf32>, vector<512x4xf32>, vector<512x4xf32>, vector<512x4xf32> -> vector<512x28xf32>
      %reduce_max3A_1756 = arith.constant dense<0xFF800000> : vector<512xf32>
      %reduce_max3A_1757 = vector.multi_reduction <maximumf>, %concatenate3A_1755, %reduce_max3A_1756 [1] : vector<512x28xf32> to vector<512xf32>
      %broadcast_in_dim3A_1758 = vector.shape_cast %reduce_max3A_1757 : vector<512xf32> to vector<512x1xf32>
      %sub3A_1759 = vector.broadcast %broadcast_in_dim3A_1758 : vector<512x1xf32> to vector<512x28xf32>
      %sub3A_1760 = arith.subf %concatenate3A_1755, %sub3A_1759 : vector<512x28xf32>
      %exp3A_1761 = math.exp %sub3A_1760 : vector<512x28xf32>
      %iota3A_1762 = tpu.iota {dimensions = array<i32: 0>} : vector<28x4xi32>
      %iota3A_1763 = tpu.iota {dimensions = array<i32: 1>} : vector<28x4xi32>
      %jit3A_1764 = arith.constant 4 : i32
      %eq3A_1765 = arith.constant 0 : i32
      %eq3A_1766 = arith.cmpi eq, %jit3A_1764, %eq3A_1765 : i32
      %jit3A_1767 = arith.constant 1 : i32
      %select_n3A_1768 = arith.select %eq3A_1766, %jit3A_1767, %jit3A_1764 : i32
      %rem3A_1769 = vector.broadcast %select_n3A_1768 : i32 to vector<28x4xi32>
      %rem3A_1770 = arith.remsi %iota3A_1762, %rem3A_1769 : vector<28x4xi32>
      %ne3A_1771 = arith.constant 0 : i32
      %ne3A_1772 = vector.broadcast %ne3A_1771 : i32 to vector<28x4xi32>
      %ne3A_1773 = arith.cmpi ne, %rem3A_1770, %ne3A_1772 : vector<28x4xi32>
      %lt3A_1774 = arith.constant 0 : i32
      %lt3A_1775 = vector.broadcast %lt3A_1774 : i32 to vector<28x4xi32>
      %lt3A_1776 = arith.cmpi slt, %rem3A_1770, %lt3A_1775 : vector<28x4xi32>
      %lt3A_1777 = arith.constant 0 : i32
      %lt3A_1778 = arith.cmpi slt, %select_n3A_1768, %lt3A_1777 : i32
      %ne3A_1779 = vector.broadcast %lt3A_1778 : i1 to vector<28x4xi1>
      %ne3A_1780 = vector.broadcast %ne3A_1779 : vector<28x4xi1> to vector<28x4xi1>
      %ne3A_1781 = arith.xori %lt3A_1776, %ne3A_1780 : vector<28x4xi1>
      %and3A_1782 = arith.andi %ne3A_1781, %ne3A_1773 : vector<28x4xi1>
      %add3A_1783 = vector.broadcast %select_n3A_1768 : i32 to vector<28x4xi32>
      %add3A_1784 = arith.addi %rem3A_1770, %add3A_1783 : vector<28x4xi32>
      %select_n3A_1785 = arith.select %and3A_1782, %add3A_1784, %rem3A_1770 : vector<28x4xi1>, vector<28x4xi32>
      %eq3A_1786 = arith.cmpi eq, %select_n3A_1785, %iota3A_1763 : vector<28x4xi32>
      %convert_element_type3A_1787 = arith.extui %eq3A_1786 : vector<28x4xi1> to vector<28x4xi32>
      %convert_element_type3A_1788 = arith.sitofp %convert_element_type3A_1787 : vector<28x4xi32> to vector<28x4xf32>
      %dot_general3A_1789 = arith.constant dense<0.000000e+00> : vector<512x4xf32>
      %dot_general3A_1790 = tpu.matmul %exp3A_1761, %convert_element_type3A_1788, %dot_general3A_1789 {dimension_numbers = #tpu.dot_dimension_numbers<[1], [0], [0], [1], [0, 0, 1, 1], [], []>, transpose_lhs_hint = false} : vector<512x28xf32>, vector<28x4xf32>, vector<512x4xf32> -> vector<512x4xf32>
      %div3A_1791 = arith.constant 1.000000e+00 : f32
      %div3A_1792 = vector.broadcast %div3A_1791 : f32 to vector<512x4xf32>
      %div3A_1793 = arith.divf %div3A_1792, %dot_general3A_1790 : vector<512x4xf32>
      %transpose3A_1794 = tpu.transpose %iota3A_1763, [1, 0] : vector<28x4xi32> -> vector<4x28xi32>
      %jit3A_1795 = arith.constant 4 : i32
      %eq3A_1796 = arith.constant 0 : i32
      %eq3A_1797 = arith.cmpi eq, %jit3A_1795, %eq3A_1796 : i32
      %jit3A_1798 = arith.constant 1 : i32
      %select_n3A_1799 = arith.select %eq3A_1797, %jit3A_1798, %jit3A_1795 : i32
      %rem3A_1800 = vector.broadcast %select_n3A_1799 : i32 to vector<28x4xi32>
      %rem3A_1801 = arith.remsi %iota3A_1762, %rem3A_1800 : vector<28x4xi32>
      %ne3A_1802 = arith.constant 0 : i32
      %ne3A_1803 = vector.broadcast %ne3A_1802 : i32 to vector<28x4xi32>
      %ne3A_1804 = arith.cmpi ne, %rem3A_1801, %ne3A_1803 : vector<28x4xi32>
      %lt3A_1805 = arith.constant 0 : i32
      %lt3A_1806 = vector.broadcast %lt3A_1805 : i32 to vector<28x4xi32>
      %lt3A_1807 = arith.cmpi slt, %rem3A_1801, %lt3A_1806 : vector<28x4xi32>
      %lt3A_1808 = arith.constant 0 : i32
      %lt3A_1809 = arith.cmpi slt, %select_n3A_1799, %lt3A_1808 : i32
      %ne3A_1810 = vector.broadcast %lt3A_1809 : i1 to vector<28x4xi1>
      %ne3A_1811 = vector.broadcast %ne3A_1810 : vector<28x4xi1> to vector<28x4xi1>
      %ne3A_1812 = arith.xori %lt3A_1807, %ne3A_1811 : vector<28x4xi1>
      %and3A_1813 = arith.andi %ne3A_1812, %ne3A_1804 : vector<28x4xi1>
      %add3A_1814 = vector.broadcast %select_n3A_1799 : i32 to vector<28x4xi32>
      %add3A_1815 = arith.addi %rem3A_1801, %add3A_1814 : vector<28x4xi32>
      %select_n3A_1816 = arith.select %and3A_1813, %add3A_1815, %rem3A_1801 : vector<28x4xi1>, vector<28x4xi32>
      %transpose3A_1817 = tpu.transpose %select_n3A_1816, [1, 0] : vector<28x4xi32> -> vector<4x28xi32>
      %eq3A_1818 = arith.cmpi eq, %transpose3A_1794, %transpose3A_1817 : vector<4x28xi32>
      %convert_element_type3A_1819 = arith.extui %eq3A_1818 : vector<4x28xi1> to vector<4x28xi32>
      %convert_element_type3A_1820 = arith.sitofp %convert_element_type3A_1819 : vector<4x28xi32> to vector<4x28xf32>
      %dot_general3A_1821 = arith.constant dense<0.000000e+00> : vector<512x28xf32>
      %dot_general3A_1822 = tpu.matmul %div3A_1793, %convert_element_type3A_1820, %dot_general3A_1821 {dimension_numbers = #tpu.dot_dimension_numbers<[1], [0], [0], [1], [0, 0, 1, 1], [], []>, transpose_lhs_hint = false} : vector<512x4xf32>, vector<4x28xf32>, vector<512x28xf32> -> vector<512x28xf32>
      %mul3A_1823 = arith.mulf %exp3A_1761, %dot_general3A_1822 : vector<512x28xf32>
      %iota3A_1824 = tpu.iota {dimensions = array<i32: 0>} : vector<28x224xi32>
      %iota3A_1825 = tpu.iota {dimensions = array<i32: 1>} : vector<28x224xi32>
      %jit3A_1826 = arith.constant 32 : i32
      %div3A_1827 = vector.broadcast %jit3A_1826 : i32 to vector<28x224xi32>
      %div3A_1828 = arith.divsi %iota3A_1825, %div3A_1827 : vector<28x224xi32>
      %sign3A_1829 = arith.constant 0 : i32
      %sign3A_1830 = vector.broadcast %sign3A_1829 : i32 to vector<28x224xi32>
      %sign3A_1831 = arith.cmpi sgt, %iota3A_1825, %sign3A_1830 : vector<28x224xi32>
      %sign3A_1832 = arith.extui %sign3A_1831 : vector<28x224xi1> to vector<28x224xi32>
      %sign3A_1833 = arith.constant 0 : i32
      %sign3A_1834 = vector.broadcast %sign3A_1833 : i32 to vector<28x224xi32>
      %sign3A_1835 = arith.cmpi slt, %iota3A_1825, %sign3A_1834 : vector<28x224xi32>
      %sign3A_1836 = arith.extui %sign3A_1835 : vector<28x224xi1> to vector<28x224xi32>
      %sign3A_1837 = arith.subi %sign3A_1832, %sign3A_1836 : vector<28x224xi32>
      %sign3A_1838 = arith.constant 0 : i32
      %sign3A_1839 = arith.cmpi sgt, %jit3A_1826, %sign3A_1838 : i32
      %sign3A_1840 = arith.extui %sign3A_1839 : i1 to i32
      %sign3A_1841 = arith.constant 0 : i32
      %sign3A_1842 = arith.cmpi slt, %jit3A_1826, %sign3A_1841 : i32
      %sign3A_1843 = arith.extui %sign3A_1842 : i1 to i32
      %sign3A_1844 = arith.subi %sign3A_1840, %sign3A_1843 : i32
      %ne3A_1845 = vector.broadcast %sign3A_1844 : i32 to vector<28x224xi32>
      %ne3A_1846 = arith.cmpi ne, %sign3A_1837, %ne3A_1845 : vector<28x224xi32>
      %rem3A_1847 = vector.broadcast %jit3A_1826 : i32 to vector<28x224xi32>
      %rem3A_1848 = arith.remsi %iota3A_1825, %rem3A_1847 : vector<28x224xi32>
      %ne3A_1849 = arith.constant 0 : i32
      %ne3A_1850 = vector.broadcast %ne3A_1849 : i32 to vector<28x224xi32>
      %ne3A_1851 = arith.cmpi ne, %rem3A_1848, %ne3A_1850 : vector<28x224xi32>
      %and3A_1852 = arith.andi %ne3A_1846, %ne3A_1851 : vector<28x224xi1>
      %sub3A_1853 = arith.constant 1 : i32
      %sub3A_1854 = vector.broadcast %sub3A_1853 : i32 to vector<28x224xi32>
      %sub3A_1855 = arith.subi %div3A_1828, %sub3A_1854 : vector<28x224xi32>
      %select_n3A_1856 = arith.select %and3A_1852, %sub3A_1855, %div3A_1828 : vector<28x224xi1>, vector<28x224xi32>
      %jit3A_1857 = arith.constant 4 : i32
      %div3A_1858 = vector.broadcast %jit3A_1857 : i32 to vector<28x224xi32>
      %div3A_1859 = arith.divsi %iota3A_1824, %div3A_1858 : vector<28x224xi32>
      %sign3A_1860 = arith.constant 0 : i32
      %sign3A_1861 = vector.broadcast %sign3A_1860 : i32 to vector<28x224xi32>
      %sign3A_1862 = arith.cmpi sgt, %iota3A_1824, %sign3A_1861 : vector<28x224xi32>
      %sign3A_1863 = arith.extui %sign3A_1862 : vector<28x224xi1> to vector<28x224xi32>
      %sign3A_1864 = arith.constant 0 : i32
      %sign3A_1865 = vector.broadcast %sign3A_1864 : i32 to vector<28x224xi32>
      %sign3A_1866 = arith.cmpi slt, %iota3A_1824, %sign3A_1865 : vector<28x224xi32>
      %sign3A_1867 = arith.extui %sign3A_1866 : vector<28x224xi1> to vector<28x224xi32>
      %sign3A_1868 = arith.subi %sign3A_1863, %sign3A_1867 : vector<28x224xi32>
      %sign3A_1869 = arith.constant 0 : i32
      %sign3A_1870 = arith.cmpi sgt, %jit3A_1857, %sign3A_1869 : i32
      %sign3A_1871 = arith.extui %sign3A_1870 : i1 to i32
      %sign3A_1872 = arith.constant 0 : i32
      %sign3A_1873 = arith.cmpi slt, %jit3A_1857, %sign3A_1872 : i32
      %sign3A_1874 = arith.extui %sign3A_1873 : i1 to i32
      %sign3A_1875 = arith.subi %sign3A_1871, %sign3A_1874 : i32
      %ne3A_1876 = vector.broadcast %sign3A_1875 : i32 to vector<28x224xi32>
      %ne3A_1877 = arith.cmpi ne, %sign3A_1868, %ne3A_1876 : vector<28x224xi32>
      %rem3A_1878 = vector.broadcast %jit3A_1857 : i32 to vector<28x224xi32>
      %rem3A_1879 = arith.remsi %iota3A_1824, %rem3A_1878 : vector<28x224xi32>
      %ne3A_1880 = arith.constant 0 : i32
      %ne3A_1881 = vector.broadcast %ne3A_1880 : i32 to vector<28x224xi32>
      %ne3A_1882 = arith.cmpi ne, %rem3A_1879, %ne3A_1881 : vector<28x224xi32>
      %and3A_1883 = arith.andi %ne3A_1877, %ne3A_1882 : vector<28x224xi1>
      %sub3A_1884 = arith.constant 1 : i32
      %sub3A_1885 = vector.broadcast %sub3A_1884 : i32 to vector<28x224xi32>
      %sub3A_1886 = arith.subi %div3A_1859, %sub3A_1885 : vector<28x224xi32>
      %select_n3A_1887 = arith.select %and3A_1883, %sub3A_1886, %div3A_1859 : vector<28x224xi1>, vector<28x224xi32>
      %eq3A_1888 = arith.cmpi eq, %select_n3A_1856, %select_n3A_1887 : vector<28x224xi32>
      %jit3A_1889 = arith.constant 32 : i32
      %eq3A_1890 = arith.constant 0 : i32
      %eq3A_1891 = arith.cmpi eq, %jit3A_1889, %eq3A_1890 : i32
      %jit3A_1892 = arith.constant 1 : i32
      %select_n3A_1893 = arith.select %eq3A_1891, %jit3A_1892, %jit3A_1889 : i32
      %rem3A_1894 = vector.broadcast %select_n3A_1893 : i32 to vector<28x224xi32>
      %rem3A_1895 = arith.remsi %iota3A_1825, %rem3A_1894 : vector<28x224xi32>
      %ne3A_1896 = arith.constant 0 : i32
      %ne3A_1897 = vector.broadcast %ne3A_1896 : i32 to vector<28x224xi32>
      %ne3A_1898 = arith.cmpi ne, %rem3A_1895, %ne3A_1897 : vector<28x224xi32>
      %lt3A_1899 = arith.constant 0 : i32
      %lt3A_1900 = vector.broadcast %lt3A_1899 : i32 to vector<28x224xi32>
      %lt3A_1901 = arith.cmpi slt, %rem3A_1895, %lt3A_1900 : vector<28x224xi32>
      %lt3A_1902 = arith.constant 0 : i32
      %lt3A_1903 = arith.cmpi slt, %select_n3A_1893, %lt3A_1902 : i32
      %ne3A_1904 = vector.broadcast %lt3A_1903 : i1 to vector<28x224xi1>
      %ne3A_1905 = vector.broadcast %ne3A_1904 : vector<28x224xi1> to vector<28x224xi1>
      %ne3A_1906 = arith.xori %lt3A_1901, %ne3A_1905 : vector<28x224xi1>
      %and3A_1907 = arith.andi %ne3A_1906, %ne3A_1898 : vector<28x224xi1>
      %add3A_1908 = vector.broadcast %select_n3A_1893 : i32 to vector<28x224xi32>
      %add3A_1909 = arith.addi %rem3A_1895, %add3A_1908 : vector<28x224xi32>
      %select_n3A_1910 = arith.select %and3A_1907, %add3A_1909, %rem3A_1895 : vector<28x224xi1>, vector<28x224xi32>
      %jit3A_1911 = arith.constant 8 : i32
      %div3A_1912 = vector.broadcast %jit3A_1911 : i32 to vector<28x224xi32>
      %div3A_1913 = arith.divsi %select_n3A_1910, %div3A_1912 : vector<28x224xi32>
      %sign3A_1914 = arith.constant 0 : i32
      %sign3A_1915 = vector.broadcast %sign3A_1914 : i32 to vector<28x224xi32>
      %sign3A_1916 = arith.cmpi sgt, %select_n3A_1910, %sign3A_1915 : vector<28x224xi32>
      %sign3A_1917 = arith.extui %sign3A_1916 : vector<28x224xi1> to vector<28x224xi32>
      %sign3A_1918 = arith.constant 0 : i32
      %sign3A_1919 = vector.broadcast %sign3A_1918 : i32 to vector<28x224xi32>
      %sign3A_1920 = arith.cmpi slt, %select_n3A_1910, %sign3A_1919 : vector<28x224xi32>
      %sign3A_1921 = arith.extui %sign3A_1920 : vector<28x224xi1> to vector<28x224xi32>
      %sign3A_1922 = arith.subi %sign3A_1917, %sign3A_1921 : vector<28x224xi32>
      %sign3A_1923 = arith.constant 0 : i32
      %sign3A_1924 = arith.cmpi sgt, %jit3A_1911, %sign3A_1923 : i32
      %sign3A_1925 = arith.extui %sign3A_1924 : i1 to i32
      %sign3A_1926 = arith.constant 0 : i32
      %sign3A_1927 = arith.cmpi slt, %jit3A_1911, %sign3A_1926 : i32
      %sign3A_1928 = arith.extui %sign3A_1927 : i1 to i32
      %sign3A_1929 = arith.subi %sign3A_1925, %sign3A_1928 : i32
      %ne3A_1930 = vector.broadcast %sign3A_1929 : i32 to vector<28x224xi32>
      %ne3A_1931 = arith.cmpi ne, %sign3A_1922, %ne3A_1930 : vector<28x224xi32>
      %rem3A_1932 = vector.broadcast %jit3A_1911 : i32 to vector<28x224xi32>
      %rem3A_1933 = arith.remsi %select_n3A_1910, %rem3A_1932 : vector<28x224xi32>
      %ne3A_1934 = arith.constant 0 : i32
      %ne3A_1935 = vector.broadcast %ne3A_1934 : i32 to vector<28x224xi32>
      %ne3A_1936 = arith.cmpi ne, %rem3A_1933, %ne3A_1935 : vector<28x224xi32>
      %and3A_1937 = arith.andi %ne3A_1931, %ne3A_1936 : vector<28x224xi1>
      %sub3A_1938 = arith.constant 1 : i32
      %sub3A_1939 = vector.broadcast %sub3A_1938 : i32 to vector<28x224xi32>
      %sub3A_1940 = arith.subi %div3A_1913, %sub3A_1939 : vector<28x224xi32>
      %select_n3A_1941 = arith.select %and3A_1937, %sub3A_1940, %div3A_1913 : vector<28x224xi1>, vector<28x224xi32>
      %jit3A_1942 = arith.constant 4 : i32
      %eq3A_1943 = arith.constant 0 : i32
      %eq3A_1944 = arith.cmpi eq, %jit3A_1942, %eq3A_1943 : i32
      %jit3A_1945 = arith.constant 1 : i32
      %select_n3A_1946 = arith.select %eq3A_1944, %jit3A_1945, %jit3A_1942 : i32
      %rem3A_1947 = vector.broadcast %select_n3A_1946 : i32 to vector<28x224xi32>
      %rem3A_1948 = arith.remsi %iota3A_1824, %rem3A_1947 : vector<28x224xi32>
      %ne3A_1949 = arith.constant 0 : i32
      %ne3A_1950 = vector.broadcast %ne3A_1949 : i32 to vector<28x224xi32>
      %ne3A_1951 = arith.cmpi ne, %rem3A_1948, %ne3A_1950 : vector<28x224xi32>
      %lt3A_1952 = arith.constant 0 : i32
      %lt3A_1953 = vector.broadcast %lt3A_1952 : i32 to vector<28x224xi32>
      %lt3A_1954 = arith.cmpi slt, %rem3A_1948, %lt3A_1953 : vector<28x224xi32>
      %lt3A_1955 = arith.constant 0 : i32
      %lt3A_1956 = arith.cmpi slt, %select_n3A_1946, %lt3A_1955 : i32
      %ne3A_1957 = vector.broadcast %lt3A_1956 : i1 to vector<28x224xi1>
      %ne3A_1958 = vector.broadcast %ne3A_1957 : vector<28x224xi1> to vector<28x224xi1>
      %ne3A_1959 = arith.xori %lt3A_1954, %ne3A_1958 : vector<28x224xi1>
      %and3A_1960 = arith.andi %ne3A_1959, %ne3A_1951 : vector<28x224xi1>
      %add3A_1961 = vector.broadcast %select_n3A_1946 : i32 to vector<28x224xi32>
      %add3A_1962 = arith.addi %rem3A_1948, %add3A_1961 : vector<28x224xi32>
      %select_n3A_1963 = arith.select %and3A_1960, %add3A_1962, %rem3A_1948 : vector<28x224xi1>, vector<28x224xi32>
      %eq3A_1964 = arith.cmpi eq, %select_n3A_1941, %select_n3A_1963 : vector<28x224xi32>
      %and3A_1965 = arith.andi %eq3A_1888, %eq3A_1964 : vector<28x224xi1>
      %convert_element_type3A_1966 = arith.extui %and3A_1965 : vector<28x224xi1> to vector<28x224xi32>
      %convert_element_type3A_1967 = arith.sitofp %convert_element_type3A_1966 : vector<28x224xi32> to vector<28x224xf32>
      %dot_general3A_1968 = arith.constant dense<0.000000e+00> : vector<512x224xf32>
      %dot_general3A_1969 = tpu.matmul %mul3A_1823, %convert_element_type3A_1967, %dot_general3A_1968 {dimension_numbers = #tpu.dot_dimension_numbers<[1], [0], [0], [1], [0, 0, 1, 1], [], []>, transpose_lhs_hint = false} : vector<512x28xf32>, vector<28x224xf32>, vector<512x224xf32> -> vector<512x224xf32>
      %slice3A_1970 = vector.extract_strided_slice %concatenate3A_316 {offsets = [0, 0], sizes = [512, 224], strides = [1, 1]} : vector<512x256xf32> to vector<512x224xf32>
      %mul3A_1971 = arith.mulf %dot_general3A_1969, %slice3A_1970 : vector<512x224xf32>
      %slice3A_1972 = vector.extract_strided_slice %mul3A_1971 {offsets = [0, 0], sizes = [512, 32], strides = [1, 1]} : vector<512x224xf32> to vector<512x32xf32>
      %slice3A_1973 = vector.extract_strided_slice %mul3A_1971 {offsets = [0, 32], sizes = [512, 32], strides = [1, 1]} : vector<512x224xf32> to vector<512x32xf32>
      %add3A_1974 = arith.addf %slice3A_1972, %slice3A_1973 : vector<512x32xf32>
      %slice3A_1975 = vector.extract_strided_slice %mul3A_1971 {offsets = [0, 64], sizes = [512, 32], strides = [1, 1]} : vector<512x224xf32> to vector<512x32xf32>
      %add3A_1976 = arith.addf %add3A_1974, %slice3A_1975 : vector<512x32xf32>
      %slice3A_1977 = vector.extract_strided_slice %mul3A_1971 {offsets = [0, 96], sizes = [512, 32], strides = [1, 1]} : vector<512x224xf32> to vector<512x32xf32>
      %add3A_1978 = arith.addf %add3A_1976, %slice3A_1977 : vector<512x32xf32>
      %slice3A_1979 = vector.extract_strided_slice %mul3A_1971 {offsets = [0, 128], sizes = [512, 32], strides = [1, 1]} : vector<512x224xf32> to vector<512x32xf32>
      %add3A_1980 = arith.addf %add3A_1978, %slice3A_1979 : vector<512x32xf32>
      %slice3A_1981 = vector.extract_strided_slice %mul3A_1971 {offsets = [0, 160], sizes = [512, 32], strides = [1, 1]} : vector<512x224xf32> to vector<512x32xf32>
      %add3A_1982 = arith.addf %add3A_1980, %slice3A_1981 : vector<512x32xf32>
      %slice3A_1983 = vector.extract_strided_slice %mul3A_1971 {offsets = [0, 192], sizes = [512, 32], strides = [1, 1]} : vector<512x224xf32> to vector<512x32xf32>
      %add3A_1984 = arith.addf %add3A_1982, %slice3A_1983 : vector<512x32xf32>
      %dot_general3A_1985 = arith.constant dense<0.000000e+00> : vector<512x2xf32>
      %dot_general3A_1986 = tpu.matmul %add3A_1984, %concatenate3A, %dot_general3A_1985 {dimension_numbers = #tpu.dot_dimension_numbers<[1], [1], [0], [0], [0, 0, 1, 0], [], []>, transpose_lhs_hint = false} : vector<512x32xf32>, vector<2x32xf32>, vector<512x2xf32> -> vector<512x2xf32>
      %slice3A_1987 = vector.extract_strided_slice %dot_general3A_1986 {offsets = [0, 0], sizes = [512, 1], strides = [1, 1]} : vector<512x2xf32> to vector<512x1xf32>
      %slice3A_1988 = vector.extract_strided_slice %dot_general3A_1986 {offsets = [0, 1], sizes = [512, 1], strides = [1, 1]} : vector<512x2xf32> to vector<512x1xf32>
      %mul3A_1989 = arith.mulf %slice3A_1987, %slice3A_1988 : vector<512x1xf32>
      %mul3A_1990 = arith.mulf %mul3A_201, %dot_general3A_206 : vector<512x32xf32>
      %mul3A_1991 = arith.mulf %mul3A_201, %dot_general3A_211 : vector<512x32xf32>
      %mul3A_1992 = arith.mulf %mul3A_201, %dot_general3A_216 : vector<512x32xf32>
      %mul3A_1993 = arith.mulf %mul3A_201, %dot_general3A_221 : vector<512x32xf32>
      %mul3A_1994 = arith.mulf %mul3A_201, %dot_general3A_226 : vector<512x32xf32>
      %mul3A_1995 = arith.mulf %mul3A_201, %dot_general3A_231 : vector<512x32xf32>
      %mul3A_1996 = arith.mulf %mul3A_201, %dot_general3A_236 : vector<512x32xf32>
      %mul3A_1997 = arith.mulf %mul3A_201, %dot_general3A_241 : vector<512x32xf32>
      %concatenate3A_1998 = tpu.concatenate %mul3A_1990, %mul3A_1991, %mul3A_1992, %mul3A_1993, %mul3A_1994, %mul3A_1995, %mul3A_1996, %mul3A_1997 in 0 : vector<512x32xf32>, vector<512x32xf32>, vector<512x32xf32>, vector<512x32xf32>, vector<512x32xf32>, vector<512x32xf32>, vector<512x32xf32>, vector<512x32xf32> -> vector<4096x32xf32>
      %dot_general3A_1999 = arith.constant dense<0.000000e+00> : vector<4096x4xf32>
      %dot_general3A_2000 = tpu.matmul %concatenate3A_1998, %convert_element_type3A_309, %dot_general3A_1999 {dimension_numbers = #tpu.dot_dimension_numbers<[1], [0], [0], [1], [0, 0, 1, 1], [], []>, transpose_lhs_hint = false} : vector<4096x32xf32>, vector<32x4xf32>, vector<4096x4xf32> -> vector<4096x4xf32>
      %slice3A_2001 = vector.extract_strided_slice %dot_general3A_2000 {offsets = [0, 0], sizes = [512, 4], strides = [1, 1]} : vector<4096x4xf32> to vector<512x4xf32>
      %slice3A_2002 = vector.extract_strided_slice %dot_general3A_2000 {offsets = [512, 0], sizes = [512, 4], strides = [1, 1]} : vector<4096x4xf32> to vector<512x4xf32>
      %slice3A_2003 = vector.extract_strided_slice %dot_general3A_2000 {offsets = [1024, 0], sizes = [512, 4], strides = [1, 1]} : vector<4096x4xf32> to vector<512x4xf32>
      %slice3A_2004 = vector.extract_strided_slice %dot_general3A_2000 {offsets = [1536, 0], sizes = [512, 4], strides = [1, 1]} : vector<4096x4xf32> to vector<512x4xf32>
      %slice3A_2005 = vector.extract_strided_slice %dot_general3A_2000 {offsets = [2048, 0], sizes = [512, 4], strides = [1, 1]} : vector<4096x4xf32> to vector<512x4xf32>
      %slice3A_2006 = vector.extract_strided_slice %dot_general3A_2000 {offsets = [2560, 0], sizes = [512, 4], strides = [1, 1]} : vector<4096x4xf32> to vector<512x4xf32>
      %slice3A_2007 = vector.extract_strided_slice %dot_general3A_2000 {offsets = [3072, 0], sizes = [512, 4], strides = [1, 1]} : vector<4096x4xf32> to vector<512x4xf32>
      %slice3A_2008 = vector.extract_strided_slice %dot_general3A_2000 {offsets = [3584, 0], sizes = [512, 4], strides = [1, 1]} : vector<4096x4xf32> to vector<512x4xf32>
      %concatenate3A_2009 = tpu.concatenate %slice3A_2001, %slice3A_2002, %slice3A_2003, %slice3A_2004, %slice3A_2005, %slice3A_2006, %slice3A_2007, %slice3A_2008 in 1 : vector<512x4xf32>, vector<512x4xf32>, vector<512x4xf32>, vector<512x4xf32>, vector<512x4xf32>, vector<512x4xf32>, vector<512x4xf32>, vector<512x4xf32> -> vector<512x32xf32>
      %reduce_max3A_2010 = arith.constant dense<0xFF800000> : vector<512xf32>
      %reduce_max3A_2011 = vector.multi_reduction <maximumf>, %concatenate3A_2009, %reduce_max3A_2010 [1] : vector<512x32xf32> to vector<512xf32>
      %broadcast_in_dim3A_2012 = vector.shape_cast %reduce_max3A_2011 : vector<512xf32> to vector<512x1xf32>
      %sub3A_2013 = vector.broadcast %broadcast_in_dim3A_2012 : vector<512x1xf32> to vector<512x32xf32>
      %sub3A_2014 = arith.subf %concatenate3A_2009, %sub3A_2013 : vector<512x32xf32>
      %exp3A_2015 = math.exp %sub3A_2014 : vector<512x32xf32>
      %iota3A_2016 = tpu.iota {dimensions = array<i32: 0>} : vector<32x4xi32>
      %iota3A_2017 = tpu.iota {dimensions = array<i32: 1>} : vector<32x4xi32>
      %jit3A_2018 = arith.constant 4 : i32
      %eq3A_2019 = arith.constant 0 : i32
      %eq3A_2020 = arith.cmpi eq, %jit3A_2018, %eq3A_2019 : i32
      %jit3A_2021 = arith.constant 1 : i32
      %select_n3A_2022 = arith.select %eq3A_2020, %jit3A_2021, %jit3A_2018 : i32
      %rem3A_2023 = vector.broadcast %select_n3A_2022 : i32 to vector<32x4xi32>
      %rem3A_2024 = arith.remsi %iota3A_2016, %rem3A_2023 : vector<32x4xi32>
      %ne3A_2025 = arith.constant 0 : i32
      %ne3A_2026 = vector.broadcast %ne3A_2025 : i32 to vector<32x4xi32>
      %ne3A_2027 = arith.cmpi ne, %rem3A_2024, %ne3A_2026 : vector<32x4xi32>
      %lt3A_2028 = arith.constant 0 : i32
      %lt3A_2029 = vector.broadcast %lt3A_2028 : i32 to vector<32x4xi32>
      %lt3A_2030 = arith.cmpi slt, %rem3A_2024, %lt3A_2029 : vector<32x4xi32>
      %lt3A_2031 = arith.constant 0 : i32
      %lt3A_2032 = arith.cmpi slt, %select_n3A_2022, %lt3A_2031 : i32
      %ne3A_2033 = vector.broadcast %lt3A_2032 : i1 to vector<32x4xi1>
      %ne3A_2034 = vector.broadcast %ne3A_2033 : vector<32x4xi1> to vector<32x4xi1>
      %ne3A_2035 = arith.xori %lt3A_2030, %ne3A_2034 : vector<32x4xi1>
      %and3A_2036 = arith.andi %ne3A_2035, %ne3A_2027 : vector<32x4xi1>
      %add3A_2037 = vector.broadcast %select_n3A_2022 : i32 to vector<32x4xi32>
      %add3A_2038 = arith.addi %rem3A_2024, %add3A_2037 : vector<32x4xi32>
      %select_n3A_2039 = arith.select %and3A_2036, %add3A_2038, %rem3A_2024 : vector<32x4xi1>, vector<32x4xi32>
      %eq3A_2040 = arith.cmpi eq, %select_n3A_2039, %iota3A_2017 : vector<32x4xi32>
      %convert_element_type3A_2041 = arith.extui %eq3A_2040 : vector<32x4xi1> to vector<32x4xi32>
      %convert_element_type3A_2042 = arith.sitofp %convert_element_type3A_2041 : vector<32x4xi32> to vector<32x4xf32>
      %dot_general3A_2043 = arith.constant dense<0.000000e+00> : vector<512x4xf32>
      %dot_general3A_2044 = tpu.matmul %exp3A_2015, %convert_element_type3A_2042, %dot_general3A_2043 {dimension_numbers = #tpu.dot_dimension_numbers<[1], [0], [0], [1], [0, 0, 1, 1], [], []>, transpose_lhs_hint = false} : vector<512x32xf32>, vector<32x4xf32>, vector<512x4xf32> -> vector<512x4xf32>
      %div3A_2045 = arith.constant 1.000000e+00 : f32
      %div3A_2046 = vector.broadcast %div3A_2045 : f32 to vector<512x4xf32>
      %div3A_2047 = arith.divf %div3A_2046, %dot_general3A_2044 : vector<512x4xf32>
      %transpose3A_2048 = tpu.transpose %iota3A_2017, [1, 0] : vector<32x4xi32> -> vector<4x32xi32>
      %jit3A_2049 = arith.constant 4 : i32
      %eq3A_2050 = arith.constant 0 : i32
      %eq3A_2051 = arith.cmpi eq, %jit3A_2049, %eq3A_2050 : i32
      %jit3A_2052 = arith.constant 1 : i32
      %select_n3A_2053 = arith.select %eq3A_2051, %jit3A_2052, %jit3A_2049 : i32
      %rem3A_2054 = vector.broadcast %select_n3A_2053 : i32 to vector<32x4xi32>
      %rem3A_2055 = arith.remsi %iota3A_2016, %rem3A_2054 : vector<32x4xi32>
      %ne3A_2056 = arith.constant 0 : i32
      %ne3A_2057 = vector.broadcast %ne3A_2056 : i32 to vector<32x4xi32>
      %ne3A_2058 = arith.cmpi ne, %rem3A_2055, %ne3A_2057 : vector<32x4xi32>
      %lt3A_2059 = arith.constant 0 : i32
      %lt3A_2060 = vector.broadcast %lt3A_2059 : i32 to vector<32x4xi32>
      %lt3A_2061 = arith.cmpi slt, %rem3A_2055, %lt3A_2060 : vector<32x4xi32>
      %lt3A_2062 = arith.constant 0 : i32
      %lt3A_2063 = arith.cmpi slt, %select_n3A_2053, %lt3A_2062 : i32
      %ne3A_2064 = vector.broadcast %lt3A_2063 : i1 to vector<32x4xi1>
      %ne3A_2065 = vector.broadcast %ne3A_2064 : vector<32x4xi1> to vector<32x4xi1>
      %ne3A_2066 = arith.xori %lt3A_2061, %ne3A_2065 : vector<32x4xi1>
      %and3A_2067 = arith.andi %ne3A_2066, %ne3A_2058 : vector<32x4xi1>
      %add3A_2068 = vector.broadcast %select_n3A_2053 : i32 to vector<32x4xi32>
      %add3A_2069 = arith.addi %rem3A_2055, %add3A_2068 : vector<32x4xi32>
      %select_n3A_2070 = arith.select %and3A_2067, %add3A_2069, %rem3A_2055 : vector<32x4xi1>, vector<32x4xi32>
      %transpose3A_2071 = tpu.transpose %select_n3A_2070, [1, 0] : vector<32x4xi32> -> vector<4x32xi32>
      %eq3A_2072 = arith.cmpi eq, %transpose3A_2048, %transpose3A_2071 : vector<4x32xi32>
      %convert_element_type3A_2073 = arith.extui %eq3A_2072 : vector<4x32xi1> to vector<4x32xi32>
      %convert_element_type3A_2074 = arith.sitofp %convert_element_type3A_2073 : vector<4x32xi32> to vector<4x32xf32>
      %dot_general3A_2075 = arith.constant dense<0.000000e+00> : vector<512x32xf32>
      %dot_general3A_2076 = tpu.matmul %div3A_2047, %convert_element_type3A_2074, %dot_general3A_2075 {dimension_numbers = #tpu.dot_dimension_numbers<[1], [0], [0], [1], [0, 0, 1, 1], [], []>, transpose_lhs_hint = false} : vector<512x4xf32>, vector<4x32xf32>, vector<512x32xf32> -> vector<512x32xf32>
      %mul3A_2077 = arith.mulf %exp3A_2015, %dot_general3A_2076 : vector<512x32xf32>
      %iota3A_2078 = tpu.iota {dimensions = array<i32: 0>} : vector<32x256xi32>
      %iota3A_2079 = tpu.iota {dimensions = array<i32: 1>} : vector<32x256xi32>
      %jit3A_2080 = arith.constant 32 : i32
      %div3A_2081 = vector.broadcast %jit3A_2080 : i32 to vector<32x256xi32>
      %div3A_2082 = arith.divsi %iota3A_2079, %div3A_2081 : vector<32x256xi32>
      %sign3A_2083 = arith.constant 0 : i32
      %sign3A_2084 = vector.broadcast %sign3A_2083 : i32 to vector<32x256xi32>
      %sign3A_2085 = arith.cmpi sgt, %iota3A_2079, %sign3A_2084 : vector<32x256xi32>
      %sign3A_2086 = arith.extui %sign3A_2085 : vector<32x256xi1> to vector<32x256xi32>
      %sign3A_2087 = arith.constant 0 : i32
      %sign3A_2088 = vector.broadcast %sign3A_2087 : i32 to vector<32x256xi32>
      %sign3A_2089 = arith.cmpi slt, %iota3A_2079, %sign3A_2088 : vector<32x256xi32>
      %sign3A_2090 = arith.extui %sign3A_2089 : vector<32x256xi1> to vector<32x256xi32>
      %sign3A_2091 = arith.subi %sign3A_2086, %sign3A_2090 : vector<32x256xi32>
      %sign3A_2092 = arith.constant 0 : i32
      %sign3A_2093 = arith.cmpi sgt, %jit3A_2080, %sign3A_2092 : i32
      %sign3A_2094 = arith.extui %sign3A_2093 : i1 to i32
      %sign3A_2095 = arith.constant 0 : i32
      %sign3A_2096 = arith.cmpi slt, %jit3A_2080, %sign3A_2095 : i32
      %sign3A_2097 = arith.extui %sign3A_2096 : i1 to i32
      %sign3A_2098 = arith.subi %sign3A_2094, %sign3A_2097 : i32
      %ne3A_2099 = vector.broadcast %sign3A_2098 : i32 to vector<32x256xi32>
      %ne3A_2100 = arith.cmpi ne, %sign3A_2091, %ne3A_2099 : vector<32x256xi32>
      %rem3A_2101 = vector.broadcast %jit3A_2080 : i32 to vector<32x256xi32>
      %rem3A_2102 = arith.remsi %iota3A_2079, %rem3A_2101 : vector<32x256xi32>
      %ne3A_2103 = arith.constant 0 : i32
      %ne3A_2104 = vector.broadcast %ne3A_2103 : i32 to vector<32x256xi32>
      %ne3A_2105 = arith.cmpi ne, %rem3A_2102, %ne3A_2104 : vector<32x256xi32>
      %and3A_2106 = arith.andi %ne3A_2100, %ne3A_2105 : vector<32x256xi1>
      %sub3A_2107 = arith.constant 1 : i32
      %sub3A_2108 = vector.broadcast %sub3A_2107 : i32 to vector<32x256xi32>
      %sub3A_2109 = arith.subi %div3A_2082, %sub3A_2108 : vector<32x256xi32>
      %select_n3A_2110 = arith.select %and3A_2106, %sub3A_2109, %div3A_2082 : vector<32x256xi1>, vector<32x256xi32>
      %jit3A_2111 = arith.constant 4 : i32
      %div3A_2112 = vector.broadcast %jit3A_2111 : i32 to vector<32x256xi32>
      %div3A_2113 = arith.divsi %iota3A_2078, %div3A_2112 : vector<32x256xi32>
      %sign3A_2114 = arith.constant 0 : i32
      %sign3A_2115 = vector.broadcast %sign3A_2114 : i32 to vector<32x256xi32>
      %sign3A_2116 = arith.cmpi sgt, %iota3A_2078, %sign3A_2115 : vector<32x256xi32>
      %sign3A_2117 = arith.extui %sign3A_2116 : vector<32x256xi1> to vector<32x256xi32>
      %sign3A_2118 = arith.constant 0 : i32
      %sign3A_2119 = vector.broadcast %sign3A_2118 : i32 to vector<32x256xi32>
      %sign3A_2120 = arith.cmpi slt, %iota3A_2078, %sign3A_2119 : vector<32x256xi32>
      %sign3A_2121 = arith.extui %sign3A_2120 : vector<32x256xi1> to vector<32x256xi32>
      %sign3A_2122 = arith.subi %sign3A_2117, %sign3A_2121 : vector<32x256xi32>
      %sign3A_2123 = arith.constant 0 : i32
      %sign3A_2124 = arith.cmpi sgt, %jit3A_2111, %sign3A_2123 : i32
      %sign3A_2125 = arith.extui %sign3A_2124 : i1 to i32
      %sign3A_2126 = arith.constant 0 : i32
      %sign3A_2127 = arith.cmpi slt, %jit3A_2111, %sign3A_2126 : i32
      %sign3A_2128 = arith.extui %sign3A_2127 : i1 to i32
      %sign3A_2129 = arith.subi %sign3A_2125, %sign3A_2128 : i32
      %ne3A_2130 = vector.broadcast %sign3A_2129 : i32 to vector<32x256xi32>
      %ne3A_2131 = arith.cmpi ne, %sign3A_2122, %ne3A_2130 : vector<32x256xi32>
      %rem3A_2132 = vector.broadcast %jit3A_2111 : i32 to vector<32x256xi32>
      %rem3A_2133 = arith.remsi %iota3A_2078, %rem3A_2132 : vector<32x256xi32>
      %ne3A_2134 = arith.constant 0 : i32
      %ne3A_2135 = vector.broadcast %ne3A_2134 : i32 to vector<32x256xi32>
      %ne3A_2136 = arith.cmpi ne, %rem3A_2133, %ne3A_2135 : vector<32x256xi32>
      %and3A_2137 = arith.andi %ne3A_2131, %ne3A_2136 : vector<32x256xi1>
      %sub3A_2138 = arith.constant 1 : i32
      %sub3A_2139 = vector.broadcast %sub3A_2138 : i32 to vector<32x256xi32>
      %sub3A_2140 = arith.subi %div3A_2113, %sub3A_2139 : vector<32x256xi32>
      %select_n3A_2141 = arith.select %and3A_2137, %sub3A_2140, %div3A_2113 : vector<32x256xi1>, vector<32x256xi32>
      %eq3A_2142 = arith.cmpi eq, %select_n3A_2110, %select_n3A_2141 : vector<32x256xi32>
      %jit3A_2143 = arith.constant 32 : i32
      %eq3A_2144 = arith.constant 0 : i32
      %eq3A_2145 = arith.cmpi eq, %jit3A_2143, %eq3A_2144 : i32
      %jit3A_2146 = arith.constant 1 : i32
      %select_n3A_2147 = arith.select %eq3A_2145, %jit3A_2146, %jit3A_2143 : i32
      %rem3A_2148 = vector.broadcast %select_n3A_2147 : i32 to vector<32x256xi32>
      %rem3A_2149 = arith.remsi %iota3A_2079, %rem3A_2148 : vector<32x256xi32>
      %ne3A_2150 = arith.constant 0 : i32
      %ne3A_2151 = vector.broadcast %ne3A_2150 : i32 to vector<32x256xi32>
      %ne3A_2152 = arith.cmpi ne, %rem3A_2149, %ne3A_2151 : vector<32x256xi32>
      %lt3A_2153 = arith.constant 0 : i32
      %lt3A_2154 = vector.broadcast %lt3A_2153 : i32 to vector<32x256xi32>
      %lt3A_2155 = arith.cmpi slt, %rem3A_2149, %lt3A_2154 : vector<32x256xi32>
      %lt3A_2156 = arith.constant 0 : i32
      %lt3A_2157 = arith.cmpi slt, %select_n3A_2147, %lt3A_2156 : i32
      %ne3A_2158 = vector.broadcast %lt3A_2157 : i1 to vector<32x256xi1>
      %ne3A_2159 = vector.broadcast %ne3A_2158 : vector<32x256xi1> to vector<32x256xi1>
      %ne3A_2160 = arith.xori %lt3A_2155, %ne3A_2159 : vector<32x256xi1>
      %and3A_2161 = arith.andi %ne3A_2160, %ne3A_2152 : vector<32x256xi1>
      %add3A_2162 = vector.broadcast %select_n3A_2147 : i32 to vector<32x256xi32>
      %add3A_2163 = arith.addi %rem3A_2149, %add3A_2162 : vector<32x256xi32>
      %select_n3A_2164 = arith.select %and3A_2161, %add3A_2163, %rem3A_2149 : vector<32x256xi1>, vector<32x256xi32>
      %jit3A_2165 = arith.constant 8 : i32
      %div3A_2166 = vector.broadcast %jit3A_2165 : i32 to vector<32x256xi32>
      %div3A_2167 = arith.divsi %select_n3A_2164, %div3A_2166 : vector<32x256xi32>
      %sign3A_2168 = arith.constant 0 : i32
      %sign3A_2169 = vector.broadcast %sign3A_2168 : i32 to vector<32x256xi32>
      %sign3A_2170 = arith.cmpi sgt, %select_n3A_2164, %sign3A_2169 : vector<32x256xi32>
      %sign3A_2171 = arith.extui %sign3A_2170 : vector<32x256xi1> to vector<32x256xi32>
      %sign3A_2172 = arith.constant 0 : i32
      %sign3A_2173 = vector.broadcast %sign3A_2172 : i32 to vector<32x256xi32>
      %sign3A_2174 = arith.cmpi slt, %select_n3A_2164, %sign3A_2173 : vector<32x256xi32>
      %sign3A_2175 = arith.extui %sign3A_2174 : vector<32x256xi1> to vector<32x256xi32>
      %sign3A_2176 = arith.subi %sign3A_2171, %sign3A_2175 : vector<32x256xi32>
      %sign3A_2177 = arith.constant 0 : i32
      %sign3A_2178 = arith.cmpi sgt, %jit3A_2165, %sign3A_2177 : i32
      %sign3A_2179 = arith.extui %sign3A_2178 : i1 to i32
      %sign3A_2180 = arith.constant 0 : i32
      %sign3A_2181 = arith.cmpi slt, %jit3A_2165, %sign3A_2180 : i32
      %sign3A_2182 = arith.extui %sign3A_2181 : i1 to i32
      %sign3A_2183 = arith.subi %sign3A_2179, %sign3A_2182 : i32
      %ne3A_2184 = vector.broadcast %sign3A_2183 : i32 to vector<32x256xi32>
      %ne3A_2185 = arith.cmpi ne, %sign3A_2176, %ne3A_2184 : vector<32x256xi32>
      %rem3A_2186 = vector.broadcast %jit3A_2165 : i32 to vector<32x256xi32>
      %rem3A_2187 = arith.remsi %select_n3A_2164, %rem3A_2186 : vector<32x256xi32>
      %ne3A_2188 = arith.constant 0 : i32
      %ne3A_2189 = vector.broadcast %ne3A_2188 : i32 to vector<32x256xi32>
      %ne3A_2190 = arith.cmpi ne, %rem3A_2187, %ne3A_2189 : vector<32x256xi32>
      %and3A_2191 = arith.andi %ne3A_2185, %ne3A_2190 : vector<32x256xi1>
      %sub3A_2192 = arith.constant 1 : i32
      %sub3A_2193 = vector.broadcast %sub3A_2192 : i32 to vector<32x256xi32>
      %sub3A_2194 = arith.subi %div3A_2167, %sub3A_2193 : vector<32x256xi32>
      %select_n3A_2195 = arith.select %and3A_2191, %sub3A_2194, %div3A_2167 : vector<32x256xi1>, vector<32x256xi32>
      %jit3A_2196 = arith.constant 4 : i32
      %eq3A_2197 = arith.constant 0 : i32
      %eq3A_2198 = arith.cmpi eq, %jit3A_2196, %eq3A_2197 : i32
      %jit3A_2199 = arith.constant 1 : i32
      %select_n3A_2200 = arith.select %eq3A_2198, %jit3A_2199, %jit3A_2196 : i32
      %rem3A_2201 = vector.broadcast %select_n3A_2200 : i32 to vector<32x256xi32>
      %rem3A_2202 = arith.remsi %iota3A_2078, %rem3A_2201 : vector<32x256xi32>
      %ne3A_2203 = arith.constant 0 : i32
      %ne3A_2204 = vector.broadcast %ne3A_2203 : i32 to vector<32x256xi32>
      %ne3A_2205 = arith.cmpi ne, %rem3A_2202, %ne3A_2204 : vector<32x256xi32>
      %lt3A_2206 = arith.constant 0 : i32
      %lt3A_2207 = vector.broadcast %lt3A_2206 : i32 to vector<32x256xi32>
      %lt3A_2208 = arith.cmpi slt, %rem3A_2202, %lt3A_2207 : vector<32x256xi32>
      %lt3A_2209 = arith.constant 0 : i32
      %lt3A_2210 = arith.cmpi slt, %select_n3A_2200, %lt3A_2209 : i32
      %ne3A_2211 = vector.broadcast %lt3A_2210 : i1 to vector<32x256xi1>
      %ne3A_2212 = vector.broadcast %ne3A_2211 : vector<32x256xi1> to vector<32x256xi1>
      %ne3A_2213 = arith.xori %lt3A_2208, %ne3A_2212 : vector<32x256xi1>
      %and3A_2214 = arith.andi %ne3A_2213, %ne3A_2205 : vector<32x256xi1>
      %add3A_2215 = vector.broadcast %select_n3A_2200 : i32 to vector<32x256xi32>
      %add3A_2216 = arith.addi %rem3A_2202, %add3A_2215 : vector<32x256xi32>
      %select_n3A_2217 = arith.select %and3A_2214, %add3A_2216, %rem3A_2202 : vector<32x256xi1>, vector<32x256xi32>
      %eq3A_2218 = arith.cmpi eq, %select_n3A_2195, %select_n3A_2217 : vector<32x256xi32>
      %and3A_2219 = arith.andi %eq3A_2142, %eq3A_2218 : vector<32x256xi1>
      %convert_element_type3A_2220 = arith.extui %and3A_2219 : vector<32x256xi1> to vector<32x256xi32>
      %convert_element_type3A_2221 = arith.sitofp %convert_element_type3A_2220 : vector<32x256xi32> to vector<32x256xf32>
      %dot_general3A_2222 = arith.constant dense<0.000000e+00> : vector<512x256xf32>
      %dot_general3A_2223 = tpu.matmul %mul3A_2077, %convert_element_type3A_2221, %dot_general3A_2222 {dimension_numbers = #tpu.dot_dimension_numbers<[1], [0], [0], [1], [0, 0, 1, 1], [], []>, transpose_lhs_hint = false} : vector<512x32xf32>, vector<32x256xf32>, vector<512x256xf32> -> vector<512x256xf32>
      %mul3A_2224 = arith.mulf %dot_general3A_2223, %concatenate3A_316 : vector<512x256xf32>
      %slice3A_2225 = vector.extract_strided_slice %mul3A_2224 {offsets = [0, 0], sizes = [512, 32], strides = [1, 1]} : vector<512x256xf32> to vector<512x32xf32>
      %slice3A_2226 = vector.extract_strided_slice %mul3A_2224 {offsets = [0, 32], sizes = [512, 32], strides = [1, 1]} : vector<512x256xf32> to vector<512x32xf32>
      %add3A_2227 = arith.addf %slice3A_2225, %slice3A_2226 : vector<512x32xf32>
      %slice3A_2228 = vector.extract_strided_slice %mul3A_2224 {offsets = [0, 64], sizes = [512, 32], strides = [1, 1]} : vector<512x256xf32> to vector<512x32xf32>
      %add3A_2229 = arith.addf %add3A_2227, %slice3A_2228 : vector<512x32xf32>
      %slice3A_2230 = vector.extract_strided_slice %mul3A_2224 {offsets = [0, 96], sizes = [512, 32], strides = [1, 1]} : vector<512x256xf32> to vector<512x32xf32>
      %add3A_2231 = arith.addf %add3A_2229, %slice3A_2230 : vector<512x32xf32>
      %slice3A_2232 = vector.extract_strided_slice %mul3A_2224 {offsets = [0, 128], sizes = [512, 32], strides = [1, 1]} : vector<512x256xf32> to vector<512x32xf32>
      %add3A_2233 = arith.addf %add3A_2231, %slice3A_2232 : vector<512x32xf32>
      %slice3A_2234 = vector.extract_strided_slice %mul3A_2224 {offsets = [0, 160], sizes = [512, 32], strides = [1, 1]} : vector<512x256xf32> to vector<512x32xf32>
      %add3A_2235 = arith.addf %add3A_2233, %slice3A_2234 : vector<512x32xf32>
      %slice3A_2236 = vector.extract_strided_slice %mul3A_2224 {offsets = [0, 192], sizes = [512, 32], strides = [1, 1]} : vector<512x256xf32> to vector<512x32xf32>
      %add3A_2237 = arith.addf %add3A_2235, %slice3A_2236 : vector<512x32xf32>
      %slice3A_2238 = vector.extract_strided_slice %mul3A_2224 {offsets = [0, 224], sizes = [512, 32], strides = [1, 1]} : vector<512x256xf32> to vector<512x32xf32>
      %add3A_2239 = arith.addf %add3A_2237, %slice3A_2238 : vector<512x32xf32>
      %dot_general3A_2240 = arith.constant dense<0.000000e+00> : vector<512x2xf32>
      %dot_general3A_2241 = tpu.matmul %add3A_2239, %concatenate3A, %dot_general3A_2240 {dimension_numbers = #tpu.dot_dimension_numbers<[1], [1], [0], [0], [0, 0, 1, 0], [], []>, transpose_lhs_hint = false} : vector<512x32xf32>, vector<2x32xf32>, vector<512x2xf32> -> vector<512x2xf32>
      %slice3A_2242 = vector.extract_strided_slice %dot_general3A_2241 {offsets = [0, 0], sizes = [512, 1], strides = [1, 1]} : vector<512x2xf32> to vector<512x1xf32>
      %slice3A_2243 = vector.extract_strided_slice %dot_general3A_2241 {offsets = [0, 1], sizes = [512, 1], strides = [1, 1]} : vector<512x2xf32> to vector<512x1xf32>
      %mul3A_2244 = arith.mulf %slice3A_2242, %slice3A_2243 : vector<512x1xf32>
      %concatenate3A_2245 = tpu.concatenate %mul3A_537, %mul3A_769, %mul3A_1005, %mul3A_1245, %mul3A_1489, %mul3A_1737, %mul3A_1989, %mul3A_2244 in 1 : vector<512x1xf32>, vector<512x1xf32>, vector<512x1xf32>, vector<512x1xf32>, vector<512x1xf32>, vector<512x1xf32>, vector<512x1xf32>, vector<512x1xf32> -> vector<512x8xf32>
      %reshape3A_2246 = vector.shape_cast %concatenate3A_2245 : vector<512x8xf32> to vector<8x64x8xf32>
      %iota3A_2247 = tpu.iota {dimensions = array<i32: 1>} : vector<64x8xi32>
      %get3A_2248 = arith.constant 0 : index
      %get3A_2249 = memref.load %arg16[%get3A_2248] : memref<8xi32, #tpu.memory_space<smem>>
      %lt3A_2250 = vector.broadcast %get3A_2249 : i32 to vector<64x8xi32>
      %lt3A_2251 = arith.cmpi slt, %iota3A_2247, %lt3A_2250 : vector<64x8xi32>
      %convert_element_type3A_2252 = arith.extui %lt3A_2251 : vector<64x8xi1> to vector<64x8xi32>
      %convert_element_type3A_2253 = arith.sitofp %convert_element_type3A_2252 : vector<64x8xi32> to vector<64x8xf32>
      %slice3A_2254 = vector.extract_strided_slice %reshape3A_2246 {offsets = [0, 0, 0], sizes = [1, 64, 8], strides = [1, 1, 1]} : vector<8x64x8xf32> to vector<1x64x8xf32>
      %squeeze3A = vector.shape_cast %slice3A_2254 : vector<1x64x8xf32> to vector<64x8xf32>
      %mul3A_2255 = arith.mulf %squeeze3A, %convert_element_type3A_2253 : vector<64x8xf32>
      %reduce_sum3A = arith.constant dense<0.000000e+00> : vector<64xf32>
      %reduce_sum3A_2256 = vector.multi_reduction <add>, %mul3A_2255, %reduce_sum3A [1] : vector<64x8xf32> to vector<64xf32>
      %swap3A_2257 = arith.constant 0 : index
      %swap3A_2258 = vector.load %arg20[%swap3A_2257] : memref<512xf32, #tpu.memory_space<vmem>>, vector<64xf32>
      tpu.vector_store %arg20[%swap3A_2257], %reduce_sum3A_2256 {strides = array<i32>} : memref<512xf32, #tpu.memory_space<vmem>>, vector<64xf32>,
      %get3A_2259 = arith.constant 1 : index
      %get3A_2260 = memref.load %arg16[%get3A_2259] : memref<8xi32, #tpu.memory_space<smem>>
      %lt3A_2261 = vector.broadcast %get3A_2260 : i32 to vector<64x8xi32>
      %lt3A_2262 = arith.cmpi slt, %iota3A_2247, %lt3A_2261 : vector<64x8xi32>
      %convert_element_type3A_2263 = arith.extui %lt3A_2262 : vector<64x8xi1> to vector<64x8xi32>
      %convert_element_type3A_2264 = arith.sitofp %convert_element_type3A_2263 : vector<64x8xi32> to vector<64x8xf32>
      %slice3A_2265 = vector.extract_strided_slice %reshape3A_2246 {offsets = [1, 0, 0], sizes = [1, 64, 8], strides = [1, 1, 1]} : vector<8x64x8xf32> to vector<1x64x8xf32>
      %squeeze3A_2266 = vector.shape_cast %slice3A_2265 : vector<1x64x8xf32> to vector<64x8xf32>
      %mul3A_2267 = arith.mulf %squeeze3A_2266, %convert_element_type3A_2264 : vector<64x8xf32>
      %reduce_sum3A_2268 = arith.constant dense<0.000000e+00> : vector<64xf32>
      %reduce_sum3A_2269 = vector.multi_reduction <add>, %mul3A_2267, %reduce_sum3A_2268 [1] : vector<64x8xf32> to vector<64xf32>
      %swap3A_2270 = arith.constant 64 : index
      %swap3A_2271 = vector.load %arg20[%swap3A_2270] : memref<512xf32, #tpu.memory_space<vmem>>, vector<64xf32>
      tpu.vector_store %arg20[%swap3A_2270], %reduce_sum3A_2269 {strides = array<i32>} : memref<512xf32, #tpu.memory_space<vmem>>, vector<64xf32>,
      %get3A_2272 = arith.constant 2 : index
      %get3A_2273 = memref.load %arg16[%get3A_2272] : memref<8xi32, #tpu.memory_space<smem>>
      %lt3A_2274 = vector.broadcast %get3A_2273 : i32 to vector<64x8xi32>
      %lt3A_2275 = arith.cmpi slt, %iota3A_2247, %lt3A_2274 : vector<64x8xi32>
      %convert_element_type3A_2276 = arith.extui %lt3A_2275 : vector<64x8xi1> to vector<64x8xi32>
      %convert_element_type3A_2277 = arith.sitofp %convert_element_type3A_2276 : vector<64x8xi32> to vector<64x8xf32>
      %slice3A_2278 = vector.extract_strided_slice %reshape3A_2246 {offsets = [2, 0, 0], sizes = [1, 64, 8], strides = [1, 1, 1]} : vector<8x64x8xf32> to vector<1x64x8xf32>
      %squeeze3A_2279 = vector.shape_cast %slice3A_2278 : vector<1x64x8xf32> to vector<64x8xf32>
      %mul3A_2280 = arith.mulf %squeeze3A_2279, %convert_element_type3A_2277 : vector<64x8xf32>
      %reduce_sum3A_2281 = arith.constant dense<0.000000e+00> : vector<64xf32>
      %reduce_sum3A_2282 = vector.multi_reduction <add>, %mul3A_2280, %reduce_sum3A_2281 [1] : vector<64x8xf32> to vector<64xf32>
      %swap3A_2283 = arith.constant 128 : index
      %swap3A_2284 = vector.load %arg20[%swap3A_2283] : memref<512xf32, #tpu.memory_space<vmem>>, vector<64xf32>
      tpu.vector_store %arg20[%swap3A_2283], %reduce_sum3A_2282 {strides = array<i32>} : memref<512xf32, #tpu.memory_space<vmem>>, vector<64xf32>,
      %get3A_2285 = arith.constant 3 : index
      %get3A_2286 = memref.load %arg16[%get3A_2285] : memref<8xi32, #tpu.memory_space<smem>>
      %lt3A_2287 = vector.broadcast %get3A_2286 : i32 to vector<64x8xi32>
      %lt3A_2288 = arith.cmpi slt, %iota3A_2247, %lt3A_2287 : vector<64x8xi32>
      %convert_element_type3A_2289 = arith.extui %lt3A_2288 : vector<64x8xi1> to vector<64x8xi32>
      %convert_element_type3A_2290 = arith.sitofp %convert_element_type3A_2289 : vector<64x8xi32> to vector<64x8xf32>
      %slice3A_2291 = vector.extract_strided_slice %reshape3A_2246 {offsets = [3, 0, 0], sizes = [1, 64, 8], strides = [1, 1, 1]} : vector<8x64x8xf32> to vector<1x64x8xf32>
      %squeeze3A_2292 = vector.shape_cast %slice3A_2291 : vector<1x64x8xf32> to vector<64x8xf32>
      %mul3A_2293 = arith.mulf %squeeze3A_2292, %convert_element_type3A_2290 : vector<64x8xf32>
      %reduce_sum3A_2294 = arith.constant dense<0.000000e+00> : vector<64xf32>
      %reduce_sum3A_2295 = vector.multi_reduction <add>, %mul3A_2293, %reduce_sum3A_2294 [1] : vector<64x8xf32> to vector<64xf32>
      %swap3A_2296 = arith.constant 192 : index
      %swap3A_2297 = vector.load %arg20[%swap3A_2296] : memref<512xf32, #tpu.memory_space<vmem>>, vector<64xf32>
      tpu.vector_store %arg20[%swap3A_2296], %reduce_sum3A_2295 {strides = array<i32>} : memref<512xf32, #tpu.memory_space<vmem>>, vector<64xf32>,
      %get3A_2298 = arith.constant 4 : index
      %get3A_2299 = memref.load %arg16[%get3A_2298] : memref<8xi32, #tpu.memory_space<smem>>
      %lt3A_2300 = vector.broadcast %get3A_2299 : i32 to vector<64x8xi32>
      %lt3A_2301 = arith.cmpi slt, %iota3A_2247, %lt3A_2300 : vector<64x8xi32>
      %convert_element_type3A_2302 = arith.extui %lt3A_2301 : vector<64x8xi1> to vector<64x8xi32>
      %convert_element_type3A_2303 = arith.sitofp %convert_element_type3A_2302 : vector<64x8xi32> to vector<64x8xf32>
      %slice3A_2304 = vector.extract_strided_slice %reshape3A_2246 {offsets = [4, 0, 0], sizes = [1, 64, 8], strides = [1, 1, 1]} : vector<8x64x8xf32> to vector<1x64x8xf32>
      %squeeze3A_2305 = vector.shape_cast %slice3A_2304 : vector<1x64x8xf32> to vector<64x8xf32>
      %mul3A_2306 = arith.mulf %squeeze3A_2305, %convert_element_type3A_2303 : vector<64x8xf32>
      %reduce_sum3A_2307 = arith.constant dense<0.000000e+00> : vector<64xf32>
      %reduce_sum3A_2308 = vector.multi_reduction <add>, %mul3A_2306, %reduce_sum3A_2307 [1] : vector<64x8xf32> to vector<64xf32>
      %swap3A_2309 = arith.constant 256 : index
      %swap3A_2310 = vector.load %arg20[%swap3A_2309] : memref<512xf32, #tpu.memory_space<vmem>>, vector<64xf32>
      tpu.vector_store %arg20[%swap3A_2309], %reduce_sum3A_2308 {strides = array<i32>} : memref<512xf32, #tpu.memory_space<vmem>>, vector<64xf32>,
      %get3A_2311 = arith.constant 5 : index
      %get3A_2312 = memref.load %arg16[%get3A_2311] : memref<8xi32, #tpu.memory_space<smem>>
      %lt3A_2313 = vector.broadcast %get3A_2312 : i32 to vector<64x8xi32>
      %lt3A_2314 = arith.cmpi slt, %iota3A_2247, %lt3A_2313 : vector<64x8xi32>
      %convert_element_type3A_2315 = arith.extui %lt3A_2314 : vector<64x8xi1> to vector<64x8xi32>
      %convert_element_type3A_2316 = arith.sitofp %convert_element_type3A_2315 : vector<64x8xi32> to vector<64x8xf32>
      %slice3A_2317 = vector.extract_strided_slice %reshape3A_2246 {offsets = [5, 0, 0], sizes = [1, 64, 8], strides = [1, 1, 1]} : vector<8x64x8xf32> to vector<1x64x8xf32>
      %squeeze3A_2318 = vector.shape_cast %slice3A_2317 : vector<1x64x8xf32> to vector<64x8xf32>
      %mul3A_2319 = arith.mulf %squeeze3A_2318, %convert_element_type3A_2316 : vector<64x8xf32>
      %reduce_sum3A_2320 = arith.constant dense<0.000000e+00> : vector<64xf32>
      %reduce_sum3A_2321 = vector.multi_reduction <add>, %mul3A_2319, %reduce_sum3A_2320 [1] : vector<64x8xf32> to vector<64xf32>
      %swap3A_2322 = arith.constant 320 : index
      %swap3A_2323 = vector.load %arg20[%swap3A_2322] : memref<512xf32, #tpu.memory_space<vmem>>, vector<64xf32>
      tpu.vector_store %arg20[%swap3A_2322], %reduce_sum3A_2321 {strides = array<i32>} : memref<512xf32, #tpu.memory_space<vmem>>, vector<64xf32>,
      %get3A_2324 = arith.constant 6 : index
      %get3A_2325 = memref.load %arg16[%get3A_2324] : memref<8xi32, #tpu.memory_space<smem>>
      %lt3A_2326 = vector.broadcast %get3A_2325 : i32 to vector<64x8xi32>
      %lt3A_2327 = arith.cmpi slt, %iota3A_2247, %lt3A_2326 : vector<64x8xi32>
      %convert_element_type3A_2328 = arith.extui %lt3A_2327 : vector<64x8xi1> to vector<64x8xi32>
      %convert_element_type3A_2329 = arith.sitofp %convert_element_type3A_2328 : vector<64x8xi32> to vector<64x8xf32>
      %slice3A_2330 = vector.extract_strided_slice %reshape3A_2246 {offsets = [6, 0, 0], sizes = [1, 64, 8], strides = [1, 1, 1]} : vector<8x64x8xf32> to vector<1x64x8xf32>
      %squeeze3A_2331 = vector.shape_cast %slice3A_2330 : vector<1x64x8xf32> to vector<64x8xf32>
      %mul3A_2332 = arith.mulf %squeeze3A_2331, %convert_element_type3A_2329 : vector<64x8xf32>
      %reduce_sum3A_2333 = arith.constant dense<0.000000e+00> : vector<64xf32>
      %reduce_sum3A_2334 = vector.multi_reduction <add>, %mul3A_2332, %reduce_sum3A_2333 [1] : vector<64x8xf32> to vector<64xf32>
      %swap3A_2335 = arith.constant 384 : index
      %swap3A_2336 = vector.load %arg20[%swap3A_2335] : memref<512xf32, #tpu.memory_space<vmem>>, vector<64xf32>
      tpu.vector_store %arg20[%swap3A_2335], %reduce_sum3A_2334 {strides = array<i32>} : memref<512xf32, #tpu.memory_space<vmem>>, vector<64xf32>,
      %get3A_2337 = arith.constant 7 : index
      %get3A_2338 = memref.load %arg16[%get3A_2337] : memref<8xi32, #tpu.memory_space<smem>>
      %lt3A_2339 = vector.broadcast %get3A_2338 : i32 to vector<64x8xi32>
      %lt3A_2340 = arith.cmpi slt, %iota3A_2247, %lt3A_2339 : vector<64x8xi32>
      %convert_element_type3A_2341 = arith.extui %lt3A_2340 : vector<64x8xi1> to vector<64x8xi32>
      %convert_element_type3A_2342 = arith.sitofp %convert_element_type3A_2341 : vector<64x8xi32> to vector<64x8xf32>
      %slice3A_2343 = vector.extract_strided_slice %reshape3A_2246 {offsets = [7, 0, 0], sizes = [1, 64, 8], strides = [1, 1, 1]} : vector<8x64x8xf32> to vector<1x64x8xf32>
      %squeeze3A_2344 = vector.shape_cast %slice3A_2343 : vector<1x64x8xf32> to vector<64x8xf32>
      %mul3A_2345 = arith.mulf %squeeze3A_2344, %convert_element_type3A_2342 : vector<64x8xf32>
      %reduce_sum3A_2346 = arith.constant dense<0.000000e+00> : vector<64xf32>
      %reduce_sum3A_2347 = vector.multi_reduction <add>, %mul3A_2345, %reduce_sum3A_2346 [1] : vector<64x8xf32> to vector<64xf32>
      %swap3A_2348 = arith.constant 448 : index
      %swap3A_2349 = vector.load %arg20[%swap3A_2348] : memref<512xf32, #tpu.memory_space<vmem>>, vector<64xf32>
      tpu.vector_store %arg20[%swap3A_2348], %reduce_sum3A_2347 {strides = array<i32>} : memref<512xf32, #tpu.memory_space<vmem>>, vector<64xf32>,
      %get3A_2350 = arith.constant 0 : index
      %get3A_2351 = vector.load %arg20[%get3A_2350] : memref<512xf32, #tpu.memory_space<vmem>>, vector<512xf32>
      %add3A_2352 = vector.broadcast %get3A_0 : f32 to vector<512xf32>
      %add3A_2353 = arith.addf %get3A_2351, %add3A_2352 : vector<512xf32>
      %swap3A_2354 = arith.constant 0 : index
      %swap3A_2355 = vector.load %arg20[%swap3A_2354] : memref<512xf32, #tpu.memory_space<vmem>>, vector<512xf32>
      tpu.vector_store %arg20[%swap3A_2354], %add3A_2353 {strides = array<i32>} : memref<512xf32, #tpu.memory_space<vmem>>, vector<512xf32>,
    } else {
    }
    return
  }
  func.func @transform_0(%arg0: i32) -> (i32, i32, i32) {
    %c0_i32 = arith.constant 0 : i32
    %c0_i32_0 = arith.constant 0 : i32
    %c0_i32_1 = arith.constant 0 : i32
    %c0_i32_2 = arith.constant 0 : i32
    return %c0_i32, %c0_i32_0, %c0_i32_1 : i32, i32, i32
  }
  func.func @transform_1(%arg0: i32) -> (i32, i32) {
    %c0_i32 = arith.constant 0 : i32
    %c0_i32_0 = arith.constant 0 : i32
    %c0_i32_1 = arith.constant 0 : i32
    return %c0_i32, %c0_i32_0 : i32, i32
  }
  func.func @transform_2(%arg0: i32) -> (i32, i32) {
    %c0_i32 = arith.constant 0 : i32
    %c0_i32_0 = arith.constant 0 : i32
    %c0_i32_1 = arith.constant 0 : i32
    return %c0_i32, %c0_i32_0 : i32, i32
  }
  func.func @transform_3(%arg0: i32) -> (i32, i32) {
    %c0_i32 = arith.constant 0 : i32
    %c0_i32_0 = arith.constant 0 : i32
    %c0_i32_1 = arith.constant 0 : i32
    return %c0_i32, %c0_i32_0 : i32, i32
  }
  func.func @transform_4(%arg0: i32) -> (i32, i32) {
    %c0_i32 = arith.constant 0 : i32
    %c0_i32_0 = arith.constant 0 : i32
    %c0_i32_1 = arith.constant 0 : i32
    return %c0_i32, %c0_i32_0 : i32, i32
  }
  func.func @transform_5(%arg0: i32) -> (i32, i32) {
    %c0_i32 = arith.constant 0 : i32
    %c0_i32_0 = arith.constant 0 : i32
    %c0_i32_1 = arith.constant 0 : i32
    return %c0_i32, %c0_i32_0 : i32, i32
  }
  func.func @transform_6(%arg0: i32) -> (i32, i32) {
    %c0_i32 = arith.constant 0 : i32
    %c0_i32_0 = arith.constant 0 : i32
    %c0_i32_1 = arith.constant 0 : i32
    return %c0_i32, %c0_i32_0 : i32, i32
  }
  func.func @transform_7(%arg0: i32) -> (i32, i32) {
    %c0_i32 = arith.constant 0 : i32
    %c0_i32_0 = arith.constant 0 : i32
    %c0_i32_1 = arith.constant 0 : i32
    return %c0_i32, %c0_i32_0 : i32, i32
  }
  func.func @transform_8(%arg0: i32) -> (i32, i32) {
    %c0_i32 = arith.constant 0 : i32
    %c0_i32_0 = arith.constant 0 : i32
    %c0_i32_1 = arith.constant 0 : i32
    return %c0_i32, %c0_i32_0 : i32, i32
  }
  func.func @transform_9(%arg0: i32) -> (i32, i32) {
    %c0_i32 = arith.constant 0 : i32
    %c0_i32_0 = arith.constant 0 : i32
    %c0_i32_1 = arith.constant 0 : i32
    return %c0_i32, %c0_i32_0 : i32, i32
  }
  func.func @transform_10(%arg0: i32) -> (i32, i32) {
    %c0_i32 = arith.constant 0 : i32
    %c0_i32_0 = arith.constant 0 : i32
    %c0_i32_1 = arith.constant 0 : i32
    return %c0_i32, %c0_i32_0 : i32, i32
  }
  func.func @transform_11(%arg0: i32) -> (i32, i32) {
    %c0_i32 = arith.constant 0 : i32
    %c0_i32_0 = arith.constant 0 : i32
    %c0_i32_1 = arith.constant 0 : i32
    return %c0_i32, %c0_i32_0 : i32, i32
  }
  func.func @transform_12(%arg0: i32) -> (i32, i32) {
    %c0_i32 = arith.constant 0 : i32
    %c0_i32_0 = arith.constant 0 : i32
    %c0_i32_1 = arith.constant 0 : i32
    return %c0_i32, %c0_i32_0 : i32, i32
  }
  func.func @transform_13(%arg0: i32) -> (i32, i32) {
    %c0_i32 = arith.constant 0 : i32
    %c0_i32_0 = arith.constant 0 : i32
    %c0_i32_1 = arith.constant 0 : i32
    return %c0_i32, %c0_i32_0 : i32, i32
  }
  func.func @transform_14(%arg0: i32) -> (i32, i32) {
    %c0_i32 = arith.constant 0 : i32
    %c0_i32_0 = arith.constant 0 : i32
    %c0_i32_1 = arith.constant 0 : i32
    return %c0_i32, %c0_i32_0 : i32, i32
  }
  func.func @transform_15(%arg0: i32) -> i32 {
    %c0_i32 = arith.constant 0 : i32
    %c0_i32_0 = arith.constant 0 : i32
    return %c0_i32 : i32
  }
  func.func @transform_16(%arg0: i32) -> (i32, i32) {
    %c0_i32 = arith.constant 0 : i32
    %c0_i32_0 = arith.constant 0 : i32
    return %c0_i32, %arg0 : i32, i32
  }
  func.func @transform_17(%arg0: i32) -> (i32, i32) {
    %c0_i32 = arith.constant 0 : i32
    %c0_i32_0 = arith.constant 0 : i32
    return %c0_i32, %arg0 : i32, i32
  }
  func.func @transform_18(%arg0: i32) -> i32 {
    %c0_i32 = arith.constant 0 : i32
    %c0_i32_0 = arith.constant 0 : i32
    return %c0_i32 : i32
  }
  func.func @transform_19(%arg0: i32) -> i32 {
    %c0_i32 = arith.constant 0 : i32
    %c0_i32_0 = arith.constant 0 : i32
    return %c0_i32 : i32
  }
  func.func @transform_20(%arg0: i32) -> i32 {
    %c0_i32 = arith.constant 0 : i32
    return %arg0 : i32
  }
  func.func @transform_21(%arg0: i32) -> i32 {
    %c0_i32 = arith.constant 0 : i32
    return %arg0 : i32
  }
}

</mosaic_0001>

<sc_bundles>
// kernel: kernel.4.cloned.1.call-start
scs
__scs_entry_jumppad:
0x0: {  	(pc) =	sbr.rel $0x88, $3  }
0x1: {  	(tag) =	ssettag $0x0;
	lr =	simm.s32 $0x1  }
0x2: {  	[smem:$0x3F8D] =	sst lr;
	_ =	strace $0xD0000000  }
0x3: {  	_ = 	snop  }
0x4: {  	_ = 	snop  }
0x5: {  	_ = 	snop  }
0x6: {  	_ = 	snop  }
0x7: {  	_ = 	snop  }
__scs_overlays_trampoline_lowered:
0x8: {  	[smem:$0x3F9C] =	sst s0  }
0x9: {  	[smem:$0x3F9D] =	sst s1  }
0xa: {  	[smem:$0x3F9E] =	sst s2  }
0xb: {  	[smem:$0x3F9F] =	sst s3  }
0xc: {  	[smem:$0x3FA0] =	sst s4  }
0xd: {  	[smem:$0x3FA1] =	sst s5  }
0xe: {  	[smem:$0x3FA2] =	sst s6  }
0xf: {  	[smem:$0x3FA3] =	sst s7  }
0x10: {  	[smem:$0x3FA4] =	sst s8  }
0x11: {  	[smem:$0x3FA5] =	sst s9;
	s0 =	simm.s32 @!p0 $0x0  }
0x12: {  	s1 =	sld [smem:$0x3F8B];
	s0 =	simm.s32 @p0 $0x1  }
0x13: {  	[smem:$0x3FA6] =	sst s0;
	s0 =	simm.s32 @!p1 $0x0  }
0x14: {  	s2 =	sld [smem:$0x3F8A];
	s0 =	simm.s32 @p1 $0x1  }
0x15: {  	[smem:$0x3FA7] =	sst s0;
	s0 =	simm.s32 @!p2 $0x0  }
0x16: {  	s3 =	sld [smem:$0x3FDB];
	s0 =	simm.s32 @p2 $0x1  }
0x17: {  	s4 =	simm.s32 $0x1BF5;
	[smem:$0x3FA9] =	sst s0  }
0x18: {  	s0 =	sld [smem:$0x3F8C];
	_ =	swait.ge [sflag:s4], $0x0  }
0x19: {  	s7 =	sld [smem:$0x3F8D]  }
0x1a: {  	s8 =	sadd.s32 $0xFFFFE003, lr  }
0x1b: {  	s9 =	sadd.s32 $0xFFFFFEF7, lr;
	s5 =	simm.s32 $0xFFFFFFFF;
	p2 =	slt.u32 s8, $0xFFFFF086  }
0x1c: {  	p1 =	slt.u32 s9, $0xF7A;
	s5 =	simm.s32 @!p2 $0x0  }
0x1d: {  	s5 =	simm.s32 @p1 $0x1;
	p0 =	seq.s32 s7, s2  }
0x1e: {  	s7 =	smul.u32 @!p0 $0xF7A, s2;
	p2 =	seq.s32 @!p0 s5, $0x0  }
0x1f: {  	s9 =	smul.u32 $0xF7A, s1;
	s8 =	simm.s32 @!p0 $0x1BF5;
	p2 =	por !p2, p0  }
0x20: {  	[sflag:s8] =	ssyncset.s32 @!p0 $0xFFFFF086;
	s6 =	sadd.s32 @!p0 s3, s7;
	s7 =	simm.s32 @!p0 $0x108  }
0x21: {  	s3 =	sadd.s32 s3, s9;
	s6 =	sadd.s32 @!p0 $0x88, s6;
	s7 =	simm.s32 @p2 $0x1082  }
0x22: {  	[simem:s7], [sflag:s8] =	dma.local @!p0 [hbm:s6], $0xF7A  }
0x23: {  	s9 =	sor.u32 $0xD0000000, s2;
	s6 =	simm.s32 $0x108;
	_ =	swait.ge @!p0 [sflag:s8], $0x0  }
0x24: {  	s3 =	sadd.s32 $0x88, s3;
	s6 =	simm.s32 @!p1 $0x1082;
	[sflag:s4] =	ssyncset.s32 $0xFFFFF086  }
0x25: {  	[simem:s6], [sflag:s4] =	dma.local [hbm:s3], $0xF7A  }
0x26: {  	[smem:$0x3F8D] =	sst s1;
	(tag) =	ssettag s2;
	_ =	strace s9  }
0x27: {  	s1 =	sld [smem:$0x3F9D]  }
0x28: {  	s2 =	sld [smem:$0x3F9E]  }
0x29: {  	s4 =	sld [smem:$0x3FA0]  }
0x2a: {  	p0 =	seq.s32 s5, $0x0;
	s5 =	sld [smem:$0x3FA1]  }
0x2b: {  	s6 =	sld [smem:$0x3FA2]  }
0x2c: {  	s7 =	sld [smem:$0x3FA3]  }
0x2d: {  	s3 =	simm.s32 $0x108;
	s8 =	sld [smem:$0x3FA4]  }
0x2e: {  	s3 =	simm.s32 @!p0 $0x1082;
	s9 =	sld [smem:$0x3FA5]  }
0x2f: {  	lr =	sadd.s32 s0, s3;
	s0 =	sld [smem:$0x3F9C]  }
0x30: {  	s3 =	sld [smem:$0x3F9F]  }
0x31: {  	[smem:$0x3FA8] =	sst s10  }
0x32: {  	s10 =	sld [smem:$0x3FA6];
	_ =	sdelay $0x3  }
0x33: {  	p0 =	seq.s32 s10, $0x1;
	s10 =	sld [smem:$0x3FA8];
	_ =	sdelay $0x3  }
0x34: {  	[smem:$0x3FA8] =	sst s10  }
0x35: {  	s10 =	sld [smem:$0x3FA7];
	_ =	sdelay $0x3  }
0x36: {  	p1 =	seq.s32 s10, $0x1;
	s10 =	sld [smem:$0x3FA8];
	_ =	sdelay $0x3  }
0x37: {  	[smem:$0x3FA8] =	sst s10  }
0x38: {  	s10 =	sld [smem:$0x3FA9]  }
0x39: {  	_ = 	snop;
	(pc) =	sbr.ind lr, $3  }
0x3a: {  	_ = 	snop  }
0x3b: {  	_ = 	snop  }
0x3c: {  	p2 =	seq.s32 s10, $0x1;
	s10 =	sld [smem:$0x3FA8]  }
0x3d: {  	_ =	shalt  }
0x3e: {  	_ =	shalt  }
0x3f: {  	_ =	shalt  }
0x40: {  	_ =	shalt  }
0x41: {  	_ =	shalt  }
0x42: {  	_ =	shalt  }
0x43: {  	_ =	shalt  }
0x44: {  	_ =	shalt  }
0x45: {  	_ =	shalt  }
0x46: {  	_ =	shalt  }
0x47: {  	_ =	shalt  }
0x48: {  	_ =	shalt  }
0x49: {  	_ =	shalt  }
0x4a: {  	_ =	shalt  }
0x4b: {  	_ =	shalt  }
0x4c: {  	_ =	shalt  }
0x4d: {  	_ =	shalt  }
0x4e: {  	_ =	shalt  }
0x4f: {  	_ =	shalt  }
0x50: {  	_ =	shalt  }
0x51: {  	_ =	shalt  }
0x52: {  	_ =	shalt  }
0x53: {  	_ =	shalt  }
0x54: {  	_ =	shalt  }
0x55: {  	_ =	shalt  }
0x56: {  	_ =	shalt  }
0x57: {  	_ =	shalt  }
0x58: {  	_ =	shalt  }
0x59: {  	_ =	shalt  }
0x5a: {  	_ =	shalt  }
0x5b: {  	_ =	shalt  }
0x5c: {  	_ =	shalt  }
0x5d: {  	_ =	shalt  }
0x5e: {  	_ =	shalt  }
0x5f: {  	_ =	shalt  }
0x60: {  	_ =	shalt  }
0x61: {  	_ =	shalt  }
0x62: {  	_ =	shalt  }
0x63: {  	_ =	shalt  }
0x64: {  	_ =	shalt  }
0x65: {  	_ =	shalt  }
0x66: {  	_ =	shalt  }
0x67: {  	_ =	shalt  }
0x68: {  	_ =	shalt  }
0x69: {  	_ =	shalt  }
0x6a: {  	_ =	shalt  }
0x6b: {  	_ =	shalt  }
0x6c: {  	_ =	shalt  }
0x6d: {  	_ =	shalt  }
0x6e: {  	_ =	shalt  }
0x6f: {  	_ =	shalt  }
0x70: {  	_ =	shalt  }
0x71: {  	_ =	shalt  }
0x72: {  	_ =	shalt  }
0x73: {  	_ =	shalt  }
0x74: {  	_ =	shalt  }
0x75: {  	_ =	shalt  }
0x76: {  	_ =	shalt  }
0x77: {  	_ =	shalt  }
0x78: {  	_ =	shalt  }
0x79: {  	_ =	shalt  }
0x7a: {  	_ =	shalt  }
0x7b: {  	_ =	shalt  }
0x7c: {  	_ =	shalt  }
0x7d: {  	_ =	shalt  }
0x7e: {  	_ =	shalt  }
0x7f: {  	_ =	shalt  }
0x80: {  	_ =	shalt  }
0x81: {  	_ =	shalt  }
0x82: {  	_ =	shalt  }
0x83: {  	_ =	shalt  }
0x84: {  	_ =	shalt  }
0x85: {  	_ =	shalt  }
0x86: {  	_ =	shalt  }
0x87: {  	_ =	shalt  }
.Lfunc_end0:
.L_simem_size_0:
called_computation_lowered:
.L_overlay_start_0:
0x88: {  	s2 =	sld [smem:$0x3FD9]  }
0x89: {  	s3 =	sld [smem:$0x3FFE];
	_ =	sdelay $0x1  }
0x8a: {  	s1 =	srdreg.scid  }
0x8b: {  	s0 =	sand.u32 $0x1, s1  }
0x8c: {  	s17 =	sshll.u32 s0, $0xA;
	s2 =	sadd.s32 s3, s2  }
0x8d: {  	s2 =	sadd.s32 s2, s17  }
0x8e: {  	[smem:$0x3FB4] =	sst s2  }
0x8f: {  	_ = 	snop  }
0x90: {  	s2 =	sld [smem:$0x3FB6]  }
0x91: {  	s18 =	sld [smem:$0x3FD0];
	(tm) =	ssettm $0x1  }
0x92: {  	s4 =	sld [smem:$0x3FFB];
	_ =	sdelay $0x3  }
0x93: {  	_ =	strace s4  }
0x94: {  	s4 =	sld [smem:$0x3FFC];
	_ =	sdelay $0x3  }
0x95: {  	_ =	strace s4  }
0x96: {  	s4 =	sld [smem:$0x3FFD];
	_ =	sdelay $0x3  }
0x97: {  	_ =	strace s4  }
0x98: {  	_ =	strace $0x8FFFFFFF  }
0x99: {  	s19 =	sld [smem:$0x3FDB];
	_ =	sdelay $0x1  }
0x9a: {  	s5 =	simm.s32 $_scs_section_size  }
0x9b: {  	s6 =	simm.s32 $_size__tile_overlayer_lowered;
	s7 =	simm.s32 $_tile_overlayer_lowered  }
0x9c: {  	s22 =	simm.s32 $0x1BFF;
	s21 =	sshll.u32 s7, $0x1;
	s4 =	sadd.s32 s5, s19  }
0x9d: {  	s8 =	simm.s32 $0x0;
	s20 =	sshll.u32 s6, $0x1;
	s6 =	sadd.s32 s21, s4  }
0x9e: {  	[timem:s8], [sflag:s22] =	dma.local [hbm:s6], s20  }
0x9f: {  	_ =	swait.ge [sflag:s22], s20  }
0xa0: {  	s5 =	ssub.s32 $0x0, s20;
	[sflag:s22] =	ssyncset.done $0x0  }
0xa1: {  	[sflag:s22] =	ssyncadd.s32 s5;
	_ =	sdelay $0x1  }
0xa2: {  	s23 =	simm.s32 $0x1B8B  }
0xa3: {  	_ =	swait.ge [sflag:s23], $0x1  }
0xa4: {  	[sflag:s23] =	ssyncset.done $0x0  }
0xa5: {  	s25 =	simm.s32 $0x1B8E;
	s24 =	sld [smem:$0x3FFE];
	[sflag:s23] =	ssyncadd.s32 $0xFFFFFFFF  }
0xa6: {  	s26 =	simm.s32 $execute0_lowered;
	[smem:$0x3FD2] =	sst s25  }
0xa7: {  	s6 =	sshll.u32 s26, $0x1;
	_ =	strace $0x80000046;
	[dreg:$0x1] =	wrdreg $0xFFFFFFFF  }
0xa8: {  	s28 =	simm.s32 $_size_execute0_lowered;
	s4 =	sadd.s32 s4, s6;
	[dreg:$0x0] =	wrdreg $0x0  }
0xa9: {  	s6 =	sshll.u32 s28, $0x1;
	[dreg:$0x2] =	wrdreg s4  }
0xaa: {  	[dreg:$0x3] =	wrdreg s6  }
0xab: {  	[dreg:$0x4] =	wrdreg $0xC0  }
0xac: {  	_ =	task [dreg:s8], $0x5FFFF  }
0xad: {  	[dreg:$0x1] =	wrdreg $0xFFFFFFFF  }
0xae: {  	[dreg:$0x0] =	wrdreg $0x60  }
0xaf: {  	[dreg:$0x2] =	wrdreg s18  }
0xb0: {  	[dreg:$0x3] =	wrdreg s24  }
0xb1: {  	[dreg:$0x4] =	wrdreg s2  }
0xb2: {  	[dreg:$0x5] =	wrdreg $0x9  }
0xb3: {  	_ =	task.clear_ibuf [dreg:s8], $0x6FFFF;
	_ =	strace $0x90000046  }
0xb4: {  	s29 =	simm.s32 $0x9;
	_ =	strace $0x80000048  }
0xb5: {  	_ =	swait.ge [sflag:s29], $0x1  }
0xb6: {  	[sflag:s29] =	ssyncadd.s32 $0xFFFFFFFF  }
0xb7: {  	_ =	strace $0x90000048  }
0xb8: {  	_ =	sfence  }
0xb9: {  	s30 =	sld [smem:$0x0];
	_ =	sdelay $0x2  }
0xba: {  	s31 =	sshll.u32 s1, $0xD;
	s1 =	sshrl.u32 s1, $0x2  }
0xbb: {  	s3 =	sand.u32 $0x4000, s31;
	s1 =	sadd.s32 s1, s30  }
0xbc: {  	s0 =	sor.u32 s3, s0;
	s1 =	sshll.u32 s1, $0x11  }
0xbd: {  	s0 =	sor.u32 s1, s0  }
0xbe: {  	s0 =	sadd.s32 $0x8F2B, s0  }
0xbf: {  	[sflag:s0] =	ssyncadd.remote.s32 $0x1  }
0xc0: {  	_ =	sfence.sel $0xFFFF  }
0xc1: {  	[dreg:$0x0] =	wrdreg $0xFFFFFFFF;
	(pc) =	sbr.abs _section_cstart, $3  }
0xc2: {  	[dreg:$0x1] =	wrdreg $0xFFFFFFFF  }
0xc3: {  	_ =	task.clear_ibuf [dreg:s8], $0x2FFFF;
	_ =	strace $0x9FFFFFFF  }
0xc4: {  	(tm) =	ssettm $0x7FFFFFFF  }
0xc5: {  	_ =	shalt  }
tec
execute0_lowered:
.L_overlay_start_1:
0x0: {  	(tag) =	ssettag $0x1  }
0x1: {  	s4 =	rddreg [dreg:$0x0]  }
0x2: {  	s0 =	stileid.u32;
	s5 =	rddreg [dreg:$0x1]  }
0x3: {  	s1 =	srdreg.scid;
	s6 =	rddreg [dreg:$0x2];
	s15 =	simm.s32 $0x2  }
0x4: {  	s2 =	sshll.u32 s0, $0x1;
	s7 =	sand.u32 $0x1, s1;
	s8 =	sshrl.u32 s0, $0x1  }
0x5: {  	s1 =	rddreg [dreg:$0x3];
	s2 =	sand.u32 $0x2, s2;
	s9 =	smul.u32 $0x186A0, s8  }
0x6: {  	s8 =	sshll.u32 s8, $0x3;
	s3 =	sor.u32 s7, s2;
	s2 =	simm.s32 $0x0  }
0x7: {  	s10 =	sadd.s32 s8, s5;
	s7 =	ssub.s32 $0x2, s7;
	s13 =	smul.u32 $0x61A8, s3  }
0x8: {  	[smem:$0x7FF] =	sst s2;
	s3 =	sadd.s32 $0x2E00, s5;
	s11 =	sshrl.u32 s7, $0x1  }
0x9: {  	_ =	strace $0x80000047;
	s11 =	ssub.s32 s7, s11;
	s9 =	sadd.s32 s9, s13  }
0xa: {  	s12 =	sshrl.u32 s13, $0x3;
	s14 =	sadd.s32 $0x61A8, s13;
	v0 =	vmov s13;
	s13 =	simm.s32 $0x6300  }
0xb: {  	s9 =	sshrl.u32 s9, $0x3;
	s4 =	sadd.s32 s4, s12;
	s12 =	simm.s32 $0x40  }
0xc: {  	v1 =	vmov s14;
	s14 =	simm.s32 $0x1;
	s9 =	sadd.s32 s9, s5;
	s5 =	sadd.s32 s6, s8  }
0xd: {  	v2 =	vlaneseq.u32;
	s6 =	sadd.s32 $0x6000, s10;
	s8 =	smax.u32 s11, $0x1;
	s10 =	simm.s32 $0x3  }
0xe: {  	v2 =	vadd.s32 $0x61A8, v2;
	s11 =	simm.s32 $0x6280;
	s7 =	sadd.s32 $0x6200, s9;
	s9 =	simm.s32 $0x6200  }
.LBB2_1:
0xf: {  	[tilespmem:s2], [sflag:$0x2] =	stream.linear.gather [hbm4b:s4+s2], $0x61A8, $0x38;
	[tilespmem:$0x6380] =	vst v63  }
0x10: {  	_ = 	snop  }
0x11: {  	[tilespmem:s9], [sflag:$0x3] =	stream.linear.gather [hbm4b:s5+s2], $0x40, $0x38;
	[tilespmem:$0x6380] =	vst v63  }
0x12: {  	_ =	swait.ge [sflag:s10], $0x40  }
0x13: {  	[sflag:s10] =	ssyncset.done $0x0  }
0x14: {  	[sflag:s10] =	ssyncadd.s32 $0xFFFFFFC0  }
0x15: {  	[tilespmem:s11], [sflag:$0x3] =	stream.linear.gather [hbm4b:s6+s2], $0x40, $0x38;
	[tilespmem:$0x6380] =	vst v63  }
0x16: {  	_ =	swait.ge [sflag:s10], $0x40  }
0x17: {  	[sflag:s10] =	ssyncset.done $0x0  }
0x18: {  	[sflag:s10] =	ssyncadd.s32 $0xFFFFFFC0  }
0x19: {  	[tilespmem:s13], [sflag:$0x1] =	stream.indirect.gather [hbm4b:s3+s12], $0x1, s9, s12, $0xb8;
	[tilespmem:$0x6380] =	vst v63  }
0x1a: {  	_ =	swait.ge [sflag:s14], $0x40  }
0x1b: {  	[sflag:s14] =	ssyncset.done $0x0  }
0x1c: {  	[sflag:s14] =	ssyncadd.s32 $0xFFFFFFC0  }
0x1d: {  	_ =	swait.ge [sflag:s15], $0x61A8  }
0x1e: {  	[sflag:s15] =	ssyncset.done $0x0  }
0x1f: {  	[sflag:s15] =	ssyncadd.s32 $0xFFFF9E58  }
0x20: {  	v3 =	vld [tilespmem:$0x6200];
	_ =	sdelay $0x4  }
0x21: {  	vm0 =	vge.s32 v3, v0;
	vm1 =	vlt.s32 v3, v1  }
0x22: {  	v3 =	vsub.s32 v3, v0;
	vm0 =	vmand vm0, vm1  }
0x23: {  	v4 =	vnsel vm0, $0x0, v3;
	_ =	sdelay $0x3  }
0x24: {  	v5 =	vld [tilespmem:$0x6280]  }
0x25: {  	v4 =	vld.idx.msk [tilespmem:v4+s2+$0x0], $0xffff;
	_ =	sdelay $0x1  }
0x26: {  	v6 =	vld [tilespmem:$0x6300];
	_ =	sdelay $0x2  }
0x27: {  	v5 =	vsub.f32 v5, v4  }
0x28: {  	v3 =	vsel vm0, v3, v2  }
0x29: {  	v5 =	vmul.f32 v5, v6;
	_ =	sdelay $0x1  }
0x2a: {  	v4 =	vadd.f32 v5, v4;
	_ =	sdelay $0x1  }
0x2b: {  	[tilespmem:v3+s2+$0x0] =	vst.idx.msk $0xffff, v4  }
0x2c: {  	v3 =	vld [tilespmem:$0x6210];
	_ =	sdelay $0x4  }
0x2d: {  	vm10 =	vge.s32 v3, v0;
	vm11 =	vlt.s32 v3, v1  }
0x2e: {  	v3 =	vsub.s32 v3, v0;
	vm0 =	vmand vm10, vm11  }
0x2f: {  	v55 =	vnsel vm0, $0x0, v3;
	_ =	sdelay $0x3  }
0x30: {  	v56 =	vld [tilespmem:$0x6290]  }
0x31: {  	v4 =	vld.idx.msk [tilespmem:v55+s2+$0x0], $0xffff;
	_ =	sdelay $0x1  }
0x32: {  	v57 =	vld [tilespmem:$0x6310];
	_ =	sdelay $0x2  }
0x33: {  	v5 =	vsub.f32 v56, v4  }
0x34: {  	v3 =	vsel vm0, v3, v2  }
0x35: {  	v5 =	vmul.f32 v5, v57;
	_ =	sdelay $0x1  }
0x36: {  	v4 =	vadd.f32 v5, v4;
	_ =	sdelay $0x1  }
0x37: {  	[tilespmem:v3+s2+$0x0] =	vst.idx.msk $0xffff, v4  }
0x38: {  	v3 =	vld [tilespmem:$0x6220];
	_ =	sdelay $0x4  }
0x39: {  	vm12 =	vge.s32 v3, v0;
	vm13 =	vlt.s32 v3, v1  }
0x3a: {  	v3 =	vsub.s32 v3, v0;
	vm0 =	vmand vm12, vm13  }
0x3b: {  	v58 =	vnsel vm0, $0x0, v3;
	_ =	sdelay $0x3  }
0x3c: {  	v59 =	vld [tilespmem:$0x62A0]  }
0x3d: {  	v4 =	vld.idx.msk [tilespmem:v58+s2+$0x0], $0xffff;
	_ =	sdelay $0x1  }
0x3e: {  	v60 =	vld [tilespmem:$0x6320];
	_ =	sdelay $0x2  }
0x3f: {  	v5 =	vsub.f32 v59, v4  }
0x40: {  	v3 =	vsel vm0, v3, v2  }
0x41: {  	v5 =	vmul.f32 v5, v60;
	_ =	sdelay $0x1  }
0x42: {  	v4 =	vadd.f32 v5, v4;
	_ =	sdelay $0x1  }
0x43: {  	[tilespmem:v3+s2+$0x0] =	vst.idx.msk $0xffff, v4  }
0x44: {  	v3 =	vld [tilespmem:$0x6230];
	_ =	sdelay $0x4  }
0x45: {  	vm14 =	vge.s32 v3, v0;
	vm15 =	vlt.s32 v3, v1  }
0x46: {  	v3 =	vsub.s32 v3, v0;
	vm0 =	vmand vm14, vm15  }
0x47: {  	v61 =	vnsel vm0, $0x0, v3;
	_ =	sdelay $0x3  }
0x48: {  	v62 =	vld [tilespmem:$0x62B0]  }
0x49: {  	v4 =	vld.idx.msk [tilespmem:v61+s2+$0x0], $0xffff;
	_ =	sdelay $0x1  }
0x4a: {  	v63 =	vld [tilespmem:$0x6330];
	_ =	sdelay $0x2  }
0x4b: {  	v5 =	vsub.f32 v62, v4  }
0x4c: {  	v3 =	vsel vm0, v3, v2  }
0x4d: {  	v5 =	vmul.f32 v5, v63;
	_ =	sdelay $0x1  }
0x4e: {  	v4 =	vadd.f32 v5, v4  }
0x4f: {  	p0 =	sne.s32 s8, $0x1  }
.Ltmp0:
0x50: {  	[tilespmem:v3+s2+$0x0] =	vst.idx.msk $0xffff, v4;
	(pc) =	sbr.rel @p0 .LBB2_1-.Ltmp0, $4  }
0x51: {  	[hbm4b:s7+s2] =	stream.linear.scatter [tilespmem:s2], [sflag:$0x3], $0x61A8, $0x38;
	[tilespmem:$0x6380] =	vst v63  }
0x52: {  	_ =	swait.ge [sflag:s10], $0x61A8  }
0x53: {  	[sflag:s10] =	ssyncset.done $0x0  }
0x54: {  	s8 =	sadd.s32 $0xFFFFFFFF, s8;
	[sflag:s10] =	ssyncadd.s32 $0xFFFF9E58  }
0x55: {  	_ =	sfence.sel $0x180000  }
0x56: {  	[bflag:$0x0] =	sbarrier.arrive $0xFFFF  }
0x57: {  	p0 =	sne.s32 s0, $0x0;
	_ =	strace $0x90000047  }
0x58: {  	s0 =	sadd.s32 @!p0 $0x100000, s1;
	[bflag:$0x2] =	sbarrier.arrive $0xFFFF  }
0x59: {  	[sflag:s0] =	ssyncadd.tile.s32 @!p0 $0x1;
	_ =	shalt  }
.Lfunc_end2:
_tile_overlayer_lowered:
.L_overlay_start_2:
0x5a: {  	(tag) =	ssettag $0x2  }
0x5b: {  	s0 =	rddreg [dreg:$0x0];
	s2 =	stileid.u32  }
0x5c: {  	s1 =	rddreg [dreg:$0x1];
	p0 =	sne.s32 s2, $0x0  }
0x5d: {  	s3 =	rddreg [dreg:$0x2];
	[bflag:$0x3] =	sbarrier.arrive $0xFFFF;
	s2 =	simm.s32 @!p0 $0x1C03  }
0x5e: {  	[timem:s3], [sflag:s2] =	dma.local @!p0 [hbm:s0], s1  }
0x5f: {  	s0 =	simm.s32 @!p0 $0x3  }
0x60: {  	_ =	swait.ge @!p0 [sflag:s0], s1  }
0x61: {  	s1 =	ssub.s32 @!p0 $0x0, s1;
	[sflag:s0] =	ssyncset.done @!p0 $0x0  }
0x62: {  	[sflag:s0] =	ssyncadd.s32 @!p0 s1  }
0x63: {  	[bflag:$0x3] =	sbarrier.arrive $0xFFFF  }
0x64: {  	_ =	shalt  }

</sc_bundles>
